<compile_context>
chip_gen: v7x
topology: tpu7x:2x2x1
jax: 0.10.2.dev20260603
libtpu: 0.0.44.dev20260713+nightly
codegen_flags: <defaults>
</compile_context>

<pallas_src>
import functools

import jax
import jax.numpy as jnp
from jax import lax
from jax.experimental import pallas as pl
from jax.experimental.pallas import tpu as pltpu
from jax.experimental.pallas import tpu_sc as plsc

_N = 4096
_NPOINT = 512
_R2 = 0.25
_BIG = 1e10
_PREC = lax.Precision.DEFAULT
_TB = 128
_B = 2
_NSUB = 16
_CH = _N // _NSUB
_L = 16
_OPS = _NPOINT // _NSUB


def _density_body(p_ref, pt_ref, aapc_ref, aapr_ref, w_ref):
    f32 = jnp.float32
    for b in range(_B):
        pt = pt_ref[b]
        aapr = aapr_ref[b]
        cnt = jnp.zeros((1, _N), f32)
        for j in range(_N // _TB):
            pblk = p_ref[b, pl.ds(j * _TB, _TB), :]
            aac = aapc_ref[b, pl.ds(j * _TB, _TB), :]
            ab = jnp.dot(pblk, pt, precision=_PREC)
            sq = (aac + aapr) - 2.0 * ab
            cnt = cnt + jnp.sum((sq < _R2).astype(f32), axis=0, keepdims=True)
        w_ref[b] = 1.0 / cnt


def _ffps_body(x_ref, xt_ref, aafc_ref, aafr_ref, out_ref):
    f32 = jnp.float32
    i32 = jnp.int32
    iota = lax.broadcasted_iota(i32, (1, _N), 1)
    iota_out = lax.broadcasted_iota(i32, (1, _NPOINT), 1)

    def argmax_first(v):
        mx = jnp.max(v)
        return jnp.min(jnp.where(v == mx, iota, _N)).astype(i32)

    def step(t, carry):
        mf, lf, acc = carry
        nmf, nlf, nacc = [], [], []
        for b in range(_B):
            xl = x_ref[b, pl.ds(lf[b], 1), :]
            aal = aafc_ref[b, pl.ds(lf[b], 1), :]
            ab = jnp.dot(xl, xt_ref[b], precision=_PREC)
            d = (aafr_ref[b] + aal) - 2.0 * ab
            mfb = jnp.minimum(mf[b], d)
            nxf = argmax_first(mfb)
            nmf.append(mfb)
            nlf.append(nxf)
            nacc.append(jnp.where(iota_out == (t + 1), nxf, acc[b]))
        return nmf, nlf, nacc

    mind0 = jnp.full((1, _N), _BIG, f32)
    acc0 = jnp.zeros((1, _NPOINT), i32)
    zero = jnp.int32(0)
    _, _, acc = lax.fori_loop(0, _NPOINT - 1, step,
                              ([mind0] * _B, [zero] * _B, [acc0] * _B))
    for b in range(_B):
        out_ref[b] = acc[b]


def _dfps_sc_body(pt_hbm, w_hbm, out_hbm, px_v, py_v, pz_v, wv_v, mind_v,
                  pub_v, gat_v, tmp_v, myout_v, shared, shared_out):
    f32 = jnp.float32
    i32 = jnp.int32
    cid = lax.axis_index("c")
    sid = lax.axis_index("s")
    base = sid * _CH
    cbase = cid * (3 * _N)
    iota = lax.broadcasted_iota(i32, (_L,), 0)
    tz = jnp.minimum(sid, 0)

    def splat_i(x):
        return jnp.zeros((_L,), i32) + x + tz

    pltpu.sync_copy(pt_hbm.at[pl.ds(cbase + 0 * _N + base, _CH)],
                    px_v.at[pl.ds(8, _CH)])
    pltpu.sync_copy(pt_hbm.at[pl.ds(cbase + 1 * _N + base, _CH)],
                    py_v.at[pl.ds(8, _CH)])
    pltpu.sync_copy(pt_hbm.at[pl.ds(cbase + 2 * _N + base, _CH)],
                    pz_v.at[pl.ds(8, _CH)])
    pltpu.sync_copy(w_hbm.at[pl.ds(cid * _N + base, _CH)],
                    wv_v.at[pl.ds(8, _CH)])
    for v in range(_CH // _L):
        mind_v[pl.ds(v * _L, _L)] = jnp.full((_L,), _BIG, f32)
    lp0 = []
    for c in range(3):
        pltpu.sync_copy(pt_hbm.at[pl.ds(cbase + c * _N, _L)],
                        tmp_v.at[pl.ds(_L, _L)])
        lp0.append(plsc.load_gather(tmp_v, [splat_i(_L)]))
    lpx0, lpy0, lpz0 = lp0

    def sortkey(x):
        b = plsc.bitcast(x, jnp.int32)
        b = jnp.where(x != x, jnp.int32(0x7FC00000), b)
        return b ^ ((b >> 31) & jnp.int32(0x7FFFFFFF))

    def step(t, carry):
        lpx, lpy, lpz, o0, o1 = carry
        bestk = jnp.full((_L,), jnp.iinfo(jnp.int32).min, i32)
        besti = jnp.zeros((_L,), i32)
        for v in range(_CH // _L):
            sl = pl.ds(v * _L, _L)
            sl8 = pl.ds(8 + v * _L, _L)
            d = (jnp.abs(px_v[sl8] - lpx)
                 + jnp.abs(py_v[sl8] - lpy)) + jnp.abs(pz_v[sl8] - lpz)
            m = jnp.minimum(mind_v[sl], d)
            mind_v[sl] = m
            key = sortkey(m * wv_v[sl8])
            upd = key > bestk
            bestk = jnp.where(upd, key, bestk)
            besti = jnp.where(upd, base + (v * _L) + iota, besti)
        mk = jnp.max(bestk)
        iloc = jnp.min(jnp.where(bestk == mk, besti, _N))
        mkf = plsc.bitcast(jnp.zeros((_L,), i32) + mk, f32)
        offs = splat_i(8 + (iloc - base))
        cx = plsc.load_gather(px_v, [offs])
        cy = plsc.load_gather(py_v, [offs])
        cz = plsc.load_gather(pz_v, [offs])
        pub = jnp.where(iota == 1, mkf, 0.0)
        pub = jnp.where(iota == 2, iloc.astype(f32), pub)
        pub = jnp.where(iota == 3, cx, pub)
        pub = jnp.where(iota == 4, cy, pub)
        pub = jnp.where(iota == 5, cz, pub)
        pub_v[...] = pub
        half = (t % 2) * (_NSUB * _L)
        pltpu.sync_copy(pub_v, shared.at[pl.ds(half + sid * _L, _L)])
        plsc.subcore_barrier()
        pltpu.sync_copy(shared.at[pl.ds(half, _NSUB * _L)], gat_v)
        vals = plsc.bitcast(plsc.load_gather(gat_v, [iota * _L + 1 + tz]),
                            jnp.int32)
        idxs = plsc.load_gather(gat_v, [iota * _L + 2 + tz])
        gm = jnp.max(vals)
        win_f = jnp.min(jnp.where(vals == gm, idxs, float(_N)))
        rw = jnp.min(jnp.where((vals == gm) & (idxs == win_f), iota, _L))
        win = win_f.astype(i32)
        nlpx = plsc.load_gather(gat_v, [splat_i(rw * _L + 3)])
        nlpy = plsc.load_gather(gat_v, [splat_i(rw * _L + 4)])
        nlpz = plsc.load_gather(gat_v, [splat_i(rw * _L + 5)])
        pos = (t + 1) - sid * _OPS
        o0 = jnp.where(iota == pos, win, o0)
        o1 = jnp.where(iota == (pos - _L), win, o1)
        return nlpx, nlpy, nlpz, o0, o1

    zo = jnp.zeros((_L,), i32)
    _, _, _, o0, o1 = lax.fori_loop(
        0, _NPOINT - 1, step, (lpx0, lpy0, lpz0, zo, zo))
    myout_v[pl.ds(0, _L)] = o0
    myout_v[pl.ds(_L, _L)] = o1
    pltpu.sync_copy(myout_v, shared_out.at[pl.ds(sid * 2 * _L, 2 * _L)])
    plsc.subcore_barrier()

    @pl.when(sid == 0)
    def _():
        pltpu.sync_copy(shared_out, out_hbm.at[pl.ds(cid * _NPOINT, _NPOINT)])


def _dfps_sc(pt, w):
    f32 = jnp.float32
    i32 = jnp.int32
    mesh = plsc.VectorSubcoreMesh(core_axis_name="c", subcore_axis_name="s")
    kern = functools.partial(
        pl.kernel,
        mesh=mesh,
        compiler_params=pltpu.CompilerParams(needs_layout_passes=False),
        out_type=jax.ShapeDtypeStruct((_B * _NPOINT,), i32),
        scratch_types=[
            pltpu.VMEM((_CH + 16,), f32),
            pltpu.VMEM((_CH + 16,), f32),
            pltpu.VMEM((_CH + 16,), f32),
            pltpu.VMEM((_CH + 16,), f32),
            pltpu.VMEM((_CH,), f32),
            pltpu.VMEM((_L,), f32),
            pltpu.VMEM((_NSUB * _L,), f32),
            pltpu.VMEM((2 * _L,), f32),
            pltpu.VMEM((2 * _L,), i32),
            pltpu.VMEM_SHARED((2 * _NSUB * _L,), f32),
            pltpu.VMEM_SHARED((_NSUB * 2 * _L,), i32),
        ],
    )(_dfps_sc_body)
    return kern(pt.reshape(-1), w.reshape(-1)).reshape(_B, _NPOINT)


def kernel(points, features, npoint):
    B, N, _ = points.shape
    f32 = jnp.float32
    ffps = jnp.concatenate([points, jnp.swapaxes(features, 1, 2)], axis=2)
    aaf = jnp.sum(ffps * ffps, axis=-1, keepdims=True)
    aap = jnp.sum(points * points, axis=-1, keepdims=True)
    xt = jnp.swapaxes(ffps, 1, 2)
    pt = jnp.swapaxes(points, 1, 2)
    aaf_row = jnp.swapaxes(aaf, 1, 2)
    aap_row = jnp.swapaxes(aap, 1, 2)

    weight = pl.pallas_call(
        _density_body,
        out_shape=jax.ShapeDtypeStruct((B, 1, _N), f32),
    )(points.astype(f32), pt.astype(f32), aap.astype(f32),
      aap_row.astype(f32))

    idx_d = _dfps_sc(pt.astype(f32), weight.reshape(B, _N))

    idx_f = pl.pallas_call(
        _ffps_body,
        out_shape=jax.ShapeDtypeStruct((B, 1, _NPOINT), jnp.int32),
    )(ffps.astype(f32), xt.astype(f32), aaf.astype(f32),
      aaf_row.astype(f32)).reshape(B, _NPOINT)

    return jnp.concatenate([idx_f, idx_d], axis=1)

# --- scband reference (transcript-rebuilt; emitter-appended) ---
"""Pipeline reference for scband-fs-sampler-54898271977793 (READ-ONLY COPY).

The authoritative reference and input builder live on the scoring server;
editing this copy changes nothing except your own understanding.
"""

import jax, jax.numpy as jnp
import numpy as np

MANHATTAN_WEIGHTS = [1.0, 1.0, 1.0]
R = 0.5
ALPHA = 1.0


def calc_square_dist(a, b, norm=False):
    # a: [B, N, C], b: [B, M, C] -> [B, N, M]
    n_channels = a.shape[-1]
    aa = jnp.sum(a * a, axis=-1, keepdims=True)          # [B, N, 1]
    bb = jnp.sum(b * b, axis=-1, keepdims=True)          # [B, M, 1]
    ab = jnp.einsum('bnc,bmc->bnm', a, b)                # [B, N, M]
    dist = aa + jnp.swapaxes(bb, 1, 2) - 2.0 * ab
    if norm:
        dist = dist / n_channels
    return dist


def furthest_point_sample_with_dist(dist, npoint):
    # dist: [B, N, N] precomputed square distances
    B, N, _ = dist.shape
    barange = jnp.arange(B)
    start = jnp.zeros((B,), dtype=jnp.int32)
    min_d0 = jnp.full((B, N), 1e10, dtype=dist.dtype)

    def body(carry, _):
        min_d, last = carry
        d = dist[barange, last]                # [B, N] gather row of last selected
        min_d = jnp.minimum(min_d, d)
        nxt = jnp.argmax(min_d, axis=1).astype(jnp.int32)
        return (min_d, nxt), nxt

    (_, _), rest = jax.lax.scan(body, (min_d0, start), None, length=npoint - 1)
    return jnp.concatenate([start[:, None], jnp.swapaxes(rest, 0, 1)], axis=1)


def density_and_manhattan_meanwhile_furthest_point_sample(points, npoint, r, manhattan_weights, alpha):
    # points: [B, N, 3]
    B, N, _ = points.shape
    barange = jnp.arange(B)
    # local density: number of neighbors within radius r (squared euclidean)
    sq = calc_square_dist(points, points, norm=False)          # [B, N, N]
    density = jnp.sum((sq < r * r).astype(points.dtype), axis=-1)   # [B, N]
    density_weight = 1.0 / jnp.power(density, alpha)            # low-density points favored
    w = jnp.asarray(manhattan_weights, dtype=points.dtype)      # [3]

    start = jnp.zeros((B,), dtype=jnp.int32)
    min_d0 = jnp.full((B, N), 1e10, dtype=points.dtype)

    def body(carry, _):
        min_d, last = carry
        lp = points[barange, last]                               # [B, 3]
        d = jnp.sum(w * jnp.abs(points - lp[:, None, :]), axis=-1)  # weighted manhattan [B, N]
        min_d = jnp.minimum(min_d, d)
        nxt = jnp.argmax(min_d * density_weight, axis=1).astype(jnp.int32)
        return (min_d, nxt), nxt

    (_, _), rest = jax.lax.scan(body, (min_d0, start), None, length=npoint - 1)
    return jnp.concatenate([start[:, None], jnp.swapaxes(rest, 0, 1)], axis=1)


def setup_inputs(seed: int = 0) -> dict:
    key = jax.random.key(seed)
    k1, k2 = jax.random.split(key)
    points = jax.random.normal(k1, (2, 4096, 3), dtype=jnp.float32)
    features = jax.random.normal(k2, (2, 16, 4096), dtype=jnp.float32)
    return {"points": points, "features": features, "npoint": 512}


def reference(points, features, npoint):
    npoint_static = 512
    features_for_fps = jnp.concatenate([points, jnp.swapaxes(features, 1, 2)], axis=2)  # [B, N, 3+C]
    features_dist = calc_square_dist(features_for_fps, features_for_fps, norm=False)
    fps_idx_ffps = furthest_point_sample_with_dist(features_dist, npoint_static)
    fps_idx_dfps = density_and_manhattan_meanwhile_furthest_point_sample(points, npoint_static, R, MANHATTAN_WEIGHTS, ALPHA)
    fps_idx = jnp.concatenate([fps_idx_ffps, fps_idx_dfps], axis=1)
    return fps_idx + jnp.asarray(npoint, dtype=jnp.int32) * 0

if __name__ == "__main__":
    import jax
    _d = setup_inputs()
    print(jax.jit(kernel)(*tuple(_d.values())))

</pallas_src>

<mosaic_0001>
#map = affine_map<(d0, d1) -> (0)>
module attributes {stable_mosaic.version = 14 : i64} {
  func.func @_dfps_sc_body(%arg0: i32, %arg1: i32, %arg2: memref<24576xf32, #tpu.memory_space<hbm>>, %arg3: memref<8192xf32, #tpu.memory_space<hbm>>, %arg4: memref<1024xi32, #tpu.memory_space<hbm>>, %arg5: memref<272xf32, #tpu.memory_space<vmem>>, %arg6: memref<272xf32, #tpu.memory_space<vmem>>, %arg7: memref<272xf32, #tpu.memory_space<vmem>>, %arg8: memref<272xf32, #tpu.memory_space<vmem>>, %arg9: memref<256xf32, #tpu.memory_space<vmem>>, %arg10: memref<16xf32, #tpu.memory_space<vmem>>, %arg11: memref<256xf32, #tpu.memory_space<vmem>>, %arg12: memref<32xf32, #tpu.memory_space<vmem>>, %arg13: memref<32xi32, #tpu.memory_space<vmem>>, %arg14: memref<512xf32, #tpu.memory_space<vmem_shared>>, %arg15: memref<512xi32, #tpu.memory_space<vmem_shared>>) attributes {dimension_semantics = [#tpu.dimension_semantics<core_parallel>, #tpu.dimension_semantics<subcore_parallel>], iteration_bounds = array<i64: 2, 16>, scalar_prefetch = 0 : i64, scratch_operands = 11 : i64, tpu.core_type = #tpu.core_type<sc_vector_subcore>, window_params = [{transform_indices = #map}, {transform_indices = #map}, {transform_indices = #map}]} {
    %mul3A = arith.constant 256 : i32
    %mul3A_0 = arith.muli %arg1, %mul3A : i32
    %mul3A_1 = arith.constant 12288 : i32
    %mul3A_2 = arith.muli %arg0, %mul3A_1 : i32
    %iota3A = tpu.iota {dimensions = array<i32: 0>} : vector<16xi32>
    %min3A = arith.constant 0 : i32
    %min3A_3 = arith.minsi %arg1, %min3A : i32
    %add3A = arith.constant 0 : i32
    %add3A_4 = arith.addi %mul3A_2, %add3A : i32
    %add3A_5 = arith.addi %add3A_4, %mul3A_0 : i32
    "tpu.region"() ({
      %run_scoped3A = tpu.sem_alloc : memref<!tpu.dma_semaphore, #tpu.memory_space<semaphore_mem>>
      %dma_start3A = arith.constant 8 : i32
      %dma_start3A_123 = tpu.memref_slice %arg5[%dma_start3A] : memref<272xf32, #tpu.memory_space<vmem>> -> memref<256xf32, #tpu.memory_space<vmem>>
      %dma_start3A_124 = tpu.memref_slice %arg2[%add3A_5] : memref<24576xf32, #tpu.memory_space<hbm>> -> memref<256xf32, #tpu.memory_space<hbm>>
      %dma_start3A_125 = arith.constant 8 : i32
      %dma_start3A_126 = tpu.memref_slice %arg5[%dma_start3A_125] : memref<272xf32, #tpu.memory_space<vmem>> -> memref<256xf32, #tpu.memory_space<vmem>>
      %dma_start3A_127 = tpu.memref_slice %arg2[%add3A_5] : memref<24576xf32, #tpu.memory_space<hbm>> -> memref<256xf32, #tpu.memory_space<hbm>>
      tpu.enqueue_dma source(%dma_start3A_127 : memref<256xf32, #tpu.memory_space<hbm>>) target(%dma_start3A_126 : memref<256xf32, #tpu.memory_space<vmem>>) target_semaphore(%run_scoped3A : memref<!tpu.dma_semaphore, #tpu.memory_space<semaphore_mem>>)
      %dma_wait3A = arith.constant 8 : i32
      %dma_wait3A_128 = tpu.memref_slice %arg5[%dma_wait3A] : memref<272xf32, #tpu.memory_space<vmem>> -> memref<256xf32, #tpu.memory_space<vmem>>
      %dma_wait3A_129 = tpu.memref_slice %arg2[%add3A_5] : memref<24576xf32, #tpu.memory_space<hbm>> -> memref<256xf32, #tpu.memory_space<hbm>>
      %dma_wait3A_130 = arith.constant 8 : i32
      %dma_wait3A_131 = tpu.memref_slice %arg5[%dma_wait3A_130] : memref<272xf32, #tpu.memory_space<vmem>> -> memref<256xf32, #tpu.memory_space<vmem>>
      %dma_wait3A_132 = tpu.memref_slice %arg2[%add3A_5] : memref<24576xf32, #tpu.memory_space<hbm>> -> memref<256xf32, #tpu.memory_space<hbm>>
      tpu.wait_dma2 semaphore(%run_scoped3A : memref<!tpu.dma_semaphore, #tpu.memory_space<semaphore_mem>>) src(%dma_wait3A_132 : memref<256xf32, #tpu.memory_space<hbm>>) dst(%dma_wait3A_131 : memref<256xf32, #tpu.memory_space<vmem>>)
      tpu.yield
    }) : () -> ()
    %add3A_6 = arith.constant 4096 : i32
    %add3A_7 = arith.addi %mul3A_2, %add3A_6 : i32
    %add3A_8 = arith.addi %add3A_7, %mul3A_0 : i32
    "tpu.region"() ({
      %run_scoped3A = tpu.sem_alloc : memref<!tpu.dma_semaphore, #tpu.memory_space<semaphore_mem>>
      %dma_start3A = arith.constant 8 : i32
      %dma_start3A_123 = tpu.memref_slice %arg6[%dma_start3A] : memref<272xf32, #tpu.memory_space<vmem>> -> memref<256xf32, #tpu.memory_space<vmem>>
      %dma_start3A_124 = tpu.memref_slice %arg2[%add3A_8] : memref<24576xf32, #tpu.memory_space<hbm>> -> memref<256xf32, #tpu.memory_space<hbm>>
      %dma_start3A_125 = arith.constant 8 : i32
      %dma_start3A_126 = tpu.memref_slice %arg6[%dma_start3A_125] : memref<272xf32, #tpu.memory_space<vmem>> -> memref<256xf32, #tpu.memory_space<vmem>>
      %dma_start3A_127 = tpu.memref_slice %arg2[%add3A_8] : memref<24576xf32, #tpu.memory_space<hbm>> -> memref<256xf32, #tpu.memory_space<hbm>>
      tpu.enqueue_dma source(%dma_start3A_127 : memref<256xf32, #tpu.memory_space<hbm>>) target(%dma_start3A_126 : memref<256xf32, #tpu.memory_space<vmem>>) target_semaphore(%run_scoped3A : memref<!tpu.dma_semaphore, #tpu.memory_space<semaphore_mem>>)
      %dma_wait3A = arith.constant 8 : i32
      %dma_wait3A_128 = tpu.memref_slice %arg6[%dma_wait3A] : memref<272xf32, #tpu.memory_space<vmem>> -> memref<256xf32, #tpu.memory_space<vmem>>
      %dma_wait3A_129 = tpu.memref_slice %arg2[%add3A_8] : memref<24576xf32, #tpu.memory_space<hbm>> -> memref<256xf32, #tpu.memory_space<hbm>>
      %dma_wait3A_130 = arith.constant 8 : i32
      %dma_wait3A_131 = tpu.memref_slice %arg6[%dma_wait3A_130] : memref<272xf32, #tpu.memory_space<vmem>> -> memref<256xf32, #tpu.memory_space<vmem>>
      %dma_wait3A_132 = tpu.memref_slice %arg2[%add3A_8] : memref<24576xf32, #tpu.memory_space<hbm>> -> memref<256xf32, #tpu.memory_space<hbm>>
      tpu.wait_dma2 semaphore(%run_scoped3A : memref<!tpu.dma_semaphore, #tpu.memory_space<semaphore_mem>>) src(%dma_wait3A_132 : memref<256xf32, #tpu.memory_space<hbm>>) dst(%dma_wait3A_131 : memref<256xf32, #tpu.memory_space<vmem>>)
      tpu.yield
    }) : () -> ()
    %add3A_9 = arith.constant 8192 : i32
    %add3A_10 = arith.addi %mul3A_2, %add3A_9 : i32
    %add3A_11 = arith.addi %add3A_10, %mul3A_0 : i32
    "tpu.region"() ({
      %run_scoped3A = tpu.sem_alloc : memref<!tpu.dma_semaphore, #tpu.memory_space<semaphore_mem>>
      %dma_start3A = arith.constant 8 : i32
      %dma_start3A_123 = tpu.memref_slice %arg7[%dma_start3A] : memref<272xf32, #tpu.memory_space<vmem>> -> memref<256xf32, #tpu.memory_space<vmem>>
      %dma_start3A_124 = tpu.memref_slice %arg2[%add3A_11] : memref<24576xf32, #tpu.memory_space<hbm>> -> memref<256xf32, #tpu.memory_space<hbm>>
      %dma_start3A_125 = arith.constant 8 : i32
      %dma_start3A_126 = tpu.memref_slice %arg7[%dma_start3A_125] : memref<272xf32, #tpu.memory_space<vmem>> -> memref<256xf32, #tpu.memory_space<vmem>>
      %dma_start3A_127 = tpu.memref_slice %arg2[%add3A_11] : memref<24576xf32, #tpu.memory_space<hbm>> -> memref<256xf32, #tpu.memory_space<hbm>>
      tpu.enqueue_dma source(%dma_start3A_127 : memref<256xf32, #tpu.memory_space<hbm>>) target(%dma_start3A_126 : memref<256xf32, #tpu.memory_space<vmem>>) target_semaphore(%run_scoped3A : memref<!tpu.dma_semaphore, #tpu.memory_space<semaphore_mem>>)
      %dma_wait3A = arith.constant 8 : i32
      %dma_wait3A_128 = tpu.memref_slice %arg7[%dma_wait3A] : memref<272xf32, #tpu.memory_space<vmem>> -> memref<256xf32, #tpu.memory_space<vmem>>
      %dma_wait3A_129 = tpu.memref_slice %arg2[%add3A_11] : memref<24576xf32, #tpu.memory_space<hbm>> -> memref<256xf32, #tpu.memory_space<hbm>>
      %dma_wait3A_130 = arith.constant 8 : i32
      %dma_wait3A_131 = tpu.memref_slice %arg7[%dma_wait3A_130] : memref<272xf32, #tpu.memory_space<vmem>> -> memref<256xf32, #tpu.memory_space<vmem>>
      %dma_wait3A_132 = tpu.memref_slice %arg2[%add3A_11] : memref<24576xf32, #tpu.memory_space<hbm>> -> memref<256xf32, #tpu.memory_space<hbm>>
      tpu.wait_dma2 semaphore(%run_scoped3A : memref<!tpu.dma_semaphore, #tpu.memory_space<semaphore_mem>>) src(%dma_wait3A_132 : memref<256xf32, #tpu.memory_space<hbm>>) dst(%dma_wait3A_131 : memref<256xf32, #tpu.memory_space<vmem>>)
      tpu.yield
    }) : () -> ()
    %mul3A_12 = arith.constant 4096 : i32
    %mul3A_13 = arith.muli %arg0, %mul3A_12 : i32
    %add3A_14 = arith.addi %mul3A_13, %mul3A_0 : i32
    "tpu.region"() ({
      %run_scoped3A = tpu.sem_alloc : memref<!tpu.dma_semaphore, #tpu.memory_space<semaphore_mem>>
      %dma_start3A = arith.constant 8 : i32
      %dma_start3A_123 = tpu.memref_slice %arg8[%dma_start3A] : memref<272xf32, #tpu.memory_space<vmem>> -> memref<256xf32, #tpu.memory_space<vmem>>
      %dma_start3A_124 = tpu.memref_slice %arg3[%add3A_14] : memref<8192xf32, #tpu.memory_space<hbm>> -> memref<256xf32, #tpu.memory_space<hbm>>
      %dma_start3A_125 = arith.constant 8 : i32
      %dma_start3A_126 = tpu.memref_slice %arg8[%dma_start3A_125] : memref<272xf32, #tpu.memory_space<vmem>> -> memref<256xf32, #tpu.memory_space<vmem>>
      %dma_start3A_127 = tpu.memref_slice %arg3[%add3A_14] : memref<8192xf32, #tpu.memory_space<hbm>> -> memref<256xf32, #tpu.memory_space<hbm>>
      tpu.enqueue_dma source(%dma_start3A_127 : memref<256xf32, #tpu.memory_space<hbm>>) target(%dma_start3A_126 : memref<256xf32, #tpu.memory_space<vmem>>) target_semaphore(%run_scoped3A : memref<!tpu.dma_semaphore, #tpu.memory_space<semaphore_mem>>)
      %dma_wait3A = arith.constant 8 : i32
      %dma_wait3A_128 = tpu.memref_slice %arg8[%dma_wait3A] : memref<272xf32, #tpu.memory_space<vmem>> -> memref<256xf32, #tpu.memory_space<vmem>>
      %dma_wait3A_129 = tpu.memref_slice %arg3[%add3A_14] : memref<8192xf32, #tpu.memory_space<hbm>> -> memref<256xf32, #tpu.memory_space<hbm>>
      %dma_wait3A_130 = arith.constant 8 : i32
      %dma_wait3A_131 = tpu.memref_slice %arg8[%dma_wait3A_130] : memref<272xf32, #tpu.memory_space<vmem>> -> memref<256xf32, #tpu.memory_space<vmem>>
      %dma_wait3A_132 = tpu.memref_slice %arg3[%add3A_14] : memref<8192xf32, #tpu.memory_space<hbm>> -> memref<256xf32, #tpu.memory_space<hbm>>
      tpu.wait_dma2 semaphore(%run_scoped3A : memref<!tpu.dma_semaphore, #tpu.memory_space<semaphore_mem>>) src(%dma_wait3A_132 : memref<256xf32, #tpu.memory_space<hbm>>) dst(%dma_wait3A_131 : memref<256xf32, #tpu.memory_space<vmem>>)
      tpu.yield
    }) : () -> ()
    %broadcast_in_dim3A = arith.constant 1.000000e+10 : f32
    %broadcast_in_dim3A_15 = vector.broadcast %broadcast_in_dim3A : f32 to vector<16xf32>
    %swap3A = arith.constant 0 : index
    %swap3A_16 = tpu.vector_load %arg9[%swap3A] {strides = array<i32>} : memref<256xf32, #tpu.memory_space<vmem>>, vector<16xf32>,
    tpu.vector_store %arg9[%swap3A], %broadcast_in_dim3A_15 {strides = array<i32>} : memref<256xf32, #tpu.memory_space<vmem>>, vector<16xf32>,
    %broadcast_in_dim3A_17 = arith.constant 1.000000e+10 : f32
    %broadcast_in_dim3A_18 = vector.broadcast %broadcast_in_dim3A_17 : f32 to vector<16xf32>
    %swap3A_19 = arith.constant 16 : index
    %swap3A_20 = tpu.vector_load %arg9[%swap3A_19] {strides = array<i32>} : memref<256xf32, #tpu.memory_space<vmem>>, vector<16xf32>,
    tpu.vector_store %arg9[%swap3A_19], %broadcast_in_dim3A_18 {strides = array<i32>} : memref<256xf32, #tpu.memory_space<vmem>>, vector<16xf32>,
    %broadcast_in_dim3A_21 = arith.constant 1.000000e+10 : f32
    %broadcast_in_dim3A_22 = vector.broadcast %broadcast_in_dim3A_21 : f32 to vector<16xf32>
    %swap3A_23 = arith.constant 32 : index
    %swap3A_24 = tpu.vector_load %arg9[%swap3A_23] {strides = array<i32>} : memref<256xf32, #tpu.memory_space<vmem>>, vector<16xf32>,
    tpu.vector_store %arg9[%swap3A_23], %broadcast_in_dim3A_22 {strides = array<i32>} : memref<256xf32, #tpu.memory_space<vmem>>, vector<16xf32>,
    %broadcast_in_dim3A_25 = arith.constant 1.000000e+10 : f32
    %broadcast_in_dim3A_26 = vector.broadcast %broadcast_in_dim3A_25 : f32 to vector<16xf32>
    %swap3A_27 = arith.constant 48 : index
    %swap3A_28 = tpu.vector_load %arg9[%swap3A_27] {strides = array<i32>} : memref<256xf32, #tpu.memory_space<vmem>>, vector<16xf32>,
    tpu.vector_store %arg9[%swap3A_27], %broadcast_in_dim3A_26 {strides = array<i32>} : memref<256xf32, #tpu.memory_space<vmem>>, vector<16xf32>,
    %broadcast_in_dim3A_29 = arith.constant 1.000000e+10 : f32
    %broadcast_in_dim3A_30 = vector.broadcast %broadcast_in_dim3A_29 : f32 to vector<16xf32>
    %swap3A_31 = arith.constant 64 : index
    %swap3A_32 = tpu.vector_load %arg9[%swap3A_31] {strides = array<i32>} : memref<256xf32, #tpu.memory_space<vmem>>, vector<16xf32>,
    tpu.vector_store %arg9[%swap3A_31], %broadcast_in_dim3A_30 {strides = array<i32>} : memref<256xf32, #tpu.memory_space<vmem>>, vector<16xf32>,
    %broadcast_in_dim3A_33 = arith.constant 1.000000e+10 : f32
    %broadcast_in_dim3A_34 = vector.broadcast %broadcast_in_dim3A_33 : f32 to vector<16xf32>
    %swap3A_35 = arith.constant 80 : index
    %swap3A_36 = tpu.vector_load %arg9[%swap3A_35] {strides = array<i32>} : memref<256xf32, #tpu.memory_space<vmem>>, vector<16xf32>,
    tpu.vector_store %arg9[%swap3A_35], %broadcast_in_dim3A_34 {strides = array<i32>} : memref<256xf32, #tpu.memory_space<vmem>>, vector<16xf32>,
    %broadcast_in_dim3A_37 = arith.constant 1.000000e+10 : f32
    %broadcast_in_dim3A_38 = vector.broadcast %broadcast_in_dim3A_37 : f32 to vector<16xf32>
    %swap3A_39 = arith.constant 96 : index
    %swap3A_40 = tpu.vector_load %arg9[%swap3A_39] {strides = array<i32>} : memref<256xf32, #tpu.memory_space<vmem>>, vector<16xf32>,
    tpu.vector_store %arg9[%swap3A_39], %broadcast_in_dim3A_38 {strides = array<i32>} : memref<256xf32, #tpu.memory_space<vmem>>, vector<16xf32>,
    %broadcast_in_dim3A_41 = arith.constant 1.000000e+10 : f32
    %broadcast_in_dim3A_42 = vector.broadcast %broadcast_in_dim3A_41 : f32 to vector<16xf32>
    %swap3A_43 = arith.constant 112 : index
    %swap3A_44 = tpu.vector_load %arg9[%swap3A_43] {strides = array<i32>} : memref<256xf32, #tpu.memory_space<vmem>>, vector<16xf32>,
    tpu.vector_store %arg9[%swap3A_43], %broadcast_in_dim3A_42 {strides = array<i32>} : memref<256xf32, #tpu.memory_space<vmem>>, vector<16xf32>,
    %broadcast_in_dim3A_45 = arith.constant 1.000000e+10 : f32
    %broadcast_in_dim3A_46 = vector.broadcast %broadcast_in_dim3A_45 : f32 to vector<16xf32>
    %swap3A_47 = arith.constant 128 : index
    %swap3A_48 = tpu.vector_load %arg9[%swap3A_47] {strides = array<i32>} : memref<256xf32, #tpu.memory_space<vmem>>, vector<16xf32>,
    tpu.vector_store %arg9[%swap3A_47], %broadcast_in_dim3A_46 {strides = array<i32>} : memref<256xf32, #tpu.memory_space<vmem>>, vector<16xf32>,
    %broadcast_in_dim3A_49 = arith.constant 1.000000e+10 : f32
    %broadcast_in_dim3A_50 = vector.broadcast %broadcast_in_dim3A_49 : f32 to vector<16xf32>
    %swap3A_51 = arith.constant 144 : index
    %swap3A_52 = tpu.vector_load %arg9[%swap3A_51] {strides = array<i32>} : memref<256xf32, #tpu.memory_space<vmem>>, vector<16xf32>,
    tpu.vector_store %arg9[%swap3A_51], %broadcast_in_dim3A_50 {strides = array<i32>} : memref<256xf32, #tpu.memory_space<vmem>>, vector<16xf32>,
    %broadcast_in_dim3A_53 = arith.constant 1.000000e+10 : f32
    %broadcast_in_dim3A_54 = vector.broadcast %broadcast_in_dim3A_53 : f32 to vector<16xf32>
    %swap3A_55 = arith.constant 160 : index
    %swap3A_56 = tpu.vector_load %arg9[%swap3A_55] {strides = array<i32>} : memref<256xf32, #tpu.memory_space<vmem>>, vector<16xf32>,
    tpu.vector_store %arg9[%swap3A_55], %broadcast_in_dim3A_54 {strides = array<i32>} : memref<256xf32, #tpu.memory_space<vmem>>, vector<16xf32>,
    %broadcast_in_dim3A_57 = arith.constant 1.000000e+10 : f32
    %broadcast_in_dim3A_58 = vector.broadcast %broadcast_in_dim3A_57 : f32 to vector<16xf32>
    %swap3A_59 = arith.constant 176 : index
    %swap3A_60 = tpu.vector_load %arg9[%swap3A_59] {strides = array<i32>} : memref<256xf32, #tpu.memory_space<vmem>>, vector<16xf32>,
    tpu.vector_store %arg9[%swap3A_59], %broadcast_in_dim3A_58 {strides = array<i32>} : memref<256xf32, #tpu.memory_space<vmem>>, vector<16xf32>,
    %broadcast_in_dim3A_61 = arith.constant 1.000000e+10 : f32
    %broadcast_in_dim3A_62 = vector.broadcast %broadcast_in_dim3A_61 : f32 to vector<16xf32>
    %swap3A_63 = arith.constant 192 : index
    %swap3A_64 = tpu.vector_load %arg9[%swap3A_63] {strides = array<i32>} : memref<256xf32, #tpu.memory_space<vmem>>, vector<16xf32>,
    tpu.vector_store %arg9[%swap3A_63], %broadcast_in_dim3A_62 {strides = array<i32>} : memref<256xf32, #tpu.memory_space<vmem>>, vector<16xf32>,
    %broadcast_in_dim3A_65 = arith.constant 1.000000e+10 : f32
    %broadcast_in_dim3A_66 = vector.broadcast %broadcast_in_dim3A_65 : f32 to vector<16xf32>
    %swap3A_67 = arith.constant 208 : index
    %swap3A_68 = tpu.vector_load %arg9[%swap3A_67] {strides = array<i32>} : memref<256xf32, #tpu.memory_space<vmem>>, vector<16xf32>,
    tpu.vector_store %arg9[%swap3A_67], %broadcast_in_dim3A_66 {strides = array<i32>} : memref<256xf32, #tpu.memory_space<vmem>>, vector<16xf32>,
    %broadcast_in_dim3A_69 = arith.constant 1.000000e+10 : f32
    %broadcast_in_dim3A_70 = vector.broadcast %broadcast_in_dim3A_69 : f32 to vector<16xf32>
    %swap3A_71 = arith.constant 224 : index
    %swap3A_72 = tpu.vector_load %arg9[%swap3A_71] {strides = array<i32>} : memref<256xf32, #tpu.memory_space<vmem>>, vector<16xf32>,
    tpu.vector_store %arg9[%swap3A_71], %broadcast_in_dim3A_70 {strides = array<i32>} : memref<256xf32, #tpu.memory_space<vmem>>, vector<16xf32>,
    %broadcast_in_dim3A_73 = arith.constant 1.000000e+10 : f32
    %broadcast_in_dim3A_74 = vector.broadcast %broadcast_in_dim3A_73 : f32 to vector<16xf32>
    %swap3A_75 = arith.constant 240 : index
    %swap3A_76 = tpu.vector_load %arg9[%swap3A_75] {strides = array<i32>} : memref<256xf32, #tpu.memory_space<vmem>>, vector<16xf32>,
    tpu.vector_store %arg9[%swap3A_75], %broadcast_in_dim3A_74 {strides = array<i32>} : memref<256xf32, #tpu.memory_space<vmem>>, vector<16xf32>,
    %add3A_77 = arith.constant 0 : i32
    %add3A_78 = arith.addi %mul3A_2, %add3A_77 : i32
    "tpu.region"() ({
      %run_scoped3A = tpu.sem_alloc : memref<!tpu.dma_semaphore, #tpu.memory_space<semaphore_mem>>
      %dma_start3A = arith.constant 16 : i32
      %dma_start3A_123 = tpu.memref_slice %arg12[%dma_start3A] : memref<32xf32, #tpu.memory_space<vmem>> -> memref<16xf32, #tpu.memory_space<vmem>>
      %dma_start3A_124 = tpu.memref_slice %arg2[%add3A_78] : memref<24576xf32, #tpu.memory_space<hbm>> -> memref<16xf32, #tpu.memory_space<hbm>>
      %dma_start3A_125 = arith.constant 16 : i32
      %dma_start3A_126 = tpu.memref_slice %arg12[%dma_start3A_125] : memref<32xf32, #tpu.memory_space<vmem>> -> memref<16xf32, #tpu.memory_space<vmem>>
      %dma_start3A_127 = tpu.memref_slice %arg2[%add3A_78] : memref<24576xf32, #tpu.memory_space<hbm>> -> memref<16xf32, #tpu.memory_space<hbm>>
      tpu.enqueue_dma source(%dma_start3A_127 : memref<16xf32, #tpu.memory_space<hbm>>) target(%dma_start3A_126 : memref<16xf32, #tpu.memory_space<vmem>>) target_semaphore(%run_scoped3A : memref<!tpu.dma_semaphore, #tpu.memory_space<semaphore_mem>>)
      %dma_wait3A = arith.constant 16 : i32
      %dma_wait3A_128 = tpu.memref_slice %arg12[%dma_wait3A] : memref<32xf32, #tpu.memory_space<vmem>> -> memref<16xf32, #tpu.memory_space<vmem>>
      %dma_wait3A_129 = tpu.memref_slice %arg2[%add3A_78] : memref<24576xf32, #tpu.memory_space<hbm>> -> memref<16xf32, #tpu.memory_space<hbm>>
      %dma_wait3A_130 = arith.constant 16 : i32
      %dma_wait3A_131 = tpu.memref_slice %arg12[%dma_wait3A_130] : memref<32xf32, #tpu.memory_space<vmem>> -> memref<16xf32, #tpu.memory_space<vmem>>
      %dma_wait3A_132 = tpu.memref_slice %arg2[%add3A_78] : memref<24576xf32, #tpu.memory_space<hbm>> -> memref<16xf32, #tpu.memory_space<hbm>>
      tpu.wait_dma2 semaphore(%run_scoped3A : memref<!tpu.dma_semaphore, #tpu.memory_space<semaphore_mem>>) src(%dma_wait3A_132 : memref<16xf32, #tpu.memory_space<hbm>>) dst(%dma_wait3A_131 : memref<16xf32, #tpu.memory_space<vmem>>)
      tpu.yield
    }) : () -> ()
    %broadcast_in_dim3A_79 = arith.constant 0 : i32
    %broadcast_in_dim3A_80 = vector.broadcast %broadcast_in_dim3A_79 : i32 to vector<16xi32>
    %add3A_81 = arith.constant 16 : i32
    %add3A_82 = vector.broadcast %add3A_81 : i32 to vector<16xi32>
    %add3A_83 = arith.addi %broadcast_in_dim3A_80, %add3A_82 : vector<16xi32>
    %add3A_84 = vector.broadcast %min3A_3 : i32 to vector<16xi32>
    %add3A_85 = arith.addi %add3A_83, %add3A_84 : vector<16xi32>
    %gather3A = tpu.vector_load_idx %arg12[%add3A_85] : memref<32xf32, #tpu.memory_space<vmem>>[vector<16xi32>], vector<16xf32>,
    %add3A_86 = arith.constant 4096 : i32
    %add3A_87 = arith.addi %mul3A_2, %add3A_86 : i32
    "tpu.region"() ({
      %run_scoped3A = tpu.sem_alloc : memref<!tpu.dma_semaphore, #tpu.memory_space<semaphore_mem>>
      %dma_start3A = arith.constant 16 : i32
      %dma_start3A_123 = tpu.memref_slice %arg12[%dma_start3A] : memref<32xf32, #tpu.memory_space<vmem>> -> memref<16xf32, #tpu.memory_space<vmem>>
      %dma_start3A_124 = tpu.memref_slice %arg2[%add3A_87] : memref<24576xf32, #tpu.memory_space<hbm>> -> memref<16xf32, #tpu.memory_space<hbm>>
      %dma_start3A_125 = arith.constant 16 : i32
      %dma_start3A_126 = tpu.memref_slice %arg12[%dma_start3A_125] : memref<32xf32, #tpu.memory_space<vmem>> -> memref<16xf32, #tpu.memory_space<vmem>>
      %dma_start3A_127 = tpu.memref_slice %arg2[%add3A_87] : memref<24576xf32, #tpu.memory_space<hbm>> -> memref<16xf32, #tpu.memory_space<hbm>>
      tpu.enqueue_dma source(%dma_start3A_127 : memref<16xf32, #tpu.memory_space<hbm>>) target(%dma_start3A_126 : memref<16xf32, #tpu.memory_space<vmem>>) target_semaphore(%run_scoped3A : memref<!tpu.dma_semaphore, #tpu.memory_space<semaphore_mem>>)
      %dma_wait3A = arith.constant 16 : i32
      %dma_wait3A_128 = tpu.memref_slice %arg12[%dma_wait3A] : memref<32xf32, #tpu.memory_space<vmem>> -> memref<16xf32, #tpu.memory_space<vmem>>
      %dma_wait3A_129 = tpu.memref_slice %arg2[%add3A_87] : memref<24576xf32, #tpu.memory_space<hbm>> -> memref<16xf32, #tpu.memory_space<hbm>>
      %dma_wait3A_130 = arith.constant 16 : i32
      %dma_wait3A_131 = tpu.memref_slice %arg12[%dma_wait3A_130] : memref<32xf32, #tpu.memory_space<vmem>> -> memref<16xf32, #tpu.memory_space<vmem>>
      %dma_wait3A_132 = tpu.memref_slice %arg2[%add3A_87] : memref<24576xf32, #tpu.memory_space<hbm>> -> memref<16xf32, #tpu.memory_space<hbm>>
      tpu.wait_dma2 semaphore(%run_scoped3A : memref<!tpu.dma_semaphore, #tpu.memory_space<semaphore_mem>>) src(%dma_wait3A_132 : memref<16xf32, #tpu.memory_space<hbm>>) dst(%dma_wait3A_131 : memref<16xf32, #tpu.memory_space<vmem>>)
      tpu.yield
    }) : () -> ()
    %broadcast_in_dim3A_88 = arith.constant 0 : i32
    %broadcast_in_dim3A_89 = vector.broadcast %broadcast_in_dim3A_88 : i32 to vector<16xi32>
    %add3A_90 = arith.constant 16 : i32
    %add3A_91 = vector.broadcast %add3A_90 : i32 to vector<16xi32>
    %add3A_92 = arith.addi %broadcast_in_dim3A_89, %add3A_91 : vector<16xi32>
    %add3A_93 = vector.broadcast %min3A_3 : i32 to vector<16xi32>
    %add3A_94 = arith.addi %add3A_92, %add3A_93 : vector<16xi32>
    %gather3A_95 = tpu.vector_load_idx %arg12[%add3A_94] : memref<32xf32, #tpu.memory_space<vmem>>[vector<16xi32>], vector<16xf32>,
    %add3A_96 = arith.constant 8192 : i32
    %add3A_97 = arith.addi %mul3A_2, %add3A_96 : i32
    "tpu.region"() ({
      %run_scoped3A = tpu.sem_alloc : memref<!tpu.dma_semaphore, #tpu.memory_space<semaphore_mem>>
      %dma_start3A = arith.constant 16 : i32
      %dma_start3A_123 = tpu.memref_slice %arg12[%dma_start3A] : memref<32xf32, #tpu.memory_space<vmem>> -> memref<16xf32, #tpu.memory_space<vmem>>
      %dma_start3A_124 = tpu.memref_slice %arg2[%add3A_97] : memref<24576xf32, #tpu.memory_space<hbm>> -> memref<16xf32, #tpu.memory_space<hbm>>
      %dma_start3A_125 = arith.constant 16 : i32
      %dma_start3A_126 = tpu.memref_slice %arg12[%dma_start3A_125] : memref<32xf32, #tpu.memory_space<vmem>> -> memref<16xf32, #tpu.memory_space<vmem>>
      %dma_start3A_127 = tpu.memref_slice %arg2[%add3A_97] : memref<24576xf32, #tpu.memory_space<hbm>> -> memref<16xf32, #tpu.memory_space<hbm>>
      tpu.enqueue_dma source(%dma_start3A_127 : memref<16xf32, #tpu.memory_space<hbm>>) target(%dma_start3A_126 : memref<16xf32, #tpu.memory_space<vmem>>) target_semaphore(%run_scoped3A : memref<!tpu.dma_semaphore, #tpu.memory_space<semaphore_mem>>)
      %dma_wait3A = arith.constant 16 : i32
      %dma_wait3A_128 = tpu.memref_slice %arg12[%dma_wait3A] : memref<32xf32, #tpu.memory_space<vmem>> -> memref<16xf32, #tpu.memory_space<vmem>>
      %dma_wait3A_129 = tpu.memref_slice %arg2[%add3A_97] : memref<24576xf32, #tpu.memory_space<hbm>> -> memref<16xf32, #tpu.memory_space<hbm>>
      %dma_wait3A_130 = arith.constant 16 : i32
      %dma_wait3A_131 = tpu.memref_slice %arg12[%dma_wait3A_130] : memref<32xf32, #tpu.memory_space<vmem>> -> memref<16xf32, #tpu.memory_space<vmem>>
      %dma_wait3A_132 = tpu.memref_slice %arg2[%add3A_97] : memref<24576xf32, #tpu.memory_space<hbm>> -> memref<16xf32, #tpu.memory_space<hbm>>
      tpu.wait_dma2 semaphore(%run_scoped3A : memref<!tpu.dma_semaphore, #tpu.memory_space<semaphore_mem>>) src(%dma_wait3A_132 : memref<16xf32, #tpu.memory_space<hbm>>) dst(%dma_wait3A_131 : memref<16xf32, #tpu.memory_space<vmem>>)
      tpu.yield
    }) : () -> ()
    %broadcast_in_dim3A_98 = arith.constant 0 : i32
    %broadcast_in_dim3A_99 = vector.broadcast %broadcast_in_dim3A_98 : i32 to vector<16xi32>
    %add3A_100 = arith.constant 16 : i32
    %add3A_101 = vector.broadcast %add3A_100 : i32 to vector<16xi32>
    %add3A_102 = arith.addi %broadcast_in_dim3A_99, %add3A_101 : vector<16xi32>
    %add3A_103 = vector.broadcast %min3A_3 : i32 to vector<16xi32>
    %add3A_104 = arith.addi %add3A_102, %add3A_103 : vector<16xi32>
    %gather3A_105 = tpu.vector_load_idx %arg12[%add3A_104] : memref<32xf32, #tpu.memory_space<vmem>>[vector<16xi32>], vector<16xf32>,
    %broadcast_in_dim3A_106 = arith.constant 0 : i32
    %broadcast_in_dim3A_107 = vector.broadcast %broadcast_in_dim3A_106 : i32 to vector<16xi32>
    %scan3A = arith.constant 0 : i32
    %scan3A_108 = arith.constant 511 : i32
    %scan3A_109 = arith.addi %scan3A, %scan3A_108 : i32
    %scan3A_110 = arith.constant 1 : i32
    %scan3A_111:5 = scf.for %scan3A_123 = %scan3A to %scan3A_109 step %scan3A_110 iter_args(%scan3A_124 = %gather3A, %scan3A_125 = %gather3A_95, %scan3A_126 = %gather3A_105, %scan3A_127 = %broadcast_in_dim3A_107, %scan3A_128 = %broadcast_in_dim3A_107) -> (vector<16xf32>, vector<16xf32>, vector<16xf32>, vector<16xi32>, vector<16xi32>)  : i32 {
      %broadcast_in_dim3A_129 = arith.constant -2147483648 : i32
      %broadcast_in_dim3A_130 = vector.broadcast %broadcast_in_dim3A_129 : i32 to vector<16xi32>
      %broadcast_in_dim3A_131 = arith.constant 0 : i32
      %broadcast_in_dim3A_132 = vector.broadcast %broadcast_in_dim3A_131 : i32 to vector<16xi32>
      %get3A = arith.constant 8 : index
      %get3A_133 = tpu.vector_load %arg5[%get3A] {strides = array<i32>} : memref<272xf32, #tpu.memory_space<vmem>>, vector<16xf32>,
      %sub3A = arith.subf %get3A_133, %scan3A_124 : vector<16xf32>
      %abs3A = math.absf %sub3A : vector<16xf32>
      %get3A_134 = arith.constant 8 : index
      %get3A_135 = tpu.vector_load %arg6[%get3A_134] {strides = array<i32>} : memref<272xf32, #tpu.memory_space<vmem>>, vector<16xf32>,
      %sub3A_136 = arith.subf %get3A_135, %scan3A_125 : vector<16xf32>
      %abs3A_137 = math.absf %sub3A_136 : vector<16xf32>
      %add3A_138 = arith.addf %abs3A, %abs3A_137 : vector<16xf32>
      %get3A_139 = arith.constant 8 : index
      %get3A_140 = tpu.vector_load %arg7[%get3A_139] {strides = array<i32>} : memref<272xf32, #tpu.memory_space<vmem>>, vector<16xf32>,
      %sub3A_141 = arith.subf %get3A_140, %scan3A_126 : vector<16xf32>
      %abs3A_142 = math.absf %sub3A_141 : vector<16xf32>
      %add3A_143 = arith.addf %add3A_138, %abs3A_142 : vector<16xf32>
      %get3A_144 = arith.constant 0 : index
      %get3A_145 = tpu.vector_load %arg9[%get3A_144] {strides = array<i32>} : memref<256xf32, #tpu.memory_space<vmem>>, vector<16xf32>,
      %min3A_146 = arith.minimumf %get3A_145, %add3A_143 : vector<16xf32>
      %swap3A_147 = arith.constant 0 : index
      %swap3A_148 = tpu.vector_load %arg9[%swap3A_147] {strides = array<i32>} : memref<256xf32, #tpu.memory_space<vmem>>, vector<16xf32>,
      tpu.vector_store %arg9[%swap3A_147], %min3A_146 {strides = array<i32>} : memref<256xf32, #tpu.memory_space<vmem>>, vector<16xf32>,
      %get3A_149 = arith.constant 8 : index
      %get3A_150 = tpu.vector_load %arg8[%get3A_149] {strides = array<i32>} : memref<272xf32, #tpu.memory_space<vmem>>, vector<16xf32>,
      %mul3A_151 = arith.mulf %min3A_146, %get3A_150 : vector<16xf32>
      %bitcast3A = vector.bitcast %mul3A_151 : vector<16xf32> to vector<16xi32>
      %ne3A = arith.cmpf one, %mul3A_151, %mul3A_151 : vector<16xf32>
      %jit3A = arith.constant 2143289344 : i32
      %broadcast_in_dim3A_152 = vector.broadcast %jit3A : i32 to vector<16xi32>
      %select_n3A = arith.select %ne3A, %broadcast_in_dim3A_152, %bitcast3A : vector<16xi1>, vector<16xi32>
      %shift_right_arithmetic3A = arith.constant 31 : i32
      %shift_right_arithmetic3A_153 = vector.broadcast %shift_right_arithmetic3A : i32 to vector<16xi32>
      %shift_right_arithmetic3A_154 = arith.shrsi %select_n3A, %shift_right_arithmetic3A_153 : vector<16xi32>
      %and3A = arith.constant 2147483647 : i32
      %and3A_155 = vector.broadcast %and3A : i32 to vector<16xi32>
      %and3A_156 = arith.andi %shift_right_arithmetic3A_154, %and3A_155 : vector<16xi32>
      %xor3A = arith.xori %select_n3A, %and3A_156 : vector<16xi32>
      %gt3A = arith.cmpi sgt, %xor3A, %broadcast_in_dim3A_130 : vector<16xi32>
      %select_n3A_157 = arith.select %gt3A, %xor3A, %broadcast_in_dim3A_130 : vector<16xi1>, vector<16xi32>
      %add3A_158 = arith.constant 0 : i32
      %add3A_159 = arith.addi %mul3A_0, %add3A_158 : i32
      %add3A_160 = vector.broadcast %add3A_159 : i32 to vector<16xi32>
      %add3A_161 = arith.addi %add3A_160, %iota3A : vector<16xi32>
      %select_n3A_162 = arith.select %gt3A, %add3A_161, %broadcast_in_dim3A_132 : vector<16xi1>, vector<16xi32>
      %get3A_163 = arith.constant 24 : index
      %get3A_164 = tpu.vector_load %arg5[%get3A_163] {strides = array<i32>} : memref<272xf32, #tpu.memory_space<vmem>>, vector<16xf32>,
      %sub3A_165 = arith.subf %get3A_164, %scan3A_124 : vector<16xf32>
      %abs3A_166 = math.absf %sub3A_165 : vector<16xf32>
      %get3A_167 = arith.constant 24 : index
      %get3A_168 = tpu.vector_load %arg6[%get3A_167] {strides = array<i32>} : memref<272xf32, #tpu.memory_space<vmem>>, vector<16xf32>,
      %sub3A_169 = arith.subf %get3A_168, %scan3A_125 : vector<16xf32>
      %abs3A_170 = math.absf %sub3A_169 : vector<16xf32>
      %add3A_171 = arith.addf %abs3A_166, %abs3A_170 : vector<16xf32>
      %get3A_172 = arith.constant 24 : index
      %get3A_173 = tpu.vector_load %arg7[%get3A_172] {strides = array<i32>} : memref<272xf32, #tpu.memory_space<vmem>>, vector<16xf32>,
      %sub3A_174 = arith.subf %get3A_173, %scan3A_126 : vector<16xf32>
      %abs3A_175 = math.absf %sub3A_174 : vector<16xf32>
      %add3A_176 = arith.addf %add3A_171, %abs3A_175 : vector<16xf32>
      %get3A_177 = arith.constant 16 : index
      %get3A_178 = tpu.vector_load %arg9[%get3A_177] {strides = array<i32>} : memref<256xf32, #tpu.memory_space<vmem>>, vector<16xf32>,
      %min3A_179 = arith.minimumf %get3A_178, %add3A_176 : vector<16xf32>
      %swap3A_180 = arith.constant 16 : index
      %swap3A_181 = tpu.vector_load %arg9[%swap3A_180] {strides = array<i32>} : memref<256xf32, #tpu.memory_space<vmem>>, vector<16xf32>,
      tpu.vector_store %arg9[%swap3A_180], %min3A_179 {strides = array<i32>} : memref<256xf32, #tpu.memory_space<vmem>>, vector<16xf32>,
      %get3A_182 = arith.constant 24 : index
      %get3A_183 = tpu.vector_load %arg8[%get3A_182] {strides = array<i32>} : memref<272xf32, #tpu.memory_space<vmem>>, vector<16xf32>,
      %mul3A_184 = arith.mulf %min3A_179, %get3A_183 : vector<16xf32>
      %bitcast3A_185 = vector.bitcast %mul3A_184 : vector<16xf32> to vector<16xi32>
      %ne3A_186 = arith.cmpf one, %mul3A_184, %mul3A_184 : vector<16xf32>
      %jit3A_187 = arith.constant 2143289344 : i32
      %broadcast_in_dim3A_188 = vector.broadcast %jit3A_187 : i32 to vector<16xi32>
      %select_n3A_189 = arith.select %ne3A_186, %broadcast_in_dim3A_188, %bitcast3A_185 : vector<16xi1>, vector<16xi32>
      %shift_right_arithmetic3A_190 = arith.constant 31 : i32
      %shift_right_arithmetic3A_191 = vector.broadcast %shift_right_arithmetic3A_190 : i32 to vector<16xi32>
      %shift_right_arithmetic3A_192 = arith.shrsi %select_n3A_189, %shift_right_arithmetic3A_191 : vector<16xi32>
      %and3A_193 = arith.constant 2147483647 : i32
      %and3A_194 = vector.broadcast %and3A_193 : i32 to vector<16xi32>
      %and3A_195 = arith.andi %shift_right_arithmetic3A_192, %and3A_194 : vector<16xi32>
      %xor3A_196 = arith.xori %select_n3A_189, %and3A_195 : vector<16xi32>
      %gt3A_197 = arith.cmpi sgt, %xor3A_196, %select_n3A_157 : vector<16xi32>
      %select_n3A_198 = arith.select %gt3A_197, %xor3A_196, %select_n3A_157 : vector<16xi1>, vector<16xi32>
      %add3A_199 = arith.constant 16 : i32
      %add3A_200 = arith.addi %mul3A_0, %add3A_199 : i32
      %add3A_201 = vector.broadcast %add3A_200 : i32 to vector<16xi32>
      %add3A_202 = arith.addi %add3A_201, %iota3A : vector<16xi32>
      %select_n3A_203 = arith.select %gt3A_197, %add3A_202, %select_n3A_162 : vector<16xi1>, vector<16xi32>
      %get3A_204 = arith.constant 40 : index
      %get3A_205 = tpu.vector_load %arg5[%get3A_204] {strides = array<i32>} : memref<272xf32, #tpu.memory_space<vmem>>, vector<16xf32>,
      %sub3A_206 = arith.subf %get3A_205, %scan3A_124 : vector<16xf32>
      %abs3A_207 = math.absf %sub3A_206 : vector<16xf32>
      %get3A_208 = arith.constant 40 : index
      %get3A_209 = tpu.vector_load %arg6[%get3A_208] {strides = array<i32>} : memref<272xf32, #tpu.memory_space<vmem>>, vector<16xf32>,
      %sub3A_210 = arith.subf %get3A_209, %scan3A_125 : vector<16xf32>
      %abs3A_211 = math.absf %sub3A_210 : vector<16xf32>
      %add3A_212 = arith.addf %abs3A_207, %abs3A_211 : vector<16xf32>
      %get3A_213 = arith.constant 40 : index
      %get3A_214 = tpu.vector_load %arg7[%get3A_213] {strides = array<i32>} : memref<272xf32, #tpu.memory_space<vmem>>, vector<16xf32>,
      %sub3A_215 = arith.subf %get3A_214, %scan3A_126 : vector<16xf32>
      %abs3A_216 = math.absf %sub3A_215 : vector<16xf32>
      %add3A_217 = arith.addf %add3A_212, %abs3A_216 : vector<16xf32>
      %get3A_218 = arith.constant 32 : index
      %get3A_219 = tpu.vector_load %arg9[%get3A_218] {strides = array<i32>} : memref<256xf32, #tpu.memory_space<vmem>>, vector<16xf32>,
      %min3A_220 = arith.minimumf %get3A_219, %add3A_217 : vector<16xf32>
      %swap3A_221 = arith.constant 32 : index
      %swap3A_222 = tpu.vector_load %arg9[%swap3A_221] {strides = array<i32>} : memref<256xf32, #tpu.memory_space<vmem>>, vector<16xf32>,
      tpu.vector_store %arg9[%swap3A_221], %min3A_220 {strides = array<i32>} : memref<256xf32, #tpu.memory_space<vmem>>, vector<16xf32>,
      %get3A_223 = arith.constant 40 : index
      %get3A_224 = tpu.vector_load %arg8[%get3A_223] {strides = array<i32>} : memref<272xf32, #tpu.memory_space<vmem>>, vector<16xf32>,
      %mul3A_225 = arith.mulf %min3A_220, %get3A_224 : vector<16xf32>
      %bitcast3A_226 = vector.bitcast %mul3A_225 : vector<16xf32> to vector<16xi32>
      %ne3A_227 = arith.cmpf one, %mul3A_225, %mul3A_225 : vector<16xf32>
      %jit3A_228 = arith.constant 2143289344 : i32
      %broadcast_in_dim3A_229 = vector.broadcast %jit3A_228 : i32 to vector<16xi32>
      %select_n3A_230 = arith.select %ne3A_227, %broadcast_in_dim3A_229, %bitcast3A_226 : vector<16xi1>, vector<16xi32>
      %shift_right_arithmetic3A_231 = arith.constant 31 : i32
      %shift_right_arithmetic3A_232 = vector.broadcast %shift_right_arithmetic3A_231 : i32 to vector<16xi32>
      %shift_right_arithmetic3A_233 = arith.shrsi %select_n3A_230, %shift_right_arithmetic3A_232 : vector<16xi32>
      %and3A_234 = arith.constant 2147483647 : i32
      %and3A_235 = vector.broadcast %and3A_234 : i32 to vector<16xi32>
      %and3A_236 = arith.andi %shift_right_arithmetic3A_233, %and3A_235 : vector<16xi32>
      %xor3A_237 = arith.xori %select_n3A_230, %and3A_236 : vector<16xi32>
      %gt3A_238 = arith.cmpi sgt, %xor3A_237, %select_n3A_198 : vector<16xi32>
      %select_n3A_239 = arith.select %gt3A_238, %xor3A_237, %select_n3A_198 : vector<16xi1>, vector<16xi32>
      %add3A_240 = arith.constant 32 : i32
      %add3A_241 = arith.addi %mul3A_0, %add3A_240 : i32
      %add3A_242 = vector.broadcast %add3A_241 : i32 to vector<16xi32>
      %add3A_243 = arith.addi %add3A_242, %iota3A : vector<16xi32>
      %select_n3A_244 = arith.select %gt3A_238, %add3A_243, %select_n3A_203 : vector<16xi1>, vector<16xi32>
      %get3A_245 = arith.constant 56 : index
      %get3A_246 = tpu.vector_load %arg5[%get3A_245] {strides = array<i32>} : memref<272xf32, #tpu.memory_space<vmem>>, vector<16xf32>,
      %sub3A_247 = arith.subf %get3A_246, %scan3A_124 : vector<16xf32>
      %abs3A_248 = math.absf %sub3A_247 : vector<16xf32>
      %get3A_249 = arith.constant 56 : index
      %get3A_250 = tpu.vector_load %arg6[%get3A_249] {strides = array<i32>} : memref<272xf32, #tpu.memory_space<vmem>>, vector<16xf32>,
      %sub3A_251 = arith.subf %get3A_250, %scan3A_125 : vector<16xf32>
      %abs3A_252 = math.absf %sub3A_251 : vector<16xf32>
      %add3A_253 = arith.addf %abs3A_248, %abs3A_252 : vector<16xf32>
      %get3A_254 = arith.constant 56 : index
      %get3A_255 = tpu.vector_load %arg7[%get3A_254] {strides = array<i32>} : memref<272xf32, #tpu.memory_space<vmem>>, vector<16xf32>,
      %sub3A_256 = arith.subf %get3A_255, %scan3A_126 : vector<16xf32>
      %abs3A_257 = math.absf %sub3A_256 : vector<16xf32>
      %add3A_258 = arith.addf %add3A_253, %abs3A_257 : vector<16xf32>
      %get3A_259 = arith.constant 48 : index
      %get3A_260 = tpu.vector_load %arg9[%get3A_259] {strides = array<i32>} : memref<256xf32, #tpu.memory_space<vmem>>, vector<16xf32>,
      %min3A_261 = arith.minimumf %get3A_260, %add3A_258 : vector<16xf32>
      %swap3A_262 = arith.constant 48 : index
      %swap3A_263 = tpu.vector_load %arg9[%swap3A_262] {strides = array<i32>} : memref<256xf32, #tpu.memory_space<vmem>>, vector<16xf32>,
      tpu.vector_store %arg9[%swap3A_262], %min3A_261 {strides = array<i32>} : memref<256xf32, #tpu.memory_space<vmem>>, vector<16xf32>,
      %get3A_264 = arith.constant 56 : index
      %get3A_265 = tpu.vector_load %arg8[%get3A_264] {strides = array<i32>} : memref<272xf32, #tpu.memory_space<vmem>>, vector<16xf32>,
      %mul3A_266 = arith.mulf %min3A_261, %get3A_265 : vector<16xf32>
      %bitcast3A_267 = vector.bitcast %mul3A_266 : vector<16xf32> to vector<16xi32>
      %ne3A_268 = arith.cmpf one, %mul3A_266, %mul3A_266 : vector<16xf32>
      %jit3A_269 = arith.constant 2143289344 : i32
      %broadcast_in_dim3A_270 = vector.broadcast %jit3A_269 : i32 to vector<16xi32>
      %select_n3A_271 = arith.select %ne3A_268, %broadcast_in_dim3A_270, %bitcast3A_267 : vector<16xi1>, vector<16xi32>
      %shift_right_arithmetic3A_272 = arith.constant 31 : i32
      %shift_right_arithmetic3A_273 = vector.broadcast %shift_right_arithmetic3A_272 : i32 to vector<16xi32>
      %shift_right_arithmetic3A_274 = arith.shrsi %select_n3A_271, %shift_right_arithmetic3A_273 : vector<16xi32>
      %and3A_275 = arith.constant 2147483647 : i32
      %and3A_276 = vector.broadcast %and3A_275 : i32 to vector<16xi32>
      %and3A_277 = arith.andi %shift_right_arithmetic3A_274, %and3A_276 : vector<16xi32>
      %xor3A_278 = arith.xori %select_n3A_271, %and3A_277 : vector<16xi32>
      %gt3A_279 = arith.cmpi sgt, %xor3A_278, %select_n3A_239 : vector<16xi32>
      %select_n3A_280 = arith.select %gt3A_279, %xor3A_278, %select_n3A_239 : vector<16xi1>, vector<16xi32>
      %add3A_281 = arith.constant 48 : i32
      %add3A_282 = arith.addi %mul3A_0, %add3A_281 : i32
      %add3A_283 = vector.broadcast %add3A_282 : i32 to vector<16xi32>
      %add3A_284 = arith.addi %add3A_283, %iota3A : vector<16xi32>
      %select_n3A_285 = arith.select %gt3A_279, %add3A_284, %select_n3A_244 : vector<16xi1>, vector<16xi32>
      %get3A_286 = arith.constant 72 : index
      %get3A_287 = tpu.vector_load %arg5[%get3A_286] {strides = array<i32>} : memref<272xf32, #tpu.memory_space<vmem>>, vector<16xf32>,
      %sub3A_288 = arith.subf %get3A_287, %scan3A_124 : vector<16xf32>
      %abs3A_289 = math.absf %sub3A_288 : vector<16xf32>
      %get3A_290 = arith.constant 72 : index
      %get3A_291 = tpu.vector_load %arg6[%get3A_290] {strides = array<i32>} : memref<272xf32, #tpu.memory_space<vmem>>, vector<16xf32>,
      %sub3A_292 = arith.subf %get3A_291, %scan3A_125 : vector<16xf32>
      %abs3A_293 = math.absf %sub3A_292 : vector<16xf32>
      %add3A_294 = arith.addf %abs3A_289, %abs3A_293 : vector<16xf32>
      %get3A_295 = arith.constant 72 : index
      %get3A_296 = tpu.vector_load %arg7[%get3A_295] {strides = array<i32>} : memref<272xf32, #tpu.memory_space<vmem>>, vector<16xf32>,
      %sub3A_297 = arith.subf %get3A_296, %scan3A_126 : vector<16xf32>
      %abs3A_298 = math.absf %sub3A_297 : vector<16xf32>
      %add3A_299 = arith.addf %add3A_294, %abs3A_298 : vector<16xf32>
      %get3A_300 = arith.constant 64 : index
      %get3A_301 = tpu.vector_load %arg9[%get3A_300] {strides = array<i32>} : memref<256xf32, #tpu.memory_space<vmem>>, vector<16xf32>,
      %min3A_302 = arith.minimumf %get3A_301, %add3A_299 : vector<16xf32>
      %swap3A_303 = arith.constant 64 : index
      %swap3A_304 = tpu.vector_load %arg9[%swap3A_303] {strides = array<i32>} : memref<256xf32, #tpu.memory_space<vmem>>, vector<16xf32>,
      tpu.vector_store %arg9[%swap3A_303], %min3A_302 {strides = array<i32>} : memref<256xf32, #tpu.memory_space<vmem>>, vector<16xf32>,
      %get3A_305 = arith.constant 72 : index
      %get3A_306 = tpu.vector_load %arg8[%get3A_305] {strides = array<i32>} : memref<272xf32, #tpu.memory_space<vmem>>, vector<16xf32>,
      %mul3A_307 = arith.mulf %min3A_302, %get3A_306 : vector<16xf32>
      %bitcast3A_308 = vector.bitcast %mul3A_307 : vector<16xf32> to vector<16xi32>
      %ne3A_309 = arith.cmpf one, %mul3A_307, %mul3A_307 : vector<16xf32>
      %jit3A_310 = arith.constant 2143289344 : i32
      %broadcast_in_dim3A_311 = vector.broadcast %jit3A_310 : i32 to vector<16xi32>
      %select_n3A_312 = arith.select %ne3A_309, %broadcast_in_dim3A_311, %bitcast3A_308 : vector<16xi1>, vector<16xi32>
      %shift_right_arithmetic3A_313 = arith.constant 31 : i32
      %shift_right_arithmetic3A_314 = vector.broadcast %shift_right_arithmetic3A_313 : i32 to vector<16xi32>
      %shift_right_arithmetic3A_315 = arith.shrsi %select_n3A_312, %shift_right_arithmetic3A_314 : vector<16xi32>
      %and3A_316 = arith.constant 2147483647 : i32
      %and3A_317 = vector.broadcast %and3A_316 : i32 to vector<16xi32>
      %and3A_318 = arith.andi %shift_right_arithmetic3A_315, %and3A_317 : vector<16xi32>
      %xor3A_319 = arith.xori %select_n3A_312, %and3A_318 : vector<16xi32>
      %gt3A_320 = arith.cmpi sgt, %xor3A_319, %select_n3A_280 : vector<16xi32>
      %select_n3A_321 = arith.select %gt3A_320, %xor3A_319, %select_n3A_280 : vector<16xi1>, vector<16xi32>
      %add3A_322 = arith.constant 64 : i32
      %add3A_323 = arith.addi %mul3A_0, %add3A_322 : i32
      %add3A_324 = vector.broadcast %add3A_323 : i32 to vector<16xi32>
      %add3A_325 = arith.addi %add3A_324, %iota3A : vector<16xi32>
      %select_n3A_326 = arith.select %gt3A_320, %add3A_325, %select_n3A_285 : vector<16xi1>, vector<16xi32>
      %get3A_327 = arith.constant 88 : index
      %get3A_328 = tpu.vector_load %arg5[%get3A_327] {strides = array<i32>} : memref<272xf32, #tpu.memory_space<vmem>>, vector<16xf32>,
      %sub3A_329 = arith.subf %get3A_328, %scan3A_124 : vector<16xf32>
      %abs3A_330 = math.absf %sub3A_329 : vector<16xf32>
      %get3A_331 = arith.constant 88 : index
      %get3A_332 = tpu.vector_load %arg6[%get3A_331] {strides = array<i32>} : memref<272xf32, #tpu.memory_space<vmem>>, vector<16xf32>,
      %sub3A_333 = arith.subf %get3A_332, %scan3A_125 : vector<16xf32>
      %abs3A_334 = math.absf %sub3A_333 : vector<16xf32>
      %add3A_335 = arith.addf %abs3A_330, %abs3A_334 : vector<16xf32>
      %get3A_336 = arith.constant 88 : index
      %get3A_337 = tpu.vector_load %arg7[%get3A_336] {strides = array<i32>} : memref<272xf32, #tpu.memory_space<vmem>>, vector<16xf32>,
      %sub3A_338 = arith.subf %get3A_337, %scan3A_126 : vector<16xf32>
      %abs3A_339 = math.absf %sub3A_338 : vector<16xf32>
      %add3A_340 = arith.addf %add3A_335, %abs3A_339 : vector<16xf32>
      %get3A_341 = arith.constant 80 : index
      %get3A_342 = tpu.vector_load %arg9[%get3A_341] {strides = array<i32>} : memref<256xf32, #tpu.memory_space<vmem>>, vector<16xf32>,
      %min3A_343 = arith.minimumf %get3A_342, %add3A_340 : vector<16xf32>
      %swap3A_344 = arith.constant 80 : index
      %swap3A_345 = tpu.vector_load %arg9[%swap3A_344] {strides = array<i32>} : memref<256xf32, #tpu.memory_space<vmem>>, vector<16xf32>,
      tpu.vector_store %arg9[%swap3A_344], %min3A_343 {strides = array<i32>} : memref<256xf32, #tpu.memory_space<vmem>>, vector<16xf32>,
      %get3A_346 = arith.constant 88 : index
      %get3A_347 = tpu.vector_load %arg8[%get3A_346] {strides = array<i32>} : memref<272xf32, #tpu.memory_space<vmem>>, vector<16xf32>,
      %mul3A_348 = arith.mulf %min3A_343, %get3A_347 : vector<16xf32>
      %bitcast3A_349 = vector.bitcast %mul3A_348 : vector<16xf32> to vector<16xi32>
      %ne3A_350 = arith.cmpf one, %mul3A_348, %mul3A_348 : vector<16xf32>
      %jit3A_351 = arith.constant 2143289344 : i32
      %broadcast_in_dim3A_352 = vector.broadcast %jit3A_351 : i32 to vector<16xi32>
      %select_n3A_353 = arith.select %ne3A_350, %broadcast_in_dim3A_352, %bitcast3A_349 : vector<16xi1>, vector<16xi32>
      %shift_right_arithmetic3A_354 = arith.constant 31 : i32
      %shift_right_arithmetic3A_355 = vector.broadcast %shift_right_arithmetic3A_354 : i32 to vector<16xi32>
      %shift_right_arithmetic3A_356 = arith.shrsi %select_n3A_353, %shift_right_arithmetic3A_355 : vector<16xi32>
      %and3A_357 = arith.constant 2147483647 : i32
      %and3A_358 = vector.broadcast %and3A_357 : i32 to vector<16xi32>
      %and3A_359 = arith.andi %shift_right_arithmetic3A_356, %and3A_358 : vector<16xi32>
      %xor3A_360 = arith.xori %select_n3A_353, %and3A_359 : vector<16xi32>
      %gt3A_361 = arith.cmpi sgt, %xor3A_360, %select_n3A_321 : vector<16xi32>
      %select_n3A_362 = arith.select %gt3A_361, %xor3A_360, %select_n3A_321 : vector<16xi1>, vector<16xi32>
      %add3A_363 = arith.constant 80 : i32
      %add3A_364 = arith.addi %mul3A_0, %add3A_363 : i32
      %add3A_365 = vector.broadcast %add3A_364 : i32 to vector<16xi32>
      %add3A_366 = arith.addi %add3A_365, %iota3A : vector<16xi32>
      %select_n3A_367 = arith.select %gt3A_361, %add3A_366, %select_n3A_326 : vector<16xi1>, vector<16xi32>
      %get3A_368 = arith.constant 104 : index
      %get3A_369 = tpu.vector_load %arg5[%get3A_368] {strides = array<i32>} : memref<272xf32, #tpu.memory_space<vmem>>, vector<16xf32>,
      %sub3A_370 = arith.subf %get3A_369, %scan3A_124 : vector<16xf32>
      %abs3A_371 = math.absf %sub3A_370 : vector<16xf32>
      %get3A_372 = arith.constant 104 : index
      %get3A_373 = tpu.vector_load %arg6[%get3A_372] {strides = array<i32>} : memref<272xf32, #tpu.memory_space<vmem>>, vector<16xf32>,
      %sub3A_374 = arith.subf %get3A_373, %scan3A_125 : vector<16xf32>
      %abs3A_375 = math.absf %sub3A_374 : vector<16xf32>
      %add3A_376 = arith.addf %abs3A_371, %abs3A_375 : vector<16xf32>
      %get3A_377 = arith.constant 104 : index
      %get3A_378 = tpu.vector_load %arg7[%get3A_377] {strides = array<i32>} : memref<272xf32, #tpu.memory_space<vmem>>, vector<16xf32>,
      %sub3A_379 = arith.subf %get3A_378, %scan3A_126 : vector<16xf32>
      %abs3A_380 = math.absf %sub3A_379 : vector<16xf32>
      %add3A_381 = arith.addf %add3A_376, %abs3A_380 : vector<16xf32>
      %get3A_382 = arith.constant 96 : index
      %get3A_383 = tpu.vector_load %arg9[%get3A_382] {strides = array<i32>} : memref<256xf32, #tpu.memory_space<vmem>>, vector<16xf32>,
      %min3A_384 = arith.minimumf %get3A_383, %add3A_381 : vector<16xf32>
      %swap3A_385 = arith.constant 96 : index
      %swap3A_386 = tpu.vector_load %arg9[%swap3A_385] {strides = array<i32>} : memref<256xf32, #tpu.memory_space<vmem>>, vector<16xf32>,
      tpu.vector_store %arg9[%swap3A_385], %min3A_384 {strides = array<i32>} : memref<256xf32, #tpu.memory_space<vmem>>, vector<16xf32>,
      %get3A_387 = arith.constant 104 : index
      %get3A_388 = tpu.vector_load %arg8[%get3A_387] {strides = array<i32>} : memref<272xf32, #tpu.memory_space<vmem>>, vector<16xf32>,
      %mul3A_389 = arith.mulf %min3A_384, %get3A_388 : vector<16xf32>
      %bitcast3A_390 = vector.bitcast %mul3A_389 : vector<16xf32> to vector<16xi32>
      %ne3A_391 = arith.cmpf one, %mul3A_389, %mul3A_389 : vector<16xf32>
      %jit3A_392 = arith.constant 2143289344 : i32
      %broadcast_in_dim3A_393 = vector.broadcast %jit3A_392 : i32 to vector<16xi32>
      %select_n3A_394 = arith.select %ne3A_391, %broadcast_in_dim3A_393, %bitcast3A_390 : vector<16xi1>, vector<16xi32>
      %shift_right_arithmetic3A_395 = arith.constant 31 : i32
      %shift_right_arithmetic3A_396 = vector.broadcast %shift_right_arithmetic3A_395 : i32 to vector<16xi32>
      %shift_right_arithmetic3A_397 = arith.shrsi %select_n3A_394, %shift_right_arithmetic3A_396 : vector<16xi32>
      %and3A_398 = arith.constant 2147483647 : i32
      %and3A_399 = vector.broadcast %and3A_398 : i32 to vector<16xi32>
      %and3A_400 = arith.andi %shift_right_arithmetic3A_397, %and3A_399 : vector<16xi32>
      %xor3A_401 = arith.xori %select_n3A_394, %and3A_400 : vector<16xi32>
      %gt3A_402 = arith.cmpi sgt, %xor3A_401, %select_n3A_362 : vector<16xi32>
      %select_n3A_403 = arith.select %gt3A_402, %xor3A_401, %select_n3A_362 : vector<16xi1>, vector<16xi32>
      %add3A_404 = arith.constant 96 : i32
      %add3A_405 = arith.addi %mul3A_0, %add3A_404 : i32
      %add3A_406 = vector.broadcast %add3A_405 : i32 to vector<16xi32>
      %add3A_407 = arith.addi %add3A_406, %iota3A : vector<16xi32>
      %select_n3A_408 = arith.select %gt3A_402, %add3A_407, %select_n3A_367 : vector<16xi1>, vector<16xi32>
      %get3A_409 = arith.constant 120 : index
      %get3A_410 = tpu.vector_load %arg5[%get3A_409] {strides = array<i32>} : memref<272xf32, #tpu.memory_space<vmem>>, vector<16xf32>,
      %sub3A_411 = arith.subf %get3A_410, %scan3A_124 : vector<16xf32>
      %abs3A_412 = math.absf %sub3A_411 : vector<16xf32>
      %get3A_413 = arith.constant 120 : index
      %get3A_414 = tpu.vector_load %arg6[%get3A_413] {strides = array<i32>} : memref<272xf32, #tpu.memory_space<vmem>>, vector<16xf32>,
      %sub3A_415 = arith.subf %get3A_414, %scan3A_125 : vector<16xf32>
      %abs3A_416 = math.absf %sub3A_415 : vector<16xf32>
      %add3A_417 = arith.addf %abs3A_412, %abs3A_416 : vector<16xf32>
      %get3A_418 = arith.constant 120 : index
      %get3A_419 = tpu.vector_load %arg7[%get3A_418] {strides = array<i32>} : memref<272xf32, #tpu.memory_space<vmem>>, vector<16xf32>,
      %sub3A_420 = arith.subf %get3A_419, %scan3A_126 : vector<16xf32>
      %abs3A_421 = math.absf %sub3A_420 : vector<16xf32>
      %add3A_422 = arith.addf %add3A_417, %abs3A_421 : vector<16xf32>
      %get3A_423 = arith.constant 112 : index
      %get3A_424 = tpu.vector_load %arg9[%get3A_423] {strides = array<i32>} : memref<256xf32, #tpu.memory_space<vmem>>, vector<16xf32>,
      %min3A_425 = arith.minimumf %get3A_424, %add3A_422 : vector<16xf32>
      %swap3A_426 = arith.constant 112 : index
      %swap3A_427 = tpu.vector_load %arg9[%swap3A_426] {strides = array<i32>} : memref<256xf32, #tpu.memory_space<vmem>>, vector<16xf32>,
      tpu.vector_store %arg9[%swap3A_426], %min3A_425 {strides = array<i32>} : memref<256xf32, #tpu.memory_space<vmem>>, vector<16xf32>,
      %get3A_428 = arith.constant 120 : index
      %get3A_429 = tpu.vector_load %arg8[%get3A_428] {strides = array<i32>} : memref<272xf32, #tpu.memory_space<vmem>>, vector<16xf32>,
      %mul3A_430 = arith.mulf %min3A_425, %get3A_429 : vector<16xf32>
      %bitcast3A_431 = vector.bitcast %mul3A_430 : vector<16xf32> to vector<16xi32>
      %ne3A_432 = arith.cmpf one, %mul3A_430, %mul3A_430 : vector<16xf32>
      %jit3A_433 = arith.constant 2143289344 : i32
      %broadcast_in_dim3A_434 = vector.broadcast %jit3A_433 : i32 to vector<16xi32>
      %select_n3A_435 = arith.select %ne3A_432, %broadcast_in_dim3A_434, %bitcast3A_431 : vector<16xi1>, vector<16xi32>
      %shift_right_arithmetic3A_436 = arith.constant 31 : i32
      %shift_right_arithmetic3A_437 = vector.broadcast %shift_right_arithmetic3A_436 : i32 to vector<16xi32>
      %shift_right_arithmetic3A_438 = arith.shrsi %select_n3A_435, %shift_right_arithmetic3A_437 : vector<16xi32>
      %and3A_439 = arith.constant 2147483647 : i32
      %and3A_440 = vector.broadcast %and3A_439 : i32 to vector<16xi32>
      %and3A_441 = arith.andi %shift_right_arithmetic3A_438, %and3A_440 : vector<16xi32>
      %xor3A_442 = arith.xori %select_n3A_435, %and3A_441 : vector<16xi32>
      %gt3A_443 = arith.cmpi sgt, %xor3A_442, %select_n3A_403 : vector<16xi32>
      %select_n3A_444 = arith.select %gt3A_443, %xor3A_442, %select_n3A_403 : vector<16xi1>, vector<16xi32>
      %add3A_445 = arith.constant 112 : i32
      %add3A_446 = arith.addi %mul3A_0, %add3A_445 : i32
      %add3A_447 = vector.broadcast %add3A_446 : i32 to vector<16xi32>
      %add3A_448 = arith.addi %add3A_447, %iota3A : vector<16xi32>
      %select_n3A_449 = arith.select %gt3A_443, %add3A_448, %select_n3A_408 : vector<16xi1>, vector<16xi32>
      %get3A_450 = arith.constant 136 : index
      %get3A_451 = tpu.vector_load %arg5[%get3A_450] {strides = array<i32>} : memref<272xf32, #tpu.memory_space<vmem>>, vector<16xf32>,
      %sub3A_452 = arith.subf %get3A_451, %scan3A_124 : vector<16xf32>
      %abs3A_453 = math.absf %sub3A_452 : vector<16xf32>
      %get3A_454 = arith.constant 136 : index
      %get3A_455 = tpu.vector_load %arg6[%get3A_454] {strides = array<i32>} : memref<272xf32, #tpu.memory_space<vmem>>, vector<16xf32>,
      %sub3A_456 = arith.subf %get3A_455, %scan3A_125 : vector<16xf32>
      %abs3A_457 = math.absf %sub3A_456 : vector<16xf32>
      %add3A_458 = arith.addf %abs3A_453, %abs3A_457 : vector<16xf32>
      %get3A_459 = arith.constant 136 : index
      %get3A_460 = tpu.vector_load %arg7[%get3A_459] {strides = array<i32>} : memref<272xf32, #tpu.memory_space<vmem>>, vector<16xf32>,
      %sub3A_461 = arith.subf %get3A_460, %scan3A_126 : vector<16xf32>
      %abs3A_462 = math.absf %sub3A_461 : vector<16xf32>
      %add3A_463 = arith.addf %add3A_458, %abs3A_462 : vector<16xf32>
      %get3A_464 = arith.constant 128 : index
      %get3A_465 = tpu.vector_load %arg9[%get3A_464] {strides = array<i32>} : memref<256xf32, #tpu.memory_space<vmem>>, vector<16xf32>,
      %min3A_466 = arith.minimumf %get3A_465, %add3A_463 : vector<16xf32>
      %swap3A_467 = arith.constant 128 : index
      %swap3A_468 = tpu.vector_load %arg9[%swap3A_467] {strides = array<i32>} : memref<256xf32, #tpu.memory_space<vmem>>, vector<16xf32>,
      tpu.vector_store %arg9[%swap3A_467], %min3A_466 {strides = array<i32>} : memref<256xf32, #tpu.memory_space<vmem>>, vector<16xf32>,
      %get3A_469 = arith.constant 136 : index
      %get3A_470 = tpu.vector_load %arg8[%get3A_469] {strides = array<i32>} : memref<272xf32, #tpu.memory_space<vmem>>, vector<16xf32>,
      %mul3A_471 = arith.mulf %min3A_466, %get3A_470 : vector<16xf32>
      %bitcast3A_472 = vector.bitcast %mul3A_471 : vector<16xf32> to vector<16xi32>
      %ne3A_473 = arith.cmpf one, %mul3A_471, %mul3A_471 : vector<16xf32>
      %jit3A_474 = arith.constant 2143289344 : i32
      %broadcast_in_dim3A_475 = vector.broadcast %jit3A_474 : i32 to vector<16xi32>
      %select_n3A_476 = arith.select %ne3A_473, %broadcast_in_dim3A_475, %bitcast3A_472 : vector<16xi1>, vector<16xi32>
      %shift_right_arithmetic3A_477 = arith.constant 31 : i32
      %shift_right_arithmetic3A_478 = vector.broadcast %shift_right_arithmetic3A_477 : i32 to vector<16xi32>
      %shift_right_arithmetic3A_479 = arith.shrsi %select_n3A_476, %shift_right_arithmetic3A_478 : vector<16xi32>
      %and3A_480 = arith.constant 2147483647 : i32
      %and3A_481 = vector.broadcast %and3A_480 : i32 to vector<16xi32>
      %and3A_482 = arith.andi %shift_right_arithmetic3A_479, %and3A_481 : vector<16xi32>
      %xor3A_483 = arith.xori %select_n3A_476, %and3A_482 : vector<16xi32>
      %gt3A_484 = arith.cmpi sgt, %xor3A_483, %select_n3A_444 : vector<16xi32>
      %select_n3A_485 = arith.select %gt3A_484, %xor3A_483, %select_n3A_444 : vector<16xi1>, vector<16xi32>
      %add3A_486 = arith.constant 128 : i32
      %add3A_487 = arith.addi %mul3A_0, %add3A_486 : i32
      %add3A_488 = vector.broadcast %add3A_487 : i32 to vector<16xi32>
      %add3A_489 = arith.addi %add3A_488, %iota3A : vector<16xi32>
      %select_n3A_490 = arith.select %gt3A_484, %add3A_489, %select_n3A_449 : vector<16xi1>, vector<16xi32>
      %get3A_491 = arith.constant 152 : index
      %get3A_492 = tpu.vector_load %arg5[%get3A_491] {strides = array<i32>} : memref<272xf32, #tpu.memory_space<vmem>>, vector<16xf32>,
      %sub3A_493 = arith.subf %get3A_492, %scan3A_124 : vector<16xf32>
      %abs3A_494 = math.absf %sub3A_493 : vector<16xf32>
      %get3A_495 = arith.constant 152 : index
      %get3A_496 = tpu.vector_load %arg6[%get3A_495] {strides = array<i32>} : memref<272xf32, #tpu.memory_space<vmem>>, vector<16xf32>,
      %sub3A_497 = arith.subf %get3A_496, %scan3A_125 : vector<16xf32>
      %abs3A_498 = math.absf %sub3A_497 : vector<16xf32>
      %add3A_499 = arith.addf %abs3A_494, %abs3A_498 : vector<16xf32>
      %get3A_500 = arith.constant 152 : index
      %get3A_501 = tpu.vector_load %arg7[%get3A_500] {strides = array<i32>} : memref<272xf32, #tpu.memory_space<vmem>>, vector<16xf32>,
      %sub3A_502 = arith.subf %get3A_501, %scan3A_126 : vector<16xf32>
      %abs3A_503 = math.absf %sub3A_502 : vector<16xf32>
      %add3A_504 = arith.addf %add3A_499, %abs3A_503 : vector<16xf32>
      %get3A_505 = arith.constant 144 : index
      %get3A_506 = tpu.vector_load %arg9[%get3A_505] {strides = array<i32>} : memref<256xf32, #tpu.memory_space<vmem>>, vector<16xf32>,
      %min3A_507 = arith.minimumf %get3A_506, %add3A_504 : vector<16xf32>
      %swap3A_508 = arith.constant 144 : index
      %swap3A_509 = tpu.vector_load %arg9[%swap3A_508] {strides = array<i32>} : memref<256xf32, #tpu.memory_space<vmem>>, vector<16xf32>,
      tpu.vector_store %arg9[%swap3A_508], %min3A_507 {strides = array<i32>} : memref<256xf32, #tpu.memory_space<vmem>>, vector<16xf32>,
      %get3A_510 = arith.constant 152 : index
      %get3A_511 = tpu.vector_load %arg8[%get3A_510] {strides = array<i32>} : memref<272xf32, #tpu.memory_space<vmem>>, vector<16xf32>,
      %mul3A_512 = arith.mulf %min3A_507, %get3A_511 : vector<16xf32>
      %bitcast3A_513 = vector.bitcast %mul3A_512 : vector<16xf32> to vector<16xi32>
      %ne3A_514 = arith.cmpf one, %mul3A_512, %mul3A_512 : vector<16xf32>
      %jit3A_515 = arith.constant 2143289344 : i32
      %broadcast_in_dim3A_516 = vector.broadcast %jit3A_515 : i32 to vector<16xi32>
      %select_n3A_517 = arith.select %ne3A_514, %broadcast_in_dim3A_516, %bitcast3A_513 : vector<16xi1>, vector<16xi32>
      %shift_right_arithmetic3A_518 = arith.constant 31 : i32
      %shift_right_arithmetic3A_519 = vector.broadcast %shift_right_arithmetic3A_518 : i32 to vector<16xi32>
      %shift_right_arithmetic3A_520 = arith.shrsi %select_n3A_517, %shift_right_arithmetic3A_519 : vector<16xi32>
      %and3A_521 = arith.constant 2147483647 : i32
      %and3A_522 = vector.broadcast %and3A_521 : i32 to vector<16xi32>
      %and3A_523 = arith.andi %shift_right_arithmetic3A_520, %and3A_522 : vector<16xi32>
      %xor3A_524 = arith.xori %select_n3A_517, %and3A_523 : vector<16xi32>
      %gt3A_525 = arith.cmpi sgt, %xor3A_524, %select_n3A_485 : vector<16xi32>
      %select_n3A_526 = arith.select %gt3A_525, %xor3A_524, %select_n3A_485 : vector<16xi1>, vector<16xi32>
      %add3A_527 = arith.constant 144 : i32
      %add3A_528 = arith.addi %mul3A_0, %add3A_527 : i32
      %add3A_529 = vector.broadcast %add3A_528 : i32 to vector<16xi32>
      %add3A_530 = arith.addi %add3A_529, %iota3A : vector<16xi32>
      %select_n3A_531 = arith.select %gt3A_525, %add3A_530, %select_n3A_490 : vector<16xi1>, vector<16xi32>
      %get3A_532 = arith.constant 168 : index
      %get3A_533 = tpu.vector_load %arg5[%get3A_532] {strides = array<i32>} : memref<272xf32, #tpu.memory_space<vmem>>, vector<16xf32>,
      %sub3A_534 = arith.subf %get3A_533, %scan3A_124 : vector<16xf32>
      %abs3A_535 = math.absf %sub3A_534 : vector<16xf32>
      %get3A_536 = arith.constant 168 : index
      %get3A_537 = tpu.vector_load %arg6[%get3A_536] {strides = array<i32>} : memref<272xf32, #tpu.memory_space<vmem>>, vector<16xf32>,
      %sub3A_538 = arith.subf %get3A_537, %scan3A_125 : vector<16xf32>
      %abs3A_539 = math.absf %sub3A_538 : vector<16xf32>
      %add3A_540 = arith.addf %abs3A_535, %abs3A_539 : vector<16xf32>
      %get3A_541 = arith.constant 168 : index
      %get3A_542 = tpu.vector_load %arg7[%get3A_541] {strides = array<i32>} : memref<272xf32, #tpu.memory_space<vmem>>, vector<16xf32>,
      %sub3A_543 = arith.subf %get3A_542, %scan3A_126 : vector<16xf32>
      %abs3A_544 = math.absf %sub3A_543 : vector<16xf32>
      %add3A_545 = arith.addf %add3A_540, %abs3A_544 : vector<16xf32>
      %get3A_546 = arith.constant 160 : index
      %get3A_547 = tpu.vector_load %arg9[%get3A_546] {strides = array<i32>} : memref<256xf32, #tpu.memory_space<vmem>>, vector<16xf32>,
      %min3A_548 = arith.minimumf %get3A_547, %add3A_545 : vector<16xf32>
      %swap3A_549 = arith.constant 160 : index
      %swap3A_550 = tpu.vector_load %arg9[%swap3A_549] {strides = array<i32>} : memref<256xf32, #tpu.memory_space<vmem>>, vector<16xf32>,
      tpu.vector_store %arg9[%swap3A_549], %min3A_548 {strides = array<i32>} : memref<256xf32, #tpu.memory_space<vmem>>, vector<16xf32>,
      %get3A_551 = arith.constant 168 : index
      %get3A_552 = tpu.vector_load %arg8[%get3A_551] {strides = array<i32>} : memref<272xf32, #tpu.memory_space<vmem>>, vector<16xf32>,
      %mul3A_553 = arith.mulf %min3A_548, %get3A_552 : vector<16xf32>
      %bitcast3A_554 = vector.bitcast %mul3A_553 : vector<16xf32> to vector<16xi32>
      %ne3A_555 = arith.cmpf one, %mul3A_553, %mul3A_553 : vector<16xf32>
      %jit3A_556 = arith.constant 2143289344 : i32
      %broadcast_in_dim3A_557 = vector.broadcast %jit3A_556 : i32 to vector<16xi32>
      %select_n3A_558 = arith.select %ne3A_555, %broadcast_in_dim3A_557, %bitcast3A_554 : vector<16xi1>, vector<16xi32>
      %shift_right_arithmetic3A_559 = arith.constant 31 : i32
      %shift_right_arithmetic3A_560 = vector.broadcast %shift_right_arithmetic3A_559 : i32 to vector<16xi32>
      %shift_right_arithmetic3A_561 = arith.shrsi %select_n3A_558, %shift_right_arithmetic3A_560 : vector<16xi32>
      %and3A_562 = arith.constant 2147483647 : i32
      %and3A_563 = vector.broadcast %and3A_562 : i32 to vector<16xi32>
      %and3A_564 = arith.andi %shift_right_arithmetic3A_561, %and3A_563 : vector<16xi32>
      %xor3A_565 = arith.xori %select_n3A_558, %and3A_564 : vector<16xi32>
      %gt3A_566 = arith.cmpi sgt, %xor3A_565, %select_n3A_526 : vector<16xi32>
      %select_n3A_567 = arith.select %gt3A_566, %xor3A_565, %select_n3A_526 : vector<16xi1>, vector<16xi32>
      %add3A_568 = arith.constant 160 : i32
      %add3A_569 = arith.addi %mul3A_0, %add3A_568 : i32
      %add3A_570 = vector.broadcast %add3A_569 : i32 to vector<16xi32>
      %add3A_571 = arith.addi %add3A_570, %iota3A : vector<16xi32>
      %select_n3A_572 = arith.select %gt3A_566, %add3A_571, %select_n3A_531 : vector<16xi1>, vector<16xi32>
      %get3A_573 = arith.constant 184 : index
      %get3A_574 = tpu.vector_load %arg5[%get3A_573] {strides = array<i32>} : memref<272xf32, #tpu.memory_space<vmem>>, vector<16xf32>,
      %sub3A_575 = arith.subf %get3A_574, %scan3A_124 : vector<16xf32>
      %abs3A_576 = math.absf %sub3A_575 : vector<16xf32>
      %get3A_577 = arith.constant 184 : index
      %get3A_578 = tpu.vector_load %arg6[%get3A_577] {strides = array<i32>} : memref<272xf32, #tpu.memory_space<vmem>>, vector<16xf32>,
      %sub3A_579 = arith.subf %get3A_578, %scan3A_125 : vector<16xf32>
      %abs3A_580 = math.absf %sub3A_579 : vector<16xf32>
      %add3A_581 = arith.addf %abs3A_576, %abs3A_580 : vector<16xf32>
      %get3A_582 = arith.constant 184 : index
      %get3A_583 = tpu.vector_load %arg7[%get3A_582] {strides = array<i32>} : memref<272xf32, #tpu.memory_space<vmem>>, vector<16xf32>,
      %sub3A_584 = arith.subf %get3A_583, %scan3A_126 : vector<16xf32>
      %abs3A_585 = math.absf %sub3A_584 : vector<16xf32>
      %add3A_586 = arith.addf %add3A_581, %abs3A_585 : vector<16xf32>
      %get3A_587 = arith.constant 176 : index
      %get3A_588 = tpu.vector_load %arg9[%get3A_587] {strides = array<i32>} : memref<256xf32, #tpu.memory_space<vmem>>, vector<16xf32>,
      %min3A_589 = arith.minimumf %get3A_588, %add3A_586 : vector<16xf32>
      %swap3A_590 = arith.constant 176 : index
      %swap3A_591 = tpu.vector_load %arg9[%swap3A_590] {strides = array<i32>} : memref<256xf32, #tpu.memory_space<vmem>>, vector<16xf32>,
      tpu.vector_store %arg9[%swap3A_590], %min3A_589 {strides = array<i32>} : memref<256xf32, #tpu.memory_space<vmem>>, vector<16xf32>,
      %get3A_592 = arith.constant 184 : index
      %get3A_593 = tpu.vector_load %arg8[%get3A_592] {strides = array<i32>} : memref<272xf32, #tpu.memory_space<vmem>>, vector<16xf32>,
      %mul3A_594 = arith.mulf %min3A_589, %get3A_593 : vector<16xf32>
      %bitcast3A_595 = vector.bitcast %mul3A_594 : vector<16xf32> to vector<16xi32>
      %ne3A_596 = arith.cmpf one, %mul3A_594, %mul3A_594 : vector<16xf32>
      %jit3A_597 = arith.constant 2143289344 : i32
      %broadcast_in_dim3A_598 = vector.broadcast %jit3A_597 : i32 to vector<16xi32>
      %select_n3A_599 = arith.select %ne3A_596, %broadcast_in_dim3A_598, %bitcast3A_595 : vector<16xi1>, vector<16xi32>
      %shift_right_arithmetic3A_600 = arith.constant 31 : i32
      %shift_right_arithmetic3A_601 = vector.broadcast %shift_right_arithmetic3A_600 : i32 to vector<16xi32>
      %shift_right_arithmetic3A_602 = arith.shrsi %select_n3A_599, %shift_right_arithmetic3A_601 : vector<16xi32>
      %and3A_603 = arith.constant 2147483647 : i32
      %and3A_604 = vector.broadcast %and3A_603 : i32 to vector<16xi32>
      %and3A_605 = arith.andi %shift_right_arithmetic3A_602, %and3A_604 : vector<16xi32>
      %xor3A_606 = arith.xori %select_n3A_599, %and3A_605 : vector<16xi32>
      %gt3A_607 = arith.cmpi sgt, %xor3A_606, %select_n3A_567 : vector<16xi32>
      %select_n3A_608 = arith.select %gt3A_607, %xor3A_606, %select_n3A_567 : vector<16xi1>, vector<16xi32>
      %add3A_609 = arith.constant 176 : i32
      %add3A_610 = arith.addi %mul3A_0, %add3A_609 : i32
      %add3A_611 = vector.broadcast %add3A_610 : i32 to vector<16xi32>
      %add3A_612 = arith.addi %add3A_611, %iota3A : vector<16xi32>
      %select_n3A_613 = arith.select %gt3A_607, %add3A_612, %select_n3A_572 : vector<16xi1>, vector<16xi32>
      %get3A_614 = arith.constant 200 : index
      %get3A_615 = tpu.vector_load %arg5[%get3A_614] {strides = array<i32>} : memref<272xf32, #tpu.memory_space<vmem>>, vector<16xf32>,
      %sub3A_616 = arith.subf %get3A_615, %scan3A_124 : vector<16xf32>
      %abs3A_617 = math.absf %sub3A_616 : vector<16xf32>
      %get3A_618 = arith.constant 200 : index
      %get3A_619 = tpu.vector_load %arg6[%get3A_618] {strides = array<i32>} : memref<272xf32, #tpu.memory_space<vmem>>, vector<16xf32>,
      %sub3A_620 = arith.subf %get3A_619, %scan3A_125 : vector<16xf32>
      %abs3A_621 = math.absf %sub3A_620 : vector<16xf32>
      %add3A_622 = arith.addf %abs3A_617, %abs3A_621 : vector<16xf32>
      %get3A_623 = arith.constant 200 : index
      %get3A_624 = tpu.vector_load %arg7[%get3A_623] {strides = array<i32>} : memref<272xf32, #tpu.memory_space<vmem>>, vector<16xf32>,
      %sub3A_625 = arith.subf %get3A_624, %scan3A_126 : vector<16xf32>
      %abs3A_626 = math.absf %sub3A_625 : vector<16xf32>
      %add3A_627 = arith.addf %add3A_622, %abs3A_626 : vector<16xf32>
      %get3A_628 = arith.constant 192 : index
      %get3A_629 = tpu.vector_load %arg9[%get3A_628] {strides = array<i32>} : memref<256xf32, #tpu.memory_space<vmem>>, vector<16xf32>,
      %min3A_630 = arith.minimumf %get3A_629, %add3A_627 : vector<16xf32>
      %swap3A_631 = arith.constant 192 : index
      %swap3A_632 = tpu.vector_load %arg9[%swap3A_631] {strides = array<i32>} : memref<256xf32, #tpu.memory_space<vmem>>, vector<16xf32>,
      tpu.vector_store %arg9[%swap3A_631], %min3A_630 {strides = array<i32>} : memref<256xf32, #tpu.memory_space<vmem>>, vector<16xf32>,
      %get3A_633 = arith.constant 200 : index
      %get3A_634 = tpu.vector_load %arg8[%get3A_633] {strides = array<i32>} : memref<272xf32, #tpu.memory_space<vmem>>, vector<16xf32>,
      %mul3A_635 = arith.mulf %min3A_630, %get3A_634 : vector<16xf32>
      %bitcast3A_636 = vector.bitcast %mul3A_635 : vector<16xf32> to vector<16xi32>
      %ne3A_637 = arith.cmpf one, %mul3A_635, %mul3A_635 : vector<16xf32>
      %jit3A_638 = arith.constant 2143289344 : i32
      %broadcast_in_dim3A_639 = vector.broadcast %jit3A_638 : i32 to vector<16xi32>
      %select_n3A_640 = arith.select %ne3A_637, %broadcast_in_dim3A_639, %bitcast3A_636 : vector<16xi1>, vector<16xi32>
      %shift_right_arithmetic3A_641 = arith.constant 31 : i32
      %shift_right_arithmetic3A_642 = vector.broadcast %shift_right_arithmetic3A_641 : i32 to vector<16xi32>
      %shift_right_arithmetic3A_643 = arith.shrsi %select_n3A_640, %shift_right_arithmetic3A_642 : vector<16xi32>
      %and3A_644 = arith.constant 2147483647 : i32
      %and3A_645 = vector.broadcast %and3A_644 : i32 to vector<16xi32>
      %and3A_646 = arith.andi %shift_right_arithmetic3A_643, %and3A_645 : vector<16xi32>
      %xor3A_647 = arith.xori %select_n3A_640, %and3A_646 : vector<16xi32>
      %gt3A_648 = arith.cmpi sgt, %xor3A_647, %select_n3A_608 : vector<16xi32>
      %select_n3A_649 = arith.select %gt3A_648, %xor3A_647, %select_n3A_608 : vector<16xi1>, vector<16xi32>
      %add3A_650 = arith.constant 192 : i32
      %add3A_651 = arith.addi %mul3A_0, %add3A_650 : i32
      %add3A_652 = vector.broadcast %add3A_651 : i32 to vector<16xi32>
      %add3A_653 = arith.addi %add3A_652, %iota3A : vector<16xi32>
      %select_n3A_654 = arith.select %gt3A_648, %add3A_653, %select_n3A_613 : vector<16xi1>, vector<16xi32>
      %get3A_655 = arith.constant 216 : index
      %get3A_656 = tpu.vector_load %arg5[%get3A_655] {strides = array<i32>} : memref<272xf32, #tpu.memory_space<vmem>>, vector<16xf32>,
      %sub3A_657 = arith.subf %get3A_656, %scan3A_124 : vector<16xf32>
      %abs3A_658 = math.absf %sub3A_657 : vector<16xf32>
      %get3A_659 = arith.constant 216 : index
      %get3A_660 = tpu.vector_load %arg6[%get3A_659] {strides = array<i32>} : memref<272xf32, #tpu.memory_space<vmem>>, vector<16xf32>,
      %sub3A_661 = arith.subf %get3A_660, %scan3A_125 : vector<16xf32>
      %abs3A_662 = math.absf %sub3A_661 : vector<16xf32>
      %add3A_663 = arith.addf %abs3A_658, %abs3A_662 : vector<16xf32>
      %get3A_664 = arith.constant 216 : index
      %get3A_665 = tpu.vector_load %arg7[%get3A_664] {strides = array<i32>} : memref<272xf32, #tpu.memory_space<vmem>>, vector<16xf32>,
      %sub3A_666 = arith.subf %get3A_665, %scan3A_126 : vector<16xf32>
      %abs3A_667 = math.absf %sub3A_666 : vector<16xf32>
      %add3A_668 = arith.addf %add3A_663, %abs3A_667 : vector<16xf32>
      %get3A_669 = arith.constant 208 : index
      %get3A_670 = tpu.vector_load %arg9[%get3A_669] {strides = array<i32>} : memref<256xf32, #tpu.memory_space<vmem>>, vector<16xf32>,
      %min3A_671 = arith.minimumf %get3A_670, %add3A_668 : vector<16xf32>
      %swap3A_672 = arith.constant 208 : index
      %swap3A_673 = tpu.vector_load %arg9[%swap3A_672] {strides = array<i32>} : memref<256xf32, #tpu.memory_space<vmem>>, vector<16xf32>,
      tpu.vector_store %arg9[%swap3A_672], %min3A_671 {strides = array<i32>} : memref<256xf32, #tpu.memory_space<vmem>>, vector<16xf32>,
      %get3A_674 = arith.constant 216 : index
      %get3A_675 = tpu.vector_load %arg8[%get3A_674] {strides = array<i32>} : memref<272xf32, #tpu.memory_space<vmem>>, vector<16xf32>,
      %mul3A_676 = arith.mulf %min3A_671, %get3A_675 : vector<16xf32>
      %bitcast3A_677 = vector.bitcast %mul3A_676 : vector<16xf32> to vector<16xi32>
      %ne3A_678 = arith.cmpf one, %mul3A_676, %mul3A_676 : vector<16xf32>
      %jit3A_679 = arith.constant 2143289344 : i32
      %broadcast_in_dim3A_680 = vector.broadcast %jit3A_679 : i32 to vector<16xi32>
      %select_n3A_681 = arith.select %ne3A_678, %broadcast_in_dim3A_680, %bitcast3A_677 : vector<16xi1>, vector<16xi32>
      %shift_right_arithmetic3A_682 = arith.constant 31 : i32
      %shift_right_arithmetic3A_683 = vector.broadcast %shift_right_arithmetic3A_682 : i32 to vector<16xi32>
      %shift_right_arithmetic3A_684 = arith.shrsi %select_n3A_681, %shift_right_arithmetic3A_683 : vector<16xi32>
      %and3A_685 = arith.constant 2147483647 : i32
      %and3A_686 = vector.broadcast %and3A_685 : i32 to vector<16xi32>
      %and3A_687 = arith.andi %shift_right_arithmetic3A_684, %and3A_686 : vector<16xi32>
      %xor3A_688 = arith.xori %select_n3A_681, %and3A_687 : vector<16xi32>
      %gt3A_689 = arith.cmpi sgt, %xor3A_688, %select_n3A_649 : vector<16xi32>
      %select_n3A_690 = arith.select %gt3A_689, %xor3A_688, %select_n3A_649 : vector<16xi1>, vector<16xi32>
      %add3A_691 = arith.constant 208 : i32
      %add3A_692 = arith.addi %mul3A_0, %add3A_691 : i32
      %add3A_693 = vector.broadcast %add3A_692 : i32 to vector<16xi32>
      %add3A_694 = arith.addi %add3A_693, %iota3A : vector<16xi32>
      %select_n3A_695 = arith.select %gt3A_689, %add3A_694, %select_n3A_654 : vector<16xi1>, vector<16xi32>
      %get3A_696 = arith.constant 232 : index
      %get3A_697 = tpu.vector_load %arg5[%get3A_696] {strides = array<i32>} : memref<272xf32, #tpu.memory_space<vmem>>, vector<16xf32>,
      %sub3A_698 = arith.subf %get3A_697, %scan3A_124 : vector<16xf32>
      %abs3A_699 = math.absf %sub3A_698 : vector<16xf32>
      %get3A_700 = arith.constant 232 : index
      %get3A_701 = tpu.vector_load %arg6[%get3A_700] {strides = array<i32>} : memref<272xf32, #tpu.memory_space<vmem>>, vector<16xf32>,
      %sub3A_702 = arith.subf %get3A_701, %scan3A_125 : vector<16xf32>
      %abs3A_703 = math.absf %sub3A_702 : vector<16xf32>
      %add3A_704 = arith.addf %abs3A_699, %abs3A_703 : vector<16xf32>
      %get3A_705 = arith.constant 232 : index
      %get3A_706 = tpu.vector_load %arg7[%get3A_705] {strides = array<i32>} : memref<272xf32, #tpu.memory_space<vmem>>, vector<16xf32>,
      %sub3A_707 = arith.subf %get3A_706, %scan3A_126 : vector<16xf32>
      %abs3A_708 = math.absf %sub3A_707 : vector<16xf32>
      %add3A_709 = arith.addf %add3A_704, %abs3A_708 : vector<16xf32>
      %get3A_710 = arith.constant 224 : index
      %get3A_711 = tpu.vector_load %arg9[%get3A_710] {strides = array<i32>} : memref<256xf32, #tpu.memory_space<vmem>>, vector<16xf32>,
      %min3A_712 = arith.minimumf %get3A_711, %add3A_709 : vector<16xf32>
      %swap3A_713 = arith.constant 224 : index
      %swap3A_714 = tpu.vector_load %arg9[%swap3A_713] {strides = array<i32>} : memref<256xf32, #tpu.memory_space<vmem>>, vector<16xf32>,
      tpu.vector_store %arg9[%swap3A_713], %min3A_712 {strides = array<i32>} : memref<256xf32, #tpu.memory_space<vmem>>, vector<16xf32>,
      %get3A_715 = arith.constant 232 : index
      %get3A_716 = tpu.vector_load %arg8[%get3A_715] {strides = array<i32>} : memref<272xf32, #tpu.memory_space<vmem>>, vector<16xf32>,
      %mul3A_717 = arith.mulf %min3A_712, %get3A_716 : vector<16xf32>
      %bitcast3A_718 = vector.bitcast %mul3A_717 : vector<16xf32> to vector<16xi32>
      %ne3A_719 = arith.cmpf one, %mul3A_717, %mul3A_717 : vector<16xf32>
      %jit3A_720 = arith.constant 2143289344 : i32
      %broadcast_in_dim3A_721 = vector.broadcast %jit3A_720 : i32 to vector<16xi32>
      %select_n3A_722 = arith.select %ne3A_719, %broadcast_in_dim3A_721, %bitcast3A_718 : vector<16xi1>, vector<16xi32>
      %shift_right_arithmetic3A_723 = arith.constant 31 : i32
      %shift_right_arithmetic3A_724 = vector.broadcast %shift_right_arithmetic3A_723 : i32 to vector<16xi32>
      %shift_right_arithmetic3A_725 = arith.shrsi %select_n3A_722, %shift_right_arithmetic3A_724 : vector<16xi32>
      %and3A_726 = arith.constant 2147483647 : i32
      %and3A_727 = vector.broadcast %and3A_726 : i32 to vector<16xi32>
      %and3A_728 = arith.andi %shift_right_arithmetic3A_725, %and3A_727 : vector<16xi32>
      %xor3A_729 = arith.xori %select_n3A_722, %and3A_728 : vector<16xi32>
      %gt3A_730 = arith.cmpi sgt, %xor3A_729, %select_n3A_690 : vector<16xi32>
      %select_n3A_731 = arith.select %gt3A_730, %xor3A_729, %select_n3A_690 : vector<16xi1>, vector<16xi32>
      %add3A_732 = arith.constant 224 : i32
      %add3A_733 = arith.addi %mul3A_0, %add3A_732 : i32
      %add3A_734 = vector.broadcast %add3A_733 : i32 to vector<16xi32>
      %add3A_735 = arith.addi %add3A_734, %iota3A : vector<16xi32>
      %select_n3A_736 = arith.select %gt3A_730, %add3A_735, %select_n3A_695 : vector<16xi1>, vector<16xi32>
      %get3A_737 = arith.constant 248 : index
      %get3A_738 = tpu.vector_load %arg5[%get3A_737] {strides = array<i32>} : memref<272xf32, #tpu.memory_space<vmem>>, vector<16xf32>,
      %sub3A_739 = arith.subf %get3A_738, %scan3A_124 : vector<16xf32>
      %abs3A_740 = math.absf %sub3A_739 : vector<16xf32>
      %get3A_741 = arith.constant 248 : index
      %get3A_742 = tpu.vector_load %arg6[%get3A_741] {strides = array<i32>} : memref<272xf32, #tpu.memory_space<vmem>>, vector<16xf32>,
      %sub3A_743 = arith.subf %get3A_742, %scan3A_125 : vector<16xf32>
      %abs3A_744 = math.absf %sub3A_743 : vector<16xf32>
      %add3A_745 = arith.addf %abs3A_740, %abs3A_744 : vector<16xf32>
      %get3A_746 = arith.constant 248 : index
      %get3A_747 = tpu.vector_load %arg7[%get3A_746] {strides = array<i32>} : memref<272xf32, #tpu.memory_space<vmem>>, vector<16xf32>,
      %sub3A_748 = arith.subf %get3A_747, %scan3A_126 : vector<16xf32>
      %abs3A_749 = math.absf %sub3A_748 : vector<16xf32>
      %add3A_750 = arith.addf %add3A_745, %abs3A_749 : vector<16xf32>
      %get3A_751 = arith.constant 240 : index
      %get3A_752 = tpu.vector_load %arg9[%get3A_751] {strides = array<i32>} : memref<256xf32, #tpu.memory_space<vmem>>, vector<16xf32>,
      %min3A_753 = arith.minimumf %get3A_752, %add3A_750 : vector<16xf32>
      %swap3A_754 = arith.constant 240 : index
      %swap3A_755 = tpu.vector_load %arg9[%swap3A_754] {strides = array<i32>} : memref<256xf32, #tpu.memory_space<vmem>>, vector<16xf32>,
      tpu.vector_store %arg9[%swap3A_754], %min3A_753 {strides = array<i32>} : memref<256xf32, #tpu.memory_space<vmem>>, vector<16xf32>,
      %get3A_756 = arith.constant 248 : index
      %get3A_757 = tpu.vector_load %arg8[%get3A_756] {strides = array<i32>} : memref<272xf32, #tpu.memory_space<vmem>>, vector<16xf32>,
      %mul3A_758 = arith.mulf %min3A_753, %get3A_757 : vector<16xf32>
      %bitcast3A_759 = vector.bitcast %mul3A_758 : vector<16xf32> to vector<16xi32>
      %ne3A_760 = arith.cmpf one, %mul3A_758, %mul3A_758 : vector<16xf32>
      %jit3A_761 = arith.constant 2143289344 : i32
      %broadcast_in_dim3A_762 = vector.broadcast %jit3A_761 : i32 to vector<16xi32>
      %select_n3A_763 = arith.select %ne3A_760, %broadcast_in_dim3A_762, %bitcast3A_759 : vector<16xi1>, vector<16xi32>
      %shift_right_arithmetic3A_764 = arith.constant 31 : i32
      %shift_right_arithmetic3A_765 = vector.broadcast %shift_right_arithmetic3A_764 : i32 to vector<16xi32>
      %shift_right_arithmetic3A_766 = arith.shrsi %select_n3A_763, %shift_right_arithmetic3A_765 : vector<16xi32>
      %and3A_767 = arith.constant 2147483647 : i32
      %and3A_768 = vector.broadcast %and3A_767 : i32 to vector<16xi32>
      %and3A_769 = arith.andi %shift_right_arithmetic3A_766, %and3A_768 : vector<16xi32>
      %xor3A_770 = arith.xori %select_n3A_763, %and3A_769 : vector<16xi32>
      %gt3A_771 = arith.cmpi sgt, %xor3A_770, %select_n3A_731 : vector<16xi32>
      %select_n3A_772 = arith.select %gt3A_771, %xor3A_770, %select_n3A_731 : vector<16xi1>, vector<16xi32>
      %add3A_773 = arith.constant 240 : i32
      %add3A_774 = arith.addi %mul3A_0, %add3A_773 : i32
      %add3A_775 = vector.broadcast %add3A_774 : i32 to vector<16xi32>
      %add3A_776 = arith.addi %add3A_775, %iota3A : vector<16xi32>
      %select_n3A_777 = arith.select %gt3A_771, %add3A_776, %select_n3A_736 : vector<16xi1>, vector<16xi32>
      %reduce_max3A = arith.constant true
      %reduce_max3A_778 = vector.broadcast %reduce_max3A : i1 to vector<16xi1>
      %reduce_max3A_779 = arith.constant -2147483648 : i32
      %reduce_max3A_780 = vector.broadcast %reduce_max3A_779 : i32 to vector<16xi32>
      %reduce_max3A_781 = arith.xori %select_n3A_772, %reduce_max3A_780 : vector<16xi32>
      %reduce_max3A_782 = tpu.scan <max>, %reduce_max3A_781 masked %reduce_max3A_778 : vector<16xi32>, vector<16xi1> -> vector<16xi32>
      %reduce_max3A_783 = arith.xori %reduce_max3A_782, %reduce_max3A_780 : vector<16xi32>
      %reduce_max3A_784 = vector.extract %reduce_max3A_783[15] : i32 from vector<16xi32>
      %eq3A_785 = vector.broadcast %reduce_max3A_784 : i32 to vector<16xi32>
      %eq3A_786 = arith.cmpi eq, %select_n3A_772, %eq3A_785 : vector<16xi32>
      %jit3A_787 = arith.constant 4096 : i32
      %broadcast_in_dim3A_788 = vector.broadcast %jit3A_787 : i32 to vector<16xi32>
      %select_n3A_789 = arith.select %eq3A_786, %select_n3A_777, %broadcast_in_dim3A_788 : vector<16xi1>, vector<16xi32>
      %reduce_min3A = arith.constant true
      %reduce_min3A_790 = vector.broadcast %reduce_min3A : i1 to vector<16xi1>
      %reduce_min3A_791 = arith.constant -2147483648 : i32
      %reduce_min3A_792 = vector.broadcast %reduce_min3A_791 : i32 to vector<16xi32>
      %reduce_min3A_793 = arith.xori %select_n3A_789, %reduce_min3A_792 : vector<16xi32>
      %reduce_min3A_794 = tpu.scan <min>, %reduce_min3A_793 masked %reduce_min3A_790 : vector<16xi32>, vector<16xi1> -> vector<16xi32>
      %reduce_min3A_795 = arith.xori %reduce_min3A_794, %reduce_min3A_792 : vector<16xi32>
      %reduce_min3A_796 = vector.extract %reduce_min3A_795[15] : i32 from vector<16xi32>
      %broadcast_in_dim3A_797 = arith.constant 0 : i32
      %broadcast_in_dim3A_798 = vector.broadcast %broadcast_in_dim3A_797 : i32 to vector<16xi32>
      %add3A_799 = vector.broadcast %reduce_max3A_784 : i32 to vector<16xi32>
      %add3A_800 = arith.addi %broadcast_in_dim3A_798, %add3A_799 : vector<16xi32>
      %bitcast3A_801 = vector.bitcast %add3A_800 : vector<16xi32> to vector<16xf32>
      %sub3A_802 = arith.subi %reduce_min3A_796, %mul3A_0 : i32
      %add3A_803 = arith.constant 8 : i32
      %add3A_804 = arith.addi %add3A_803, %sub3A_802 : i32
      %broadcast_in_dim3A_805 = arith.constant 0 : i32
      %broadcast_in_dim3A_806 = vector.broadcast %broadcast_in_dim3A_805 : i32 to vector<16xi32>
      %add3A_807 = vector.broadcast %add3A_804 : i32 to vector<16xi32>
      %add3A_808 = arith.addi %broadcast_in_dim3A_806, %add3A_807 : vector<16xi32>
      %add3A_809 = vector.broadcast %min3A_3 : i32 to vector<16xi32>
      %add3A_810 = arith.addi %add3A_808, %add3A_809 : vector<16xi32>
      %gather3A_811 = tpu.vector_load_idx %arg5[%add3A_810] : memref<272xf32, #tpu.memory_space<vmem>>[vector<16xi32>], vector<16xf32>,
      %gather3A_812 = tpu.vector_load_idx %arg6[%add3A_810] : memref<272xf32, #tpu.memory_space<vmem>>[vector<16xi32>], vector<16xf32>,
      %gather3A_813 = tpu.vector_load_idx %arg7[%add3A_810] : memref<272xf32, #tpu.memory_space<vmem>>[vector<16xi32>], vector<16xf32>,
      %eq3A_814 = arith.constant 1 : i32
      %eq3A_815 = vector.broadcast %eq3A_814 : i32 to vector<16xi32>
      %eq3A_816 = arith.cmpi eq, %iota3A, %eq3A_815 : vector<16xi32>
      %jit3A_817 = arith.constant 0.000000e+00 : f32
      %broadcast_in_dim3A_818 = vector.broadcast %jit3A_817 : f32 to vector<16xf32>
      %select_n3A_819 = arith.select %eq3A_816, %bitcast3A_801, %broadcast_in_dim3A_818 : vector<16xi1>, vector<16xf32>
      %eq3A_820 = arith.constant 2 : i32
      %eq3A_821 = vector.broadcast %eq3A_820 : i32 to vector<16xi32>
      %eq3A_822 = arith.cmpi eq, %iota3A, %eq3A_821 : vector<16xi32>
      %convert_element_type3A_823 = arith.sitofp %reduce_min3A_796 : i32 to f32
      %broadcast_in_dim3A_824 = vector.broadcast %convert_element_type3A_823 : f32 to vector<16xf32>
      %select_n3A_825 = arith.select %eq3A_822, %broadcast_in_dim3A_824, %select_n3A_819 : vector<16xi1>, vector<16xf32>
      %eq3A_826 = arith.constant 3 : i32
      %eq3A_827 = vector.broadcast %eq3A_826 : i32 to vector<16xi32>
      %eq3A_828 = arith.cmpi eq, %iota3A, %eq3A_827 : vector<16xi32>
      %select_n3A_829 = arith.select %eq3A_828, %gather3A_811, %select_n3A_825 : vector<16xi1>, vector<16xf32>
      %eq3A_830 = arith.constant 4 : i32
      %eq3A_831 = vector.broadcast %eq3A_830 : i32 to vector<16xi32>
      %eq3A_832 = arith.cmpi eq, %iota3A, %eq3A_831 : vector<16xi32>
      %select_n3A_833 = arith.select %eq3A_832, %gather3A_812, %select_n3A_829 : vector<16xi1>, vector<16xf32>
      %eq3A_834 = arith.constant 5 : i32
      %eq3A_835 = vector.broadcast %eq3A_834 : i32 to vector<16xi32>
      %eq3A_836 = arith.cmpi eq, %iota3A, %eq3A_835 : vector<16xi32>
      %select_n3A_837 = arith.select %eq3A_836, %gather3A_813, %select_n3A_833 : vector<16xi1>, vector<16xf32>
      %swap3A_838 = arith.constant 0 : index
      %swap3A_839 = tpu.vector_load %arg10[%swap3A_838] {strides = array<i32>} : memref<16xf32, #tpu.memory_space<vmem>>, vector<16xf32>,
      tpu.vector_store %arg10[%swap3A_838], %select_n3A_837 {strides = array<i32>} : memref<16xf32, #tpu.memory_space<vmem>>, vector<16xf32>,
      %jit3A_840 = arith.constant 2 : i32
      %eq3A_841 = arith.constant 0 : i32
      %eq3A_842 = arith.cmpi eq, %jit3A_840, %eq3A_841 : i32
      %jit3A_843 = arith.constant 1 : i32
      %select_n3A_844 = arith.select %eq3A_842, %jit3A_843, %jit3A_840 : i32
      %rem3A = arith.remsi %scan3A_123, %select_n3A_844 : i32
      %ne3A_845 = arith.constant 0 : i32
      %ne3A_846 = arith.cmpi ne, %rem3A, %ne3A_845 : i32
      %lt3A = arith.constant 0 : i32
      %lt3A_847 = arith.cmpi slt, %rem3A, %lt3A : i32
      %lt3A_848 = arith.constant 0 : i32
      %lt3A_849 = arith.cmpi slt, %select_n3A_844, %lt3A_848 : i32
      %ne3A_850 = arith.xori %lt3A_847, %lt3A_849 : i1
      %and3A_851 = arith.andi %ne3A_850, %ne3A_846 : i1
      %add3A_852 = arith.addi %rem3A, %select_n3A_844 : i32
      %select_n3A_853 = arith.select %and3A_851, %add3A_852, %rem3A : i32
      %mul3A_854 = arith.constant 256 : i32
      %mul3A_855 = arith.muli %select_n3A_853, %mul3A_854 : i32
      %mul3A_856 = arith.constant 16 : i32
      %mul3A_857 = arith.muli %arg1, %mul3A_856 : i32
      %add3A_858 = arith.addi %mul3A_855, %mul3A_857 : i32
      "tpu.region"() ({
        %run_scoped3A = tpu.sem_alloc : memref<!tpu.dma_semaphore, #tpu.memory_space<semaphore_mem>>
        %dma_start3A = tpu.memref_slice %arg14[%add3A_858] : memref<512xf32, #tpu.memory_space<vmem_shared>> -> memref<16xf32, #tpu.memory_space<vmem_shared>>
        %dma_start3A_961 = tpu.memref_slice %arg14[%add3A_858] : memref<512xf32, #tpu.memory_space<vmem_shared>> -> memref<16xf32, #tpu.memory_space<vmem_shared>>
        tpu.enqueue_dma source(%arg10 : memref<16xf32, #tpu.memory_space<vmem>>) target(%dma_start3A_961 : memref<16xf32, #tpu.memory_space<vmem_shared>>) target_semaphore(%run_scoped3A : memref<!tpu.dma_semaphore, #tpu.memory_space<semaphore_mem>>)
        %dma_wait3A = tpu.memref_slice %arg14[%add3A_858] : memref<512xf32, #tpu.memory_space<vmem_shared>> -> memref<16xf32, #tpu.memory_space<vmem_shared>>
        %dma_wait3A_962 = tpu.memref_slice %arg14[%add3A_858] : memref<512xf32, #tpu.memory_space<vmem_shared>> -> memref<16xf32, #tpu.memory_space<vmem_shared>>
        tpu.wait_dma2 semaphore(%run_scoped3A : memref<!tpu.dma_semaphore, #tpu.memory_space<semaphore_mem>>) src(%arg10 : memref<16xf32, #tpu.memory_space<vmem>>) dst(%dma_wait3A_962 : memref<16xf32, #tpu.memory_space<vmem_shared>>)
        tpu.yield
      }) : () -> ()
      %barrier3A_859 = arith.constant 0 : index
      tpu.barrier barrier_id(%barrier3A_859)
      "tpu.region"() ({
        %run_scoped3A = tpu.sem_alloc : memref<!tpu.dma_semaphore, #tpu.memory_space<semaphore_mem>>
        %dma_start3A = tpu.memref_slice %arg14[%mul3A_855] : memref<512xf32, #tpu.memory_space<vmem_shared>> -> memref<256xf32, #tpu.memory_space<vmem_shared>>
        %dma_start3A_961 = tpu.memref_slice %arg14[%mul3A_855] : memref<512xf32, #tpu.memory_space<vmem_shared>> -> memref<256xf32, #tpu.memory_space<vmem_shared>>
        tpu.enqueue_dma source(%dma_start3A_961 : memref<256xf32, #tpu.memory_space<vmem_shared>>) target(%arg11 : memref<256xf32, #tpu.memory_space<vmem>>) target_semaphore(%run_scoped3A : memref<!tpu.dma_semaphore, #tpu.memory_space<semaphore_mem>>)
        %dma_wait3A = tpu.memref_slice %arg14[%mul3A_855] : memref<512xf32, #tpu.memory_space<vmem_shared>> -> memref<256xf32, #tpu.memory_space<vmem_shared>>
        %dma_wait3A_962 = tpu.memref_slice %arg14[%mul3A_855] : memref<512xf32, #tpu.memory_space<vmem_shared>> -> memref<256xf32, #tpu.memory_space<vmem_shared>>
        tpu.wait_dma2 semaphore(%run_scoped3A : memref<!tpu.dma_semaphore, #tpu.memory_space<semaphore_mem>>) src(%dma_wait3A_962 : memref<256xf32, #tpu.memory_space<vmem_shared>>) dst(%arg11 : memref<256xf32, #tpu.memory_space<vmem>>)
        tpu.yield
      }) : () -> ()
      %mul3A_860 = arith.constant 16 : i32
      %mul3A_861 = vector.broadcast %mul3A_860 : i32 to vector<16xi32>
      %mul3A_862 = arith.muli %iota3A, %mul3A_861 : vector<16xi32>
      %add3A_863 = arith.constant 1 : i32
      %add3A_864 = vector.broadcast %add3A_863 : i32 to vector<16xi32>
      %add3A_865 = arith.addi %mul3A_862, %add3A_864 : vector<16xi32>
      %add3A_866 = vector.broadcast %min3A_3 : i32 to vector<16xi32>
      %add3A_867 = arith.addi %add3A_865, %add3A_866 : vector<16xi32>
      %gather3A_868 = tpu.vector_load_idx %arg11[%add3A_867] : memref<256xf32, #tpu.memory_space<vmem>>[vector<16xi32>], vector<16xf32>,
      %bitcast3A_869 = vector.bitcast %gather3A_868 : vector<16xf32> to vector<16xi32>
      %mul3A_870 = arith.constant 16 : i32
      %mul3A_871 = vector.broadcast %mul3A_870 : i32 to vector<16xi32>
      %mul3A_872 = arith.muli %iota3A, %mul3A_871 : vector<16xi32>
      %add3A_873 = arith.constant 2 : i32
      %add3A_874 = vector.broadcast %add3A_873 : i32 to vector<16xi32>
      %add3A_875 = arith.addi %mul3A_872, %add3A_874 : vector<16xi32>
      %add3A_876 = vector.broadcast %min3A_3 : i32 to vector<16xi32>
      %add3A_877 = arith.addi %add3A_875, %add3A_876 : vector<16xi32>
      %gather3A_878 = tpu.vector_load_idx %arg11[%add3A_877] : memref<256xf32, #tpu.memory_space<vmem>>[vector<16xi32>], vector<16xf32>,
      %reduce_max3A_879 = arith.constant true
      %reduce_max3A_880 = vector.broadcast %reduce_max3A_879 : i1 to vector<16xi1>
      %reduce_max3A_881 = arith.constant -2147483648 : i32
      %reduce_max3A_882 = vector.broadcast %reduce_max3A_881 : i32 to vector<16xi32>
      %reduce_max3A_883 = arith.xori %bitcast3A_869, %reduce_max3A_882 : vector<16xi32>
      %reduce_max3A_884 = tpu.scan <max>, %reduce_max3A_883 masked %reduce_max3A_880 : vector<16xi32>, vector<16xi1> -> vector<16xi32>
      %reduce_max3A_885 = arith.xori %reduce_max3A_884, %reduce_max3A_882 : vector<16xi32>
      %reduce_max3A_886 = vector.extract %reduce_max3A_885[15] : i32 from vector<16xi32>
      %eq3A_887 = vector.broadcast %reduce_max3A_886 : i32 to vector<16xi32>
      %eq3A_888 = arith.cmpi eq, %bitcast3A_869, %eq3A_887 : vector<16xi32>
      %jit3A_889 = arith.constant 4.096000e+03 : f32
      %broadcast_in_dim3A_890 = vector.broadcast %jit3A_889 : f32 to vector<16xf32>
      %select_n3A_891 = arith.select %eq3A_888, %gather3A_878, %broadcast_in_dim3A_890 : vector<16xi1>, vector<16xf32>
      %reduce_min3A_892 = arith.constant true
      %reduce_min3A_893 = vector.broadcast %reduce_min3A_892 : i1 to vector<16xi1>
      %reduce_min3A_894 = tpu.scan <min>, %select_n3A_891 masked %reduce_min3A_893 : vector<16xf32>, vector<16xi1> -> vector<16xf32>
      %reduce_min3A_895 = vector.extract %reduce_min3A_894[15] : f32 from vector<16xf32>
      %eq3A_896 = vector.broadcast %reduce_max3A_886 : i32 to vector<16xi32>
      %eq3A_897 = arith.cmpi eq, %bitcast3A_869, %eq3A_896 : vector<16xi32>
      %eq3A_898 = vector.broadcast %reduce_min3A_895 : f32 to vector<16xf32>
      %eq3A_899 = arith.cmpf oeq, %gather3A_878, %eq3A_898 : vector<16xf32>
      %and3A_900 = arith.andi %eq3A_897, %eq3A_899 : vector<16xi1>
      %jit3A_901 = arith.constant 16 : i32
      %broadcast_in_dim3A_902 = vector.broadcast %jit3A_901 : i32 to vector<16xi32>
      %select_n3A_903 = arith.select %and3A_900, %iota3A, %broadcast_in_dim3A_902 : vector<16xi1>, vector<16xi32>
      %reduce_min3A_904 = arith.constant true
      %reduce_min3A_905 = vector.broadcast %reduce_min3A_904 : i1 to vector<16xi1>
      %reduce_min3A_906 = arith.constant -2147483648 : i32
      %reduce_min3A_907 = vector.broadcast %reduce_min3A_906 : i32 to vector<16xi32>
      %reduce_min3A_908 = arith.xori %select_n3A_903, %reduce_min3A_907 : vector<16xi32>
      %reduce_min3A_909 = tpu.scan <min>, %reduce_min3A_908 masked %reduce_min3A_905 : vector<16xi32>, vector<16xi1> -> vector<16xi32>
      %reduce_min3A_910 = arith.xori %reduce_min3A_909, %reduce_min3A_907 : vector<16xi32>
      %reduce_min3A_911 = vector.extract %reduce_min3A_910[15] : i32 from vector<16xi32>
      %convert_element_type3A_912 = arith.fptosi %reduce_min3A_895 : f32 to i32
      %mul3A_913 = arith.constant 16 : i32
      %mul3A_914 = arith.muli %reduce_min3A_911, %mul3A_913 : i32
      %add3A_915 = arith.constant 3 : i32
      %add3A_916 = arith.addi %mul3A_914, %add3A_915 : i32
      %broadcast_in_dim3A_917 = arith.constant 0 : i32
      %broadcast_in_dim3A_918 = vector.broadcast %broadcast_in_dim3A_917 : i32 to vector<16xi32>
      %add3A_919 = vector.broadcast %add3A_916 : i32 to vector<16xi32>
      %add3A_920 = arith.addi %broadcast_in_dim3A_918, %add3A_919 : vector<16xi32>
      %add3A_921 = vector.broadcast %min3A_3 : i32 to vector<16xi32>
      %add3A_922 = arith.addi %add3A_920, %add3A_921 : vector<16xi32>
      %gather3A_923 = tpu.vector_load_idx %arg11[%add3A_922] : memref<256xf32, #tpu.memory_space<vmem>>[vector<16xi32>], vector<16xf32>,
      %mul3A_924 = arith.constant 16 : i32
      %mul3A_925 = arith.muli %reduce_min3A_911, %mul3A_924 : i32
      %add3A_926 = arith.constant 4 : i32
      %add3A_927 = arith.addi %mul3A_925, %add3A_926 : i32
      %broadcast_in_dim3A_928 = arith.constant 0 : i32
      %broadcast_in_dim3A_929 = vector.broadcast %broadcast_in_dim3A_928 : i32 to vector<16xi32>
      %add3A_930 = vector.broadcast %add3A_927 : i32 to vector<16xi32>
      %add3A_931 = arith.addi %broadcast_in_dim3A_929, %add3A_930 : vector<16xi32>
      %add3A_932 = vector.broadcast %min3A_3 : i32 to vector<16xi32>
      %add3A_933 = arith.addi %add3A_931, %add3A_932 : vector<16xi32>
      %gather3A_934 = tpu.vector_load_idx %arg11[%add3A_933] : memref<256xf32, #tpu.memory_space<vmem>>[vector<16xi32>], vector<16xf32>,
      %mul3A_935 = arith.constant 16 : i32
      %mul3A_936 = arith.muli %reduce_min3A_911, %mul3A_935 : i32
      %add3A_937 = arith.constant 5 : i32
      %add3A_938 = arith.addi %mul3A_936, %add3A_937 : i32
      %broadcast_in_dim3A_939 = arith.constant 0 : i32
      %broadcast_in_dim3A_940 = vector.broadcast %broadcast_in_dim3A_939 : i32 to vector<16xi32>
      %add3A_941 = vector.broadcast %add3A_938 : i32 to vector<16xi32>
      %add3A_942 = arith.addi %broadcast_in_dim3A_940, %add3A_941 : vector<16xi32>
      %add3A_943 = vector.broadcast %min3A_3 : i32 to vector<16xi32>
      %add3A_944 = arith.addi %add3A_942, %add3A_943 : vector<16xi32>
      %gather3A_945 = tpu.vector_load_idx %arg11[%add3A_944] : memref<256xf32, #tpu.memory_space<vmem>>[vector<16xi32>], vector<16xf32>,
      %add3A_946 = arith.constant 1 : i32
      %add3A_947 = arith.addi %scan3A_123, %add3A_946 : i32
      %mul3A_948 = arith.constant 32 : i32
      %mul3A_949 = arith.muli %arg1, %mul3A_948 : i32
      %sub3A_950 = arith.subi %add3A_947, %mul3A_949 : i32
      %eq3A_951 = vector.broadcast %sub3A_950 : i32 to vector<16xi32>
      %eq3A_952 = arith.cmpi eq, %iota3A, %eq3A_951 : vector<16xi32>
      %broadcast_in_dim3A_953 = vector.broadcast %convert_element_type3A_912 : i32 to vector<16xi32>
      %select_n3A_954 = arith.select %eq3A_952, %broadcast_in_dim3A_953, %scan3A_127 : vector<16xi1>, vector<16xi32>
      %sub3A_955 = arith.constant 16 : i32
      %sub3A_956 = arith.subi %sub3A_950, %sub3A_955 : i32
      %eq3A_957 = vector.broadcast %sub3A_956 : i32 to vector<16xi32>
      %eq3A_958 = arith.cmpi eq, %iota3A, %eq3A_957 : vector<16xi32>
      %broadcast_in_dim3A_959 = vector.broadcast %convert_element_type3A_912 : i32 to vector<16xi32>
      %select_n3A_960 = arith.select %eq3A_958, %broadcast_in_dim3A_959, %scan3A_128 : vector<16xi1>, vector<16xi32>
      scf.yield %gather3A_923, %gather3A_934, %gather3A_945, %select_n3A_954, %select_n3A_960 : vector<16xf32>, vector<16xf32>, vector<16xf32>, vector<16xi32>, vector<16xi32>
    }
    %scan3A_112 = arith.constant 511 : i32
    %swap3A_113 = arith.constant 0 : index
    %swap3A_114 = tpu.vector_load %arg13[%swap3A_113] {strides = array<i32>} : memref<32xi32, #tpu.memory_space<vmem>>, vector<16xi32>,
    tpu.vector_store %arg13[%swap3A_113], %scan3A_111#3 {strides = array<i32>} : memref<32xi32, #tpu.memory_space<vmem>>, vector<16xi32>,
    %swap3A_115 = arith.constant 16 : index
    %swap3A_116 = tpu.vector_load %arg13[%swap3A_115] {strides = array<i32>} : memref<32xi32, #tpu.memory_space<vmem>>, vector<16xi32>,
    tpu.vector_store %arg13[%swap3A_115], %scan3A_111#4 {strides = array<i32>} : memref<32xi32, #tpu.memory_space<vmem>>, vector<16xi32>,
    %mul3A_117 = arith.constant 2 : i32
    %mul3A_118 = arith.muli %arg1, %mul3A_117 : i32
    %mul3A_119 = arith.constant 16 : i32
    %mul3A_120 = arith.muli %mul3A_118, %mul3A_119 : i32
    "tpu.region"() ({
      %run_scoped3A = tpu.sem_alloc : memref<!tpu.dma_semaphore, #tpu.memory_space<semaphore_mem>>
      %dma_start3A = tpu.memref_slice %arg15[%mul3A_120] : memref<512xi32, #tpu.memory_space<vmem_shared>> -> memref<32xi32, #tpu.memory_space<vmem_shared>>
      %dma_start3A_123 = tpu.memref_slice %arg15[%mul3A_120] : memref<512xi32, #tpu.memory_space<vmem_shared>> -> memref<32xi32, #tpu.memory_space<vmem_shared>>
      tpu.enqueue_dma source(%arg13 : memref<32xi32, #tpu.memory_space<vmem>>) target(%dma_start3A_123 : memref<32xi32, #tpu.memory_space<vmem_shared>>) target_semaphore(%run_scoped3A : memref<!tpu.dma_semaphore, #tpu.memory_space<semaphore_mem>>)
      %dma_wait3A = tpu.memref_slice %arg15[%mul3A_120] : memref<512xi32, #tpu.memory_space<vmem_shared>> -> memref<32xi32, #tpu.memory_space<vmem_shared>>
      %dma_wait3A_124 = tpu.memref_slice %arg15[%mul3A_120] : memref<512xi32, #tpu.memory_space<vmem_shared>> -> memref<32xi32, #tpu.memory_space<vmem_shared>>
      tpu.wait_dma2 semaphore(%run_scoped3A : memref<!tpu.dma_semaphore, #tpu.memory_space<semaphore_mem>>) src(%arg13 : memref<32xi32, #tpu.memory_space<vmem>>) dst(%dma_wait3A_124 : memref<32xi32, #tpu.memory_space<vmem_shared>>)
      tpu.yield
    }) : () -> ()
    %barrier3A = arith.constant 0 : index
    tpu.barrier barrier_id(%barrier3A)
    %eq3A = arith.constant 0 : i32
    %eq3A_121 = arith.cmpi eq, %arg1, %eq3A : i32
    %convert_element_type3A = arith.extui %eq3A_121 : i1 to i32
    %cond3A = arith.constant 0 : i32
    %cond3A_122 = arith.cmpi ne, %convert_element_type3A, %cond3A : i32
    scf.if %cond3A_122 {
      %mul3A_123 = arith.constant 512 : i32
      %mul3A_124 = arith.muli %arg0, %mul3A_123 : i32
      "tpu.region"() ({
        %run_scoped3A = tpu.sem_alloc : memref<!tpu.dma_semaphore, #tpu.memory_space<semaphore_mem>>
        %dma_start3A = tpu.memref_slice %arg4[%mul3A_124] : memref<1024xi32, #tpu.memory_space<hbm>> -> memref<512xi32, #tpu.memory_space<hbm>>
        tpu.enqueue_dma source(%arg15 : memref<512xi32, #tpu.memory_space<vmem_shared>>) target(%dma_start3A : memref<512xi32, #tpu.memory_space<hbm>>) target_semaphore(%run_scoped3A : memref<!tpu.dma_semaphore, #tpu.memory_space<semaphore_mem>>)
        %dma_wait3A = tpu.memref_slice %arg4[%mul3A_124] : memref<1024xi32, #tpu.memory_space<hbm>> -> memref<512xi32, #tpu.memory_space<hbm>>
        tpu.wait_dma2 semaphore(%run_scoped3A : memref<!tpu.dma_semaphore, #tpu.memory_space<semaphore_mem>>) src(%arg15 : memref<512xi32, #tpu.memory_space<vmem_shared>>) dst(%dma_wait3A : memref<512xi32, #tpu.memory_space<hbm>>)
        tpu.yield
      }) : () -> ()
    } else {
    }
    return
  }
}

module attributes {stable_mosaic.version = 14 : i64} {
  func.func @_density_body(%arg0: memref<2x4096x3xf32, #tpu.memory_space<vmem>>, %arg1: memref<2x3x4096xf32, #tpu.memory_space<vmem>>, %arg2: memref<2x4096x1xf32, #tpu.memory_space<vmem>>, %arg3: memref<2x1x4096xf32, #tpu.memory_space<vmem>>, %arg4: memref<2x1x4096xf32, #tpu.memory_space<vmem>>) attributes {dimension_semantics = [], scalar_prefetch = 0 : i64, scratch_operands = 0 : i64, tpu.core_type = #tpu.core_type<tc>} {
    %get3A = arith.constant 0 : index
    %get3A_0 = arith.constant 0 : index
    %get3A_1 = arith.constant 0 : index
    %get3A_2 = vector.load %arg1[%get3A, %get3A_0, %get3A_1] : memref<2x3x4096xf32, #tpu.memory_space<vmem>>, vector<1x3x4096xf32>
    %get3A_3 = vector.shape_cast %get3A_2 : vector<1x3x4096xf32> to vector<3x4096xf32>
    %get3A_4 = arith.constant 0 : index
    %get3A_5 = arith.constant 0 : index
    %get3A_6 = arith.constant 0 : index
    %get3A_7 = vector.load %arg3[%get3A_4, %get3A_5, %get3A_6] : memref<2x1x4096xf32, #tpu.memory_space<vmem>>, vector<1x1x4096xf32>
    %get3A_8 = vector.shape_cast %get3A_7 : vector<1x1x4096xf32> to vector<1x4096xf32>
    %broadcast_in_dim3A = arith.constant 0.000000e+00 : f32
    %broadcast_in_dim3A_9 = vector.broadcast %broadcast_in_dim3A : f32 to vector<1x4096xf32>
    %get3A_10 = arith.constant 0 : index
    %get3A_11 = arith.constant 0 : index
    %get3A_12 = arith.constant 0 : index
    %get3A_13 = vector.load %arg0[%get3A_10, %get3A_11, %get3A_12] : memref<2x4096x3xf32, #tpu.memory_space<vmem>>, vector<1x128x3xf32>
    %get3A_14 = vector.shape_cast %get3A_13 : vector<1x128x3xf32> to vector<128x3xf32>
    %get3A_15 = arith.constant 0 : index
    %get3A_16 = arith.constant 0 : index
    %get3A_17 = arith.constant 0 : index
    %get3A_18 = vector.load %arg2[%get3A_15, %get3A_16, %get3A_17] : memref<2x4096x1xf32, #tpu.memory_space<vmem>>, vector<1x128x1xf32>
    %get3A_19 = vector.shape_cast %get3A_18 : vector<1x128x1xf32> to vector<128x1xf32>
    %dot_general3A = arith.constant dense<0.000000e+00> : vector<128x4096xf32>
    %dot_general3A_20 = tpu.matmul %get3A_14, %get3A_3, %dot_general3A {dimension_numbers = #tpu.dot_dimension_numbers<[1], [0], [0], [1], [0, 0, 1, 1], [], []>, transpose_lhs_hint = false} : vector<128x3xf32>, vector<3x4096xf32>, vector<128x4096xf32> -> vector<128x4096xf32>
    %add3A = vector.broadcast %get3A_19 : vector<128x1xf32> to vector<128x4096xf32>
    %add3A_21 = vector.broadcast %get3A_8 : vector<1x4096xf32> to vector<128x4096xf32>
    %add3A_22 = arith.addf %add3A, %add3A_21 : vector<128x4096xf32>
    %mul3A = arith.constant 2.000000e+00 : f32
    %mul3A_23 = vector.broadcast %mul3A : f32 to vector<128x4096xf32>
    %mul3A_24 = arith.mulf %mul3A_23, %dot_general3A_20 : vector<128x4096xf32>
    %sub3A = arith.subf %add3A_22, %mul3A_24 : vector<128x4096xf32>
    %lt3A = arith.constant 2.500000e-01 : f32
    %lt3A_25 = vector.broadcast %lt3A : f32 to vector<128x4096xf32>
    %lt3A_26 = arith.cmpf olt, %sub3A, %lt3A_25 : vector<128x4096xf32>
    %convert_element_type3A = arith.extui %lt3A_26 : vector<128x4096xi1> to vector<128x4096xi32>
    %convert_element_type3A_27 = arith.sitofp %convert_element_type3A : vector<128x4096xi32> to vector<128x4096xf32>
    %reduce_sum3A = arith.constant dense<0.000000e+00> : vector<4096xf32>
    %reduce_sum3A_28 = vector.multi_reduction <add>, %convert_element_type3A_27, %reduce_sum3A [0] : vector<128x4096xf32> to vector<4096xf32>
    %broadcast_in_dim3A_29 = vector.shape_cast %reduce_sum3A_28 : vector<4096xf32> to vector<1x4096xf32>
    %add3A_30 = arith.addf %broadcast_in_dim3A_9, %broadcast_in_dim3A_29 : vector<1x4096xf32>
    %get3A_31 = arith.constant 0 : index
    %get3A_32 = arith.constant 128 : index
    %get3A_33 = arith.constant 0 : index
    %get3A_34 = vector.load %arg0[%get3A_31, %get3A_32, %get3A_33] : memref<2x4096x3xf32, #tpu.memory_space<vmem>>, vector<1x128x3xf32>
    %get3A_35 = vector.shape_cast %get3A_34 : vector<1x128x3xf32> to vector<128x3xf32>
    %get3A_36 = arith.constant 0 : index
    %get3A_37 = arith.constant 128 : index
    %get3A_38 = arith.constant 0 : index
    %get3A_39 = vector.load %arg2[%get3A_36, %get3A_37, %get3A_38] : memref<2x4096x1xf32, #tpu.memory_space<vmem>>, vector<1x128x1xf32>
    %get3A_40 = vector.shape_cast %get3A_39 : vector<1x128x1xf32> to vector<128x1xf32>
    %dot_general3A_41 = arith.constant dense<0.000000e+00> : vector<128x4096xf32>
    %dot_general3A_42 = tpu.matmul %get3A_35, %get3A_3, %dot_general3A_41 {dimension_numbers = #tpu.dot_dimension_numbers<[1], [0], [0], [1], [0, 0, 1, 1], [], []>, transpose_lhs_hint = false} : vector<128x3xf32>, vector<3x4096xf32>, vector<128x4096xf32> -> vector<128x4096xf32>
    %add3A_43 = vector.broadcast %get3A_40 : vector<128x1xf32> to vector<128x4096xf32>
    %add3A_44 = vector.broadcast %get3A_8 : vector<1x4096xf32> to vector<128x4096xf32>
    %add3A_45 = arith.addf %add3A_43, %add3A_44 : vector<128x4096xf32>
    %mul3A_46 = arith.constant 2.000000e+00 : f32
    %mul3A_47 = vector.broadcast %mul3A_46 : f32 to vector<128x4096xf32>
    %mul3A_48 = arith.mulf %mul3A_47, %dot_general3A_42 : vector<128x4096xf32>
    %sub3A_49 = arith.subf %add3A_45, %mul3A_48 : vector<128x4096xf32>
    %lt3A_50 = arith.constant 2.500000e-01 : f32
    %lt3A_51 = vector.broadcast %lt3A_50 : f32 to vector<128x4096xf32>
    %lt3A_52 = arith.cmpf olt, %sub3A_49, %lt3A_51 : vector<128x4096xf32>
    %convert_element_type3A_53 = arith.extui %lt3A_52 : vector<128x4096xi1> to vector<128x4096xi32>
    %convert_element_type3A_54 = arith.sitofp %convert_element_type3A_53 : vector<128x4096xi32> to vector<128x4096xf32>
    %reduce_sum3A_55 = arith.constant dense<0.000000e+00> : vector<4096xf32>
    %reduce_sum3A_56 = vector.multi_reduction <add>, %convert_element_type3A_54, %reduce_sum3A_55 [0] : vector<128x4096xf32> to vector<4096xf32>
    %broadcast_in_dim3A_57 = vector.shape_cast %reduce_sum3A_56 : vector<4096xf32> to vector<1x4096xf32>
    %add3A_58 = arith.addf %add3A_30, %broadcast_in_dim3A_57 : vector<1x4096xf32>
    %get3A_59 = arith.constant 0 : index
    %get3A_60 = arith.constant 256 : index
    %get3A_61 = arith.constant 0 : index
    %get3A_62 = vector.load %arg0[%get3A_59, %get3A_60, %get3A_61] : memref<2x4096x3xf32, #tpu.memory_space<vmem>>, vector<1x128x3xf32>
    %get3A_63 = vector.shape_cast %get3A_62 : vector<1x128x3xf32> to vector<128x3xf32>
    %get3A_64 = arith.constant 0 : index
    %get3A_65 = arith.constant 256 : index
    %get3A_66 = arith.constant 0 : index
    %get3A_67 = vector.load %arg2[%get3A_64, %get3A_65, %get3A_66] : memref<2x4096x1xf32, #tpu.memory_space<vmem>>, vector<1x128x1xf32>
    %get3A_68 = vector.shape_cast %get3A_67 : vector<1x128x1xf32> to vector<128x1xf32>
    %dot_general3A_69 = arith.constant dense<0.000000e+00> : vector<128x4096xf32>
    %dot_general3A_70 = tpu.matmul %get3A_63, %get3A_3, %dot_general3A_69 {dimension_numbers = #tpu.dot_dimension_numbers<[1], [0], [0], [1], [0, 0, 1, 1], [], []>, transpose_lhs_hint = false} : vector<128x3xf32>, vector<3x4096xf32>, vector<128x4096xf32> -> vector<128x4096xf32>
    %add3A_71 = vector.broadcast %get3A_68 : vector<128x1xf32> to vector<128x4096xf32>
    %add3A_72 = vector.broadcast %get3A_8 : vector<1x4096xf32> to vector<128x4096xf32>
    %add3A_73 = arith.addf %add3A_71, %add3A_72 : vector<128x4096xf32>
    %mul3A_74 = arith.constant 2.000000e+00 : f32
    %mul3A_75 = vector.broadcast %mul3A_74 : f32 to vector<128x4096xf32>
    %mul3A_76 = arith.mulf %mul3A_75, %dot_general3A_70 : vector<128x4096xf32>
    %sub3A_77 = arith.subf %add3A_73, %mul3A_76 : vector<128x4096xf32>
    %lt3A_78 = arith.constant 2.500000e-01 : f32
    %lt3A_79 = vector.broadcast %lt3A_78 : f32 to vector<128x4096xf32>
    %lt3A_80 = arith.cmpf olt, %sub3A_77, %lt3A_79 : vector<128x4096xf32>
    %convert_element_type3A_81 = arith.extui %lt3A_80 : vector<128x4096xi1> to vector<128x4096xi32>
    %convert_element_type3A_82 = arith.sitofp %convert_element_type3A_81 : vector<128x4096xi32> to vector<128x4096xf32>
    %reduce_sum3A_83 = arith.constant dense<0.000000e+00> : vector<4096xf32>
    %reduce_sum3A_84 = vector.multi_reduction <add>, %convert_element_type3A_82, %reduce_sum3A_83 [0] : vector<128x4096xf32> to vector<4096xf32>
    %broadcast_in_dim3A_85 = vector.shape_cast %reduce_sum3A_84 : vector<4096xf32> to vector<1x4096xf32>
    %add3A_86 = arith.addf %add3A_58, %broadcast_in_dim3A_85 : vector<1x4096xf32>
    %get3A_87 = arith.constant 0 : index
    %get3A_88 = arith.constant 384 : index
    %get3A_89 = arith.constant 0 : index
    %get3A_90 = vector.load %arg0[%get3A_87, %get3A_88, %get3A_89] : memref<2x4096x3xf32, #tpu.memory_space<vmem>>, vector<1x128x3xf32>
    %get3A_91 = vector.shape_cast %get3A_90 : vector<1x128x3xf32> to vector<128x3xf32>
    %get3A_92 = arith.constant 0 : index
    %get3A_93 = arith.constant 384 : index
    %get3A_94 = arith.constant 0 : index
    %get3A_95 = vector.load %arg2[%get3A_92, %get3A_93, %get3A_94] : memref<2x4096x1xf32, #tpu.memory_space<vmem>>, vector<1x128x1xf32>
    %get3A_96 = vector.shape_cast %get3A_95 : vector<1x128x1xf32> to vector<128x1xf32>
    %dot_general3A_97 = arith.constant dense<0.000000e+00> : vector<128x4096xf32>
    %dot_general3A_98 = tpu.matmul %get3A_91, %get3A_3, %dot_general3A_97 {dimension_numbers = #tpu.dot_dimension_numbers<[1], [0], [0], [1], [0, 0, 1, 1], [], []>, transpose_lhs_hint = false} : vector<128x3xf32>, vector<3x4096xf32>, vector<128x4096xf32> -> vector<128x4096xf32>
    %add3A_99 = vector.broadcast %get3A_96 : vector<128x1xf32> to vector<128x4096xf32>
    %add3A_100 = vector.broadcast %get3A_8 : vector<1x4096xf32> to vector<128x4096xf32>
    %add3A_101 = arith.addf %add3A_99, %add3A_100 : vector<128x4096xf32>
    %mul3A_102 = arith.constant 2.000000e+00 : f32
    %mul3A_103 = vector.broadcast %mul3A_102 : f32 to vector<128x4096xf32>
    %mul3A_104 = arith.mulf %mul3A_103, %dot_general3A_98 : vector<128x4096xf32>
    %sub3A_105 = arith.subf %add3A_101, %mul3A_104 : vector<128x4096xf32>
    %lt3A_106 = arith.constant 2.500000e-01 : f32
    %lt3A_107 = vector.broadcast %lt3A_106 : f32 to vector<128x4096xf32>
    %lt3A_108 = arith.cmpf olt, %sub3A_105, %lt3A_107 : vector<128x4096xf32>
    %convert_element_type3A_109 = arith.extui %lt3A_108 : vector<128x4096xi1> to vector<128x4096xi32>
    %convert_element_type3A_110 = arith.sitofp %convert_element_type3A_109 : vector<128x4096xi32> to vector<128x4096xf32>
    %reduce_sum3A_111 = arith.constant dense<0.000000e+00> : vector<4096xf32>
    %reduce_sum3A_112 = vector.multi_reduction <add>, %convert_element_type3A_110, %reduce_sum3A_111 [0] : vector<128x4096xf32> to vector<4096xf32>
    %broadcast_in_dim3A_113 = vector.shape_cast %reduce_sum3A_112 : vector<4096xf32> to vector<1x4096xf32>
    %add3A_114 = arith.addf %add3A_86, %broadcast_in_dim3A_113 : vector<1x4096xf32>
    %get3A_115 = arith.constant 0 : index
    %get3A_116 = arith.constant 512 : index
    %get3A_117 = arith.constant 0 : index
    %get3A_118 = vector.load %arg0[%get3A_115, %get3A_116, %get3A_117] : memref<2x4096x3xf32, #tpu.memory_space<vmem>>, vector<1x128x3xf32>
    %get3A_119 = vector.shape_cast %get3A_118 : vector<1x128x3xf32> to vector<128x3xf32>
    %get3A_120 = arith.constant 0 : index
    %get3A_121 = arith.constant 512 : index
    %get3A_122 = arith.constant 0 : index
    %get3A_123 = vector.load %arg2[%get3A_120, %get3A_121, %get3A_122] : memref<2x4096x1xf32, #tpu.memory_space<vmem>>, vector<1x128x1xf32>
    %get3A_124 = vector.shape_cast %get3A_123 : vector<1x128x1xf32> to vector<128x1xf32>
    %dot_general3A_125 = arith.constant dense<0.000000e+00> : vector<128x4096xf32>
    %dot_general3A_126 = tpu.matmul %get3A_119, %get3A_3, %dot_general3A_125 {dimension_numbers = #tpu.dot_dimension_numbers<[1], [0], [0], [1], [0, 0, 1, 1], [], []>, transpose_lhs_hint = false} : vector<128x3xf32>, vector<3x4096xf32>, vector<128x4096xf32> -> vector<128x4096xf32>
    %add3A_127 = vector.broadcast %get3A_124 : vector<128x1xf32> to vector<128x4096xf32>
    %add3A_128 = vector.broadcast %get3A_8 : vector<1x4096xf32> to vector<128x4096xf32>
    %add3A_129 = arith.addf %add3A_127, %add3A_128 : vector<128x4096xf32>
    %mul3A_130 = arith.constant 2.000000e+00 : f32
    %mul3A_131 = vector.broadcast %mul3A_130 : f32 to vector<128x4096xf32>
    %mul3A_132 = arith.mulf %mul3A_131, %dot_general3A_126 : vector<128x4096xf32>
    %sub3A_133 = arith.subf %add3A_129, %mul3A_132 : vector<128x4096xf32>
    %lt3A_134 = arith.constant 2.500000e-01 : f32
    %lt3A_135 = vector.broadcast %lt3A_134 : f32 to vector<128x4096xf32>
    %lt3A_136 = arith.cmpf olt, %sub3A_133, %lt3A_135 : vector<128x4096xf32>
    %convert_element_type3A_137 = arith.extui %lt3A_136 : vector<128x4096xi1> to vector<128x4096xi32>
    %convert_element_type3A_138 = arith.sitofp %convert_element_type3A_137 : vector<128x4096xi32> to vector<128x4096xf32>
    %reduce_sum3A_139 = arith.constant dense<0.000000e+00> : vector<4096xf32>
    %reduce_sum3A_140 = vector.multi_reduction <add>, %convert_element_type3A_138, %reduce_sum3A_139 [0] : vector<128x4096xf32> to vector<4096xf32>
    %broadcast_in_dim3A_141 = vector.shape_cast %reduce_sum3A_140 : vector<4096xf32> to vector<1x4096xf32>
    %add3A_142 = arith.addf %add3A_114, %broadcast_in_dim3A_141 : vector<1x4096xf32>
    %get3A_143 = arith.constant 0 : index
    %get3A_144 = arith.constant 640 : index
    %get3A_145 = arith.constant 0 : index
    %get3A_146 = vector.load %arg0[%get3A_143, %get3A_144, %get3A_145] : memref<2x4096x3xf32, #tpu.memory_space<vmem>>, vector<1x128x3xf32>
    %get3A_147 = vector.shape_cast %get3A_146 : vector<1x128x3xf32> to vector<128x3xf32>
    %get3A_148 = arith.constant 0 : index
    %get3A_149 = arith.constant 640 : index
    %get3A_150 = arith.constant 0 : index
    %get3A_151 = vector.load %arg2[%get3A_148, %get3A_149, %get3A_150] : memref<2x4096x1xf32, #tpu.memory_space<vmem>>, vector<1x128x1xf32>
    %get3A_152 = vector.shape_cast %get3A_151 : vector<1x128x1xf32> to vector<128x1xf32>
    %dot_general3A_153 = arith.constant dense<0.000000e+00> : vector<128x4096xf32>
    %dot_general3A_154 = tpu.matmul %get3A_147, %get3A_3, %dot_general3A_153 {dimension_numbers = #tpu.dot_dimension_numbers<[1], [0], [0], [1], [0, 0, 1, 1], [], []>, transpose_lhs_hint = false} : vector<128x3xf32>, vector<3x4096xf32>, vector<128x4096xf32> -> vector<128x4096xf32>
    %add3A_155 = vector.broadcast %get3A_152 : vector<128x1xf32> to vector<128x4096xf32>
    %add3A_156 = vector.broadcast %get3A_8 : vector<1x4096xf32> to vector<128x4096xf32>
    %add3A_157 = arith.addf %add3A_155, %add3A_156 : vector<128x4096xf32>
    %mul3A_158 = arith.constant 2.000000e+00 : f32
    %mul3A_159 = vector.broadcast %mul3A_158 : f32 to vector<128x4096xf32>
    %mul3A_160 = arith.mulf %mul3A_159, %dot_general3A_154 : vector<128x4096xf32>
    %sub3A_161 = arith.subf %add3A_157, %mul3A_160 : vector<128x4096xf32>
    %lt3A_162 = arith.constant 2.500000e-01 : f32
    %lt3A_163 = vector.broadcast %lt3A_162 : f32 to vector<128x4096xf32>
    %lt3A_164 = arith.cmpf olt, %sub3A_161, %lt3A_163 : vector<128x4096xf32>
    %convert_element_type3A_165 = arith.extui %lt3A_164 : vector<128x4096xi1> to vector<128x4096xi32>
    %convert_element_type3A_166 = arith.sitofp %convert_element_type3A_165 : vector<128x4096xi32> to vector<128x4096xf32>
    %reduce_sum3A_167 = arith.constant dense<0.000000e+00> : vector<4096xf32>
    %reduce_sum3A_168 = vector.multi_reduction <add>, %convert_element_type3A_166, %reduce_sum3A_167 [0] : vector<128x4096xf32> to vector<4096xf32>
    %broadcast_in_dim3A_169 = vector.shape_cast %reduce_sum3A_168 : vector<4096xf32> to vector<1x4096xf32>
    %add3A_170 = arith.addf %add3A_142, %broadcast_in_dim3A_169 : vector<1x4096xf32>
    %get3A_171 = arith.constant 0 : index
    %get3A_172 = arith.constant 768 : index
    %get3A_173 = arith.constant 0 : index
    %get3A_174 = vector.load %arg0[%get3A_171, %get3A_172, %get3A_173] : memref<2x4096x3xf32, #tpu.memory_space<vmem>>, vector<1x128x3xf32>
    %get3A_175 = vector.shape_cast %get3A_174 : vector<1x128x3xf32> to vector<128x3xf32>
    %get3A_176 = arith.constant 0 : index
    %get3A_177 = arith.constant 768 : index
    %get3A_178 = arith.constant 0 : index
    %get3A_179 = vector.load %arg2[%get3A_176, %get3A_177, %get3A_178] : memref<2x4096x1xf32, #tpu.memory_space<vmem>>, vector<1x128x1xf32>
    %get3A_180 = vector.shape_cast %get3A_179 : vector<1x128x1xf32> to vector<128x1xf32>
    %dot_general3A_181 = arith.constant dense<0.000000e+00> : vector<128x4096xf32>
    %dot_general3A_182 = tpu.matmul %get3A_175, %get3A_3, %dot_general3A_181 {dimension_numbers = #tpu.dot_dimension_numbers<[1], [0], [0], [1], [0, 0, 1, 1], [], []>, transpose_lhs_hint = false} : vector<128x3xf32>, vector<3x4096xf32>, vector<128x4096xf32> -> vector<128x4096xf32>
    %add3A_183 = vector.broadcast %get3A_180 : vector<128x1xf32> to vector<128x4096xf32>
    %add3A_184 = vector.broadcast %get3A_8 : vector<1x4096xf32> to vector<128x4096xf32>
    %add3A_185 = arith.addf %add3A_183, %add3A_184 : vector<128x4096xf32>
    %mul3A_186 = arith.constant 2.000000e+00 : f32
    %mul3A_187 = vector.broadcast %mul3A_186 : f32 to vector<128x4096xf32>
    %mul3A_188 = arith.mulf %mul3A_187, %dot_general3A_182 : vector<128x4096xf32>
    %sub3A_189 = arith.subf %add3A_185, %mul3A_188 : vector<128x4096xf32>
    %lt3A_190 = arith.constant 2.500000e-01 : f32
    %lt3A_191 = vector.broadcast %lt3A_190 : f32 to vector<128x4096xf32>
    %lt3A_192 = arith.cmpf olt, %sub3A_189, %lt3A_191 : vector<128x4096xf32>
    %convert_element_type3A_193 = arith.extui %lt3A_192 : vector<128x4096xi1> to vector<128x4096xi32>
    %convert_element_type3A_194 = arith.sitofp %convert_element_type3A_193 : vector<128x4096xi32> to vector<128x4096xf32>
    %reduce_sum3A_195 = arith.constant dense<0.000000e+00> : vector<4096xf32>
    %reduce_sum3A_196 = vector.multi_reduction <add>, %convert_element_type3A_194, %reduce_sum3A_195 [0] : vector<128x4096xf32> to vector<4096xf32>
    %broadcast_in_dim3A_197 = vector.shape_cast %reduce_sum3A_196 : vector<4096xf32> to vector<1x4096xf32>
    %add3A_198 = arith.addf %add3A_170, %broadcast_in_dim3A_197 : vector<1x4096xf32>
    %get3A_199 = arith.constant 0 : index
    %get3A_200 = arith.constant 896 : index
    %get3A_201 = arith.constant 0 : index
    %get3A_202 = vector.load %arg0[%get3A_199, %get3A_200, %get3A_201] : memref<2x4096x3xf32, #tpu.memory_space<vmem>>, vector<1x128x3xf32>
    %get3A_203 = vector.shape_cast %get3A_202 : vector<1x128x3xf32> to vector<128x3xf32>
    %get3A_204 = arith.constant 0 : index
    %get3A_205 = arith.constant 896 : index
    %get3A_206 = arith.constant 0 : index
    %get3A_207 = vector.load %arg2[%get3A_204, %get3A_205, %get3A_206] : memref<2x4096x1xf32, #tpu.memory_space<vmem>>, vector<1x128x1xf32>
    %get3A_208 = vector.shape_cast %get3A_207 : vector<1x128x1xf32> to vector<128x1xf32>
    %dot_general3A_209 = arith.constant dense<0.000000e+00> : vector<128x4096xf32>
    %dot_general3A_210 = tpu.matmul %get3A_203, %get3A_3, %dot_general3A_209 {dimension_numbers = #tpu.dot_dimension_numbers<[1], [0], [0], [1], [0, 0, 1, 1], [], []>, transpose_lhs_hint = false} : vector<128x3xf32>, vector<3x4096xf32>, vector<128x4096xf32> -> vector<128x4096xf32>
    %add3A_211 = vector.broadcast %get3A_208 : vector<128x1xf32> to vector<128x4096xf32>
    %add3A_212 = vector.broadcast %get3A_8 : vector<1x4096xf32> to vector<128x4096xf32>
    %add3A_213 = arith.addf %add3A_211, %add3A_212 : vector<128x4096xf32>
    %mul3A_214 = arith.constant 2.000000e+00 : f32
    %mul3A_215 = vector.broadcast %mul3A_214 : f32 to vector<128x4096xf32>
    %mul3A_216 = arith.mulf %mul3A_215, %dot_general3A_210 : vector<128x4096xf32>
    %sub3A_217 = arith.subf %add3A_213, %mul3A_216 : vector<128x4096xf32>
    %lt3A_218 = arith.constant 2.500000e-01 : f32
    %lt3A_219 = vector.broadcast %lt3A_218 : f32 to vector<128x4096xf32>
    %lt3A_220 = arith.cmpf olt, %sub3A_217, %lt3A_219 : vector<128x4096xf32>
    %convert_element_type3A_221 = arith.extui %lt3A_220 : vector<128x4096xi1> to vector<128x4096xi32>
    %convert_element_type3A_222 = arith.sitofp %convert_element_type3A_221 : vector<128x4096xi32> to vector<128x4096xf32>
    %reduce_sum3A_223 = arith.constant dense<0.000000e+00> : vector<4096xf32>
    %reduce_sum3A_224 = vector.multi_reduction <add>, %convert_element_type3A_222, %reduce_sum3A_223 [0] : vector<128x4096xf32> to vector<4096xf32>
    %broadcast_in_dim3A_225 = vector.shape_cast %reduce_sum3A_224 : vector<4096xf32> to vector<1x4096xf32>
    %add3A_226 = arith.addf %add3A_198, %broadcast_in_dim3A_225 : vector<1x4096xf32>
    %get3A_227 = arith.constant 0 : index
    %get3A_228 = arith.constant 1024 : index
    %get3A_229 = arith.constant 0 : index
    %get3A_230 = vector.load %arg0[%get3A_227, %get3A_228, %get3A_229] : memref<2x4096x3xf32, #tpu.memory_space<vmem>>, vector<1x128x3xf32>
    %get3A_231 = vector.shape_cast %get3A_230 : vector<1x128x3xf32> to vector<128x3xf32>
    %get3A_232 = arith.constant 0 : index
    %get3A_233 = arith.constant 1024 : index
    %get3A_234 = arith.constant 0 : index
    %get3A_235 = vector.load %arg2[%get3A_232, %get3A_233, %get3A_234] : memref<2x4096x1xf32, #tpu.memory_space<vmem>>, vector<1x128x1xf32>
    %get3A_236 = vector.shape_cast %get3A_235 : vector<1x128x1xf32> to vector<128x1xf32>
    %dot_general3A_237 = arith.constant dense<0.000000e+00> : vector<128x4096xf32>
    %dot_general3A_238 = tpu.matmul %get3A_231, %get3A_3, %dot_general3A_237 {dimension_numbers = #tpu.dot_dimension_numbers<[1], [0], [0], [1], [0, 0, 1, 1], [], []>, transpose_lhs_hint = false} : vector<128x3xf32>, vector<3x4096xf32>, vector<128x4096xf32> -> vector<128x4096xf32>
    %add3A_239 = vector.broadcast %get3A_236 : vector<128x1xf32> to vector<128x4096xf32>
    %add3A_240 = vector.broadcast %get3A_8 : vector<1x4096xf32> to vector<128x4096xf32>
    %add3A_241 = arith.addf %add3A_239, %add3A_240 : vector<128x4096xf32>
    %mul3A_242 = arith.constant 2.000000e+00 : f32
    %mul3A_243 = vector.broadcast %mul3A_242 : f32 to vector<128x4096xf32>
    %mul3A_244 = arith.mulf %mul3A_243, %dot_general3A_238 : vector<128x4096xf32>
    %sub3A_245 = arith.subf %add3A_241, %mul3A_244 : vector<128x4096xf32>
    %lt3A_246 = arith.constant 2.500000e-01 : f32
    %lt3A_247 = vector.broadcast %lt3A_246 : f32 to vector<128x4096xf32>
    %lt3A_248 = arith.cmpf olt, %sub3A_245, %lt3A_247 : vector<128x4096xf32>
    %convert_element_type3A_249 = arith.extui %lt3A_248 : vector<128x4096xi1> to vector<128x4096xi32>
    %convert_element_type3A_250 = arith.sitofp %convert_element_type3A_249 : vector<128x4096xi32> to vector<128x4096xf32>
    %reduce_sum3A_251 = arith.constant dense<0.000000e+00> : vector<4096xf32>
    %reduce_sum3A_252 = vector.multi_reduction <add>, %convert_element_type3A_250, %reduce_sum3A_251 [0] : vector<128x4096xf32> to vector<4096xf32>
    %broadcast_in_dim3A_253 = vector.shape_cast %reduce_sum3A_252 : vector<4096xf32> to vector<1x4096xf32>
    %add3A_254 = arith.addf %add3A_226, %broadcast_in_dim3A_253 : vector<1x4096xf32>
    %get3A_255 = arith.constant 0 : index
    %get3A_256 = arith.constant 1152 : index
    %get3A_257 = arith.constant 0 : index
    %get3A_258 = vector.load %arg0[%get3A_255, %get3A_256, %get3A_257] : memref<2x4096x3xf32, #tpu.memory_space<vmem>>, vector<1x128x3xf32>
    %get3A_259 = vector.shape_cast %get3A_258 : vector<1x128x3xf32> to vector<128x3xf32>
    %get3A_260 = arith.constant 0 : index
    %get3A_261 = arith.constant 1152 : index
    %get3A_262 = arith.constant 0 : index
    %get3A_263 = vector.load %arg2[%get3A_260, %get3A_261, %get3A_262] : memref<2x4096x1xf32, #tpu.memory_space<vmem>>, vector<1x128x1xf32>
    %get3A_264 = vector.shape_cast %get3A_263 : vector<1x128x1xf32> to vector<128x1xf32>
    %dot_general3A_265 = arith.constant dense<0.000000e+00> : vector<128x4096xf32>
    %dot_general3A_266 = tpu.matmul %get3A_259, %get3A_3, %dot_general3A_265 {dimension_numbers = #tpu.dot_dimension_numbers<[1], [0], [0], [1], [0, 0, 1, 1], [], []>, transpose_lhs_hint = false} : vector<128x3xf32>, vector<3x4096xf32>, vector<128x4096xf32> -> vector<128x4096xf32>
    %add3A_267 = vector.broadcast %get3A_264 : vector<128x1xf32> to vector<128x4096xf32>
    %add3A_268 = vector.broadcast %get3A_8 : vector<1x4096xf32> to vector<128x4096xf32>
    %add3A_269 = arith.addf %add3A_267, %add3A_268 : vector<128x4096xf32>
    %mul3A_270 = arith.constant 2.000000e+00 : f32
    %mul3A_271 = vector.broadcast %mul3A_270 : f32 to vector<128x4096xf32>
    %mul3A_272 = arith.mulf %mul3A_271, %dot_general3A_266 : vector<128x4096xf32>
    %sub3A_273 = arith.subf %add3A_269, %mul3A_272 : vector<128x4096xf32>
    %lt3A_274 = arith.constant 2.500000e-01 : f32
    %lt3A_275 = vector.broadcast %lt3A_274 : f32 to vector<128x4096xf32>
    %lt3A_276 = arith.cmpf olt, %sub3A_273, %lt3A_275 : vector<128x4096xf32>
    %convert_element_type3A_277 = arith.extui %lt3A_276 : vector<128x4096xi1> to vector<128x4096xi32>
    %convert_element_type3A_278 = arith.sitofp %convert_element_type3A_277 : vector<128x4096xi32> to vector<128x4096xf32>
    %reduce_sum3A_279 = arith.constant dense<0.000000e+00> : vector<4096xf32>
    %reduce_sum3A_280 = vector.multi_reduction <add>, %convert_element_type3A_278, %reduce_sum3A_279 [0] : vector<128x4096xf32> to vector<4096xf32>
    %broadcast_in_dim3A_281 = vector.shape_cast %reduce_sum3A_280 : vector<4096xf32> to vector<1x4096xf32>
    %add3A_282 = arith.addf %add3A_254, %broadcast_in_dim3A_281 : vector<1x4096xf32>
    %get3A_283 = arith.constant 0 : index
    %get3A_284 = arith.constant 1280 : index
    %get3A_285 = arith.constant 0 : index
    %get3A_286 = vector.load %arg0[%get3A_283, %get3A_284, %get3A_285] : memref<2x4096x3xf32, #tpu.memory_space<vmem>>, vector<1x128x3xf32>
    %get3A_287 = vector.shape_cast %get3A_286 : vector<1x128x3xf32> to vector<128x3xf32>
    %get3A_288 = arith.constant 0 : index
    %get3A_289 = arith.constant 1280 : index
    %get3A_290 = arith.constant 0 : index
    %get3A_291 = vector.load %arg2[%get3A_288, %get3A_289, %get3A_290] : memref<2x4096x1xf32, #tpu.memory_space<vmem>>, vector<1x128x1xf32>
    %get3A_292 = vector.shape_cast %get3A_291 : vector<1x128x1xf32> to vector<128x1xf32>
    %dot_general3A_293 = arith.constant dense<0.000000e+00> : vector<128x4096xf32>
    %dot_general3A_294 = tpu.matmul %get3A_287, %get3A_3, %dot_general3A_293 {dimension_numbers = #tpu.dot_dimension_numbers<[1], [0], [0], [1], [0, 0, 1, 1], [], []>, transpose_lhs_hint = false} : vector<128x3xf32>, vector<3x4096xf32>, vector<128x4096xf32> -> vector<128x4096xf32>
    %add3A_295 = vector.broadcast %get3A_292 : vector<128x1xf32> to vector<128x4096xf32>
    %add3A_296 = vector.broadcast %get3A_8 : vector<1x4096xf32> to vector<128x4096xf32>
    %add3A_297 = arith.addf %add3A_295, %add3A_296 : vector<128x4096xf32>
    %mul3A_298 = arith.constant 2.000000e+00 : f32
    %mul3A_299 = vector.broadcast %mul3A_298 : f32 to vector<128x4096xf32>
    %mul3A_300 = arith.mulf %mul3A_299, %dot_general3A_294 : vector<128x4096xf32>
    %sub3A_301 = arith.subf %add3A_297, %mul3A_300 : vector<128x4096xf32>
    %lt3A_302 = arith.constant 2.500000e-01 : f32
    %lt3A_303 = vector.broadcast %lt3A_302 : f32 to vector<128x4096xf32>
    %lt3A_304 = arith.cmpf olt, %sub3A_301, %lt3A_303 : vector<128x4096xf32>
    %convert_element_type3A_305 = arith.extui %lt3A_304 : vector<128x4096xi1> to vector<128x4096xi32>
    %convert_element_type3A_306 = arith.sitofp %convert_element_type3A_305 : vector<128x4096xi32> to vector<128x4096xf32>
    %reduce_sum3A_307 = arith.constant dense<0.000000e+00> : vector<4096xf32>
    %reduce_sum3A_308 = vector.multi_reduction <add>, %convert_element_type3A_306, %reduce_sum3A_307 [0] : vector<128x4096xf32> to vector<4096xf32>
    %broadcast_in_dim3A_309 = vector.shape_cast %reduce_sum3A_308 : vector<4096xf32> to vector<1x4096xf32>
    %add3A_310 = arith.addf %add3A_282, %broadcast_in_dim3A_309 : vector<1x4096xf32>
    %get3A_311 = arith.constant 0 : index
    %get3A_312 = arith.constant 1408 : index
    %get3A_313 = arith.constant 0 : index
    %get3A_314 = vector.load %arg0[%get3A_311, %get3A_312, %get3A_313] : memref<2x4096x3xf32, #tpu.memory_space<vmem>>, vector<1x128x3xf32>
    %get3A_315 = vector.shape_cast %get3A_314 : vector<1x128x3xf32> to vector<128x3xf32>
    %get3A_316 = arith.constant 0 : index
    %get3A_317 = arith.constant 1408 : index
    %get3A_318 = arith.constant 0 : index
    %get3A_319 = vector.load %arg2[%get3A_316, %get3A_317, %get3A_318] : memref<2x4096x1xf32, #tpu.memory_space<vmem>>, vector<1x128x1xf32>
    %get3A_320 = vector.shape_cast %get3A_319 : vector<1x128x1xf32> to vector<128x1xf32>
    %dot_general3A_321 = arith.constant dense<0.000000e+00> : vector<128x4096xf32>
    %dot_general3A_322 = tpu.matmul %get3A_315, %get3A_3, %dot_general3A_321 {dimension_numbers = #tpu.dot_dimension_numbers<[1], [0], [0], [1], [0, 0, 1, 1], [], []>, transpose_lhs_hint = false} : vector<128x3xf32>, vector<3x4096xf32>, vector<128x4096xf32> -> vector<128x4096xf32>
    %add3A_323 = vector.broadcast %get3A_320 : vector<128x1xf32> to vector<128x4096xf32>
    %add3A_324 = vector.broadcast %get3A_8 : vector<1x4096xf32> to vector<128x4096xf32>
    %add3A_325 = arith.addf %add3A_323, %add3A_324 : vector<128x4096xf32>
    %mul3A_326 = arith.constant 2.000000e+00 : f32
    %mul3A_327 = vector.broadcast %mul3A_326 : f32 to vector<128x4096xf32>
    %mul3A_328 = arith.mulf %mul3A_327, %dot_general3A_322 : vector<128x4096xf32>
    %sub3A_329 = arith.subf %add3A_325, %mul3A_328 : vector<128x4096xf32>
    %lt3A_330 = arith.constant 2.500000e-01 : f32
    %lt3A_331 = vector.broadcast %lt3A_330 : f32 to vector<128x4096xf32>
    %lt3A_332 = arith.cmpf olt, %sub3A_329, %lt3A_331 : vector<128x4096xf32>
    %convert_element_type3A_333 = arith.extui %lt3A_332 : vector<128x4096xi1> to vector<128x4096xi32>
    %convert_element_type3A_334 = arith.sitofp %convert_element_type3A_333 : vector<128x4096xi32> to vector<128x4096xf32>
    %reduce_sum3A_335 = arith.constant dense<0.000000e+00> : vector<4096xf32>
    %reduce_sum3A_336 = vector.multi_reduction <add>, %convert_element_type3A_334, %reduce_sum3A_335 [0] : vector<128x4096xf32> to vector<4096xf32>
    %broadcast_in_dim3A_337 = vector.shape_cast %reduce_sum3A_336 : vector<4096xf32> to vector<1x4096xf32>
    %add3A_338 = arith.addf %add3A_310, %broadcast_in_dim3A_337 : vector<1x4096xf32>
    %get3A_339 = arith.constant 0 : index
    %get3A_340 = arith.constant 1536 : index
    %get3A_341 = arith.constant 0 : index
    %get3A_342 = vector.load %arg0[%get3A_339, %get3A_340, %get3A_341] : memref<2x4096x3xf32, #tpu.memory_space<vmem>>, vector<1x128x3xf32>
    %get3A_343 = vector.shape_cast %get3A_342 : vector<1x128x3xf32> to vector<128x3xf32>
    %get3A_344 = arith.constant 0 : index
    %get3A_345 = arith.constant 1536 : index
    %get3A_346 = arith.constant 0 : index
    %get3A_347 = vector.load %arg2[%get3A_344, %get3A_345, %get3A_346] : memref<2x4096x1xf32, #tpu.memory_space<vmem>>, vector<1x128x1xf32>
    %get3A_348 = vector.shape_cast %get3A_347 : vector<1x128x1xf32> to vector<128x1xf32>
    %dot_general3A_349 = arith.constant dense<0.000000e+00> : vector<128x4096xf32>
    %dot_general3A_350 = tpu.matmul %get3A_343, %get3A_3, %dot_general3A_349 {dimension_numbers = #tpu.dot_dimension_numbers<[1], [0], [0], [1], [0, 0, 1, 1], [], []>, transpose_lhs_hint = false} : vector<128x3xf32>, vector<3x4096xf32>, vector<128x4096xf32> -> vector<128x4096xf32>
    %add3A_351 = vector.broadcast %get3A_348 : vector<128x1xf32> to vector<128x4096xf32>
    %add3A_352 = vector.broadcast %get3A_8 : vector<1x4096xf32> to vector<128x4096xf32>
    %add3A_353 = arith.addf %add3A_351, %add3A_352 : vector<128x4096xf32>
    %mul3A_354 = arith.constant 2.000000e+00 : f32
    %mul3A_355 = vector.broadcast %mul3A_354 : f32 to vector<128x4096xf32>
    %mul3A_356 = arith.mulf %mul3A_355, %dot_general3A_350 : vector<128x4096xf32>
    %sub3A_357 = arith.subf %add3A_353, %mul3A_356 : vector<128x4096xf32>
    %lt3A_358 = arith.constant 2.500000e-01 : f32
    %lt3A_359 = vector.broadcast %lt3A_358 : f32 to vector<128x4096xf32>
    %lt3A_360 = arith.cmpf olt, %sub3A_357, %lt3A_359 : vector<128x4096xf32>
    %convert_element_type3A_361 = arith.extui %lt3A_360 : vector<128x4096xi1> to vector<128x4096xi32>
    %convert_element_type3A_362 = arith.sitofp %convert_element_type3A_361 : vector<128x4096xi32> to vector<128x4096xf32>
    %reduce_sum3A_363 = arith.constant dense<0.000000e+00> : vector<4096xf32>
    %reduce_sum3A_364 = vector.multi_reduction <add>, %convert_element_type3A_362, %reduce_sum3A_363 [0] : vector<128x4096xf32> to vector<4096xf32>
    %broadcast_in_dim3A_365 = vector.shape_cast %reduce_sum3A_364 : vector<4096xf32> to vector<1x4096xf32>
    %add3A_366 = arith.addf %add3A_338, %broadcast_in_dim3A_365 : vector<1x4096xf32>
    %get3A_367 = arith.constant 0 : index
    %get3A_368 = arith.constant 1664 : index
    %get3A_369 = arith.constant 0 : index
    %get3A_370 = vector.load %arg0[%get3A_367, %get3A_368, %get3A_369] : memref<2x4096x3xf32, #tpu.memory_space<vmem>>, vector<1x128x3xf32>
    %get3A_371 = vector.shape_cast %get3A_370 : vector<1x128x3xf32> to vector<128x3xf32>
    %get3A_372 = arith.constant 0 : index
    %get3A_373 = arith.constant 1664 : index
    %get3A_374 = arith.constant 0 : index
    %get3A_375 = vector.load %arg2[%get3A_372, %get3A_373, %get3A_374] : memref<2x4096x1xf32, #tpu.memory_space<vmem>>, vector<1x128x1xf32>
    %get3A_376 = vector.shape_cast %get3A_375 : vector<1x128x1xf32> to vector<128x1xf32>
    %dot_general3A_377 = arith.constant dense<0.000000e+00> : vector<128x4096xf32>
    %dot_general3A_378 = tpu.matmul %get3A_371, %get3A_3, %dot_general3A_377 {dimension_numbers = #tpu.dot_dimension_numbers<[1], [0], [0], [1], [0, 0, 1, 1], [], []>, transpose_lhs_hint = false} : vector<128x3xf32>, vector<3x4096xf32>, vector<128x4096xf32> -> vector<128x4096xf32>
    %add3A_379 = vector.broadcast %get3A_376 : vector<128x1xf32> to vector<128x4096xf32>
    %add3A_380 = vector.broadcast %get3A_8 : vector<1x4096xf32> to vector<128x4096xf32>
    %add3A_381 = arith.addf %add3A_379, %add3A_380 : vector<128x4096xf32>
    %mul3A_382 = arith.constant 2.000000e+00 : f32
    %mul3A_383 = vector.broadcast %mul3A_382 : f32 to vector<128x4096xf32>
    %mul3A_384 = arith.mulf %mul3A_383, %dot_general3A_378 : vector<128x4096xf32>
    %sub3A_385 = arith.subf %add3A_381, %mul3A_384 : vector<128x4096xf32>
    %lt3A_386 = arith.constant 2.500000e-01 : f32
    %lt3A_387 = vector.broadcast %lt3A_386 : f32 to vector<128x4096xf32>
    %lt3A_388 = arith.cmpf olt, %sub3A_385, %lt3A_387 : vector<128x4096xf32>
    %convert_element_type3A_389 = arith.extui %lt3A_388 : vector<128x4096xi1> to vector<128x4096xi32>
    %convert_element_type3A_390 = arith.sitofp %convert_element_type3A_389 : vector<128x4096xi32> to vector<128x4096xf32>
    %reduce_sum3A_391 = arith.constant dense<0.000000e+00> : vector<4096xf32>
    %reduce_sum3A_392 = vector.multi_reduction <add>, %convert_element_type3A_390, %reduce_sum3A_391 [0] : vector<128x4096xf32> to vector<4096xf32>
    %broadcast_in_dim3A_393 = vector.shape_cast %reduce_sum3A_392 : vector<4096xf32> to vector<1x4096xf32>
    %add3A_394 = arith.addf %add3A_366, %broadcast_in_dim3A_393 : vector<1x4096xf32>
    %get3A_395 = arith.constant 0 : index
    %get3A_396 = arith.constant 1792 : index
    %get3A_397 = arith.constant 0 : index
    %get3A_398 = vector.load %arg0[%get3A_395, %get3A_396, %get3A_397] : memref<2x4096x3xf32, #tpu.memory_space<vmem>>, vector<1x128x3xf32>
    %get3A_399 = vector.shape_cast %get3A_398 : vector<1x128x3xf32> to vector<128x3xf32>
    %get3A_400 = arith.constant 0 : index
    %get3A_401 = arith.constant 1792 : index
    %get3A_402 = arith.constant 0 : index
    %get3A_403 = vector.load %arg2[%get3A_400, %get3A_401, %get3A_402] : memref<2x4096x1xf32, #tpu.memory_space<vmem>>, vector<1x128x1xf32>
    %get3A_404 = vector.shape_cast %get3A_403 : vector<1x128x1xf32> to vector<128x1xf32>
    %dot_general3A_405 = arith.constant dense<0.000000e+00> : vector<128x4096xf32>
    %dot_general3A_406 = tpu.matmul %get3A_399, %get3A_3, %dot_general3A_405 {dimension_numbers = #tpu.dot_dimension_numbers<[1], [0], [0], [1], [0, 0, 1, 1], [], []>, transpose_lhs_hint = false} : vector<128x3xf32>, vector<3x4096xf32>, vector<128x4096xf32> -> vector<128x4096xf32>
    %add3A_407 = vector.broadcast %get3A_404 : vector<128x1xf32> to vector<128x4096xf32>
    %add3A_408 = vector.broadcast %get3A_8 : vector<1x4096xf32> to vector<128x4096xf32>
    %add3A_409 = arith.addf %add3A_407, %add3A_408 : vector<128x4096xf32>
    %mul3A_410 = arith.constant 2.000000e+00 : f32
    %mul3A_411 = vector.broadcast %mul3A_410 : f32 to vector<128x4096xf32>
    %mul3A_412 = arith.mulf %mul3A_411, %dot_general3A_406 : vector<128x4096xf32>
    %sub3A_413 = arith.subf %add3A_409, %mul3A_412 : vector<128x4096xf32>
    %lt3A_414 = arith.constant 2.500000e-01 : f32
    %lt3A_415 = vector.broadcast %lt3A_414 : f32 to vector<128x4096xf32>
    %lt3A_416 = arith.cmpf olt, %sub3A_413, %lt3A_415 : vector<128x4096xf32>
    %convert_element_type3A_417 = arith.extui %lt3A_416 : vector<128x4096xi1> to vector<128x4096xi32>
    %convert_element_type3A_418 = arith.sitofp %convert_element_type3A_417 : vector<128x4096xi32> to vector<128x4096xf32>
    %reduce_sum3A_419 = arith.constant dense<0.000000e+00> : vector<4096xf32>
    %reduce_sum3A_420 = vector.multi_reduction <add>, %convert_element_type3A_418, %reduce_sum3A_419 [0] : vector<128x4096xf32> to vector<4096xf32>
    %broadcast_in_dim3A_421 = vector.shape_cast %reduce_sum3A_420 : vector<4096xf32> to vector<1x4096xf32>
    %add3A_422 = arith.addf %add3A_394, %broadcast_in_dim3A_421 : vector<1x4096xf32>
    %get3A_423 = arith.constant 0 : index
    %get3A_424 = arith.constant 1920 : index
    %get3A_425 = arith.constant 0 : index
    %get3A_426 = vector.load %arg0[%get3A_423, %get3A_424, %get3A_425] : memref<2x4096x3xf32, #tpu.memory_space<vmem>>, vector<1x128x3xf32>
    %get3A_427 = vector.shape_cast %get3A_426 : vector<1x128x3xf32> to vector<128x3xf32>
    %get3A_428 = arith.constant 0 : index
    %get3A_429 = arith.constant 1920 : index
    %get3A_430 = arith.constant 0 : index
    %get3A_431 = vector.load %arg2[%get3A_428, %get3A_429, %get3A_430] : memref<2x4096x1xf32, #tpu.memory_space<vmem>>, vector<1x128x1xf32>
    %get3A_432 = vector.shape_cast %get3A_431 : vector<1x128x1xf32> to vector<128x1xf32>
    %dot_general3A_433 = arith.constant dense<0.000000e+00> : vector<128x4096xf32>
    %dot_general3A_434 = tpu.matmul %get3A_427, %get3A_3, %dot_general3A_433 {dimension_numbers = #tpu.dot_dimension_numbers<[1], [0], [0], [1], [0, 0, 1, 1], [], []>, transpose_lhs_hint = false} : vector<128x3xf32>, vector<3x4096xf32>, vector<128x4096xf32> -> vector<128x4096xf32>
    %add3A_435 = vector.broadcast %get3A_432 : vector<128x1xf32> to vector<128x4096xf32>
    %add3A_436 = vector.broadcast %get3A_8 : vector<1x4096xf32> to vector<128x4096xf32>
    %add3A_437 = arith.addf %add3A_435, %add3A_436 : vector<128x4096xf32>
    %mul3A_438 = arith.constant 2.000000e+00 : f32
    %mul3A_439 = vector.broadcast %mul3A_438 : f32 to vector<128x4096xf32>
    %mul3A_440 = arith.mulf %mul3A_439, %dot_general3A_434 : vector<128x4096xf32>
    %sub3A_441 = arith.subf %add3A_437, %mul3A_440 : vector<128x4096xf32>
    %lt3A_442 = arith.constant 2.500000e-01 : f32
    %lt3A_443 = vector.broadcast %lt3A_442 : f32 to vector<128x4096xf32>
    %lt3A_444 = arith.cmpf olt, %sub3A_441, %lt3A_443 : vector<128x4096xf32>
    %convert_element_type3A_445 = arith.extui %lt3A_444 : vector<128x4096xi1> to vector<128x4096xi32>
    %convert_element_type3A_446 = arith.sitofp %convert_element_type3A_445 : vector<128x4096xi32> to vector<128x4096xf32>
    %reduce_sum3A_447 = arith.constant dense<0.000000e+00> : vector<4096xf32>
    %reduce_sum3A_448 = vector.multi_reduction <add>, %convert_element_type3A_446, %reduce_sum3A_447 [0] : vector<128x4096xf32> to vector<4096xf32>
    %broadcast_in_dim3A_449 = vector.shape_cast %reduce_sum3A_448 : vector<4096xf32> to vector<1x4096xf32>
    %add3A_450 = arith.addf %add3A_422, %broadcast_in_dim3A_449 : vector<1x4096xf32>
    %get3A_451 = arith.constant 0 : index
    %get3A_452 = arith.constant 2048 : index
    %get3A_453 = arith.constant 0 : index
    %get3A_454 = vector.load %arg0[%get3A_451, %get3A_452, %get3A_453] : memref<2x4096x3xf32, #tpu.memory_space<vmem>>, vector<1x128x3xf32>
    %get3A_455 = vector.shape_cast %get3A_454 : vector<1x128x3xf32> to vector<128x3xf32>
    %get3A_456 = arith.constant 0 : index
    %get3A_457 = arith.constant 2048 : index
    %get3A_458 = arith.constant 0 : index
    %get3A_459 = vector.load %arg2[%get3A_456, %get3A_457, %get3A_458] : memref<2x4096x1xf32, #tpu.memory_space<vmem>>, vector<1x128x1xf32>
    %get3A_460 = vector.shape_cast %get3A_459 : vector<1x128x1xf32> to vector<128x1xf32>
    %dot_general3A_461 = arith.constant dense<0.000000e+00> : vector<128x4096xf32>
    %dot_general3A_462 = tpu.matmul %get3A_455, %get3A_3, %dot_general3A_461 {dimension_numbers = #tpu.dot_dimension_numbers<[1], [0], [0], [1], [0, 0, 1, 1], [], []>, transpose_lhs_hint = false} : vector<128x3xf32>, vector<3x4096xf32>, vector<128x4096xf32> -> vector<128x4096xf32>
    %add3A_463 = vector.broadcast %get3A_460 : vector<128x1xf32> to vector<128x4096xf32>
    %add3A_464 = vector.broadcast %get3A_8 : vector<1x4096xf32> to vector<128x4096xf32>
    %add3A_465 = arith.addf %add3A_463, %add3A_464 : vector<128x4096xf32>
    %mul3A_466 = arith.constant 2.000000e+00 : f32
    %mul3A_467 = vector.broadcast %mul3A_466 : f32 to vector<128x4096xf32>
    %mul3A_468 = arith.mulf %mul3A_467, %dot_general3A_462 : vector<128x4096xf32>
    %sub3A_469 = arith.subf %add3A_465, %mul3A_468 : vector<128x4096xf32>
    %lt3A_470 = arith.constant 2.500000e-01 : f32
    %lt3A_471 = vector.broadcast %lt3A_470 : f32 to vector<128x4096xf32>
    %lt3A_472 = arith.cmpf olt, %sub3A_469, %lt3A_471 : vector<128x4096xf32>
    %convert_element_type3A_473 = arith.extui %lt3A_472 : vector<128x4096xi1> to vector<128x4096xi32>
    %convert_element_type3A_474 = arith.sitofp %convert_element_type3A_473 : vector<128x4096xi32> to vector<128x4096xf32>
    %reduce_sum3A_475 = arith.constant dense<0.000000e+00> : vector<4096xf32>
    %reduce_sum3A_476 = vector.multi_reduction <add>, %convert_element_type3A_474, %reduce_sum3A_475 [0] : vector<128x4096xf32> to vector<4096xf32>
    %broadcast_in_dim3A_477 = vector.shape_cast %reduce_sum3A_476 : vector<4096xf32> to vector<1x4096xf32>
    %add3A_478 = arith.addf %add3A_450, %broadcast_in_dim3A_477 : vector<1x4096xf32>
    %get3A_479 = arith.constant 0 : index
    %get3A_480 = arith.constant 2176 : index
    %get3A_481 = arith.constant 0 : index
    %get3A_482 = vector.load %arg0[%get3A_479, %get3A_480, %get3A_481] : memref<2x4096x3xf32, #tpu.memory_space<vmem>>, vector<1x128x3xf32>
    %get3A_483 = vector.shape_cast %get3A_482 : vector<1x128x3xf32> to vector<128x3xf32>
    %get3A_484 = arith.constant 0 : index
    %get3A_485 = arith.constant 2176 : index
    %get3A_486 = arith.constant 0 : index
    %get3A_487 = vector.load %arg2[%get3A_484, %get3A_485, %get3A_486] : memref<2x4096x1xf32, #tpu.memory_space<vmem>>, vector<1x128x1xf32>
    %get3A_488 = vector.shape_cast %get3A_487 : vector<1x128x1xf32> to vector<128x1xf32>
    %dot_general3A_489 = arith.constant dense<0.000000e+00> : vector<128x4096xf32>
    %dot_general3A_490 = tpu.matmul %get3A_483, %get3A_3, %dot_general3A_489 {dimension_numbers = #tpu.dot_dimension_numbers<[1], [0], [0], [1], [0, 0, 1, 1], [], []>, transpose_lhs_hint = false} : vector<128x3xf32>, vector<3x4096xf32>, vector<128x4096xf32> -> vector<128x4096xf32>
    %add3A_491 = vector.broadcast %get3A_488 : vector<128x1xf32> to vector<128x4096xf32>
    %add3A_492 = vector.broadcast %get3A_8 : vector<1x4096xf32> to vector<128x4096xf32>
    %add3A_493 = arith.addf %add3A_491, %add3A_492 : vector<128x4096xf32>
    %mul3A_494 = arith.constant 2.000000e+00 : f32
    %mul3A_495 = vector.broadcast %mul3A_494 : f32 to vector<128x4096xf32>
    %mul3A_496 = arith.mulf %mul3A_495, %dot_general3A_490 : vector<128x4096xf32>
    %sub3A_497 = arith.subf %add3A_493, %mul3A_496 : vector<128x4096xf32>
    %lt3A_498 = arith.constant 2.500000e-01 : f32
    %lt3A_499 = vector.broadcast %lt3A_498 : f32 to vector<128x4096xf32>
    %lt3A_500 = arith.cmpf olt, %sub3A_497, %lt3A_499 : vector<128x4096xf32>
    %convert_element_type3A_501 = arith.extui %lt3A_500 : vector<128x4096xi1> to vector<128x4096xi32>
    %convert_element_type3A_502 = arith.sitofp %convert_element_type3A_501 : vector<128x4096xi32> to vector<128x4096xf32>
    %reduce_sum3A_503 = arith.constant dense<0.000000e+00> : vector<4096xf32>
    %reduce_sum3A_504 = vector.multi_reduction <add>, %convert_element_type3A_502, %reduce_sum3A_503 [0] : vector<128x4096xf32> to vector<4096xf32>
    %broadcast_in_dim3A_505 = vector.shape_cast %reduce_sum3A_504 : vector<4096xf32> to vector<1x4096xf32>
    %add3A_506 = arith.addf %add3A_478, %broadcast_in_dim3A_505 : vector<1x4096xf32>
    %get3A_507 = arith.constant 0 : index
    %get3A_508 = arith.constant 2304 : index
    %get3A_509 = arith.constant 0 : index
    %get3A_510 = vector.load %arg0[%get3A_507, %get3A_508, %get3A_509] : memref<2x4096x3xf32, #tpu.memory_space<vmem>>, vector<1x128x3xf32>
    %get3A_511 = vector.shape_cast %get3A_510 : vector<1x128x3xf32> to vector<128x3xf32>
    %get3A_512 = arith.constant 0 : index
    %get3A_513 = arith.constant 2304 : index
    %get3A_514 = arith.constant 0 : index
    %get3A_515 = vector.load %arg2[%get3A_512, %get3A_513, %get3A_514] : memref<2x4096x1xf32, #tpu.memory_space<vmem>>, vector<1x128x1xf32>
    %get3A_516 = vector.shape_cast %get3A_515 : vector<1x128x1xf32> to vector<128x1xf32>
    %dot_general3A_517 = arith.constant dense<0.000000e+00> : vector<128x4096xf32>
    %dot_general3A_518 = tpu.matmul %get3A_511, %get3A_3, %dot_general3A_517 {dimension_numbers = #tpu.dot_dimension_numbers<[1], [0], [0], [1], [0, 0, 1, 1], [], []>, transpose_lhs_hint = false} : vector<128x3xf32>, vector<3x4096xf32>, vector<128x4096xf32> -> vector<128x4096xf32>
    %add3A_519 = vector.broadcast %get3A_516 : vector<128x1xf32> to vector<128x4096xf32>
    %add3A_520 = vector.broadcast %get3A_8 : vector<1x4096xf32> to vector<128x4096xf32>
    %add3A_521 = arith.addf %add3A_519, %add3A_520 : vector<128x4096xf32>
    %mul3A_522 = arith.constant 2.000000e+00 : f32
    %mul3A_523 = vector.broadcast %mul3A_522 : f32 to vector<128x4096xf32>
    %mul3A_524 = arith.mulf %mul3A_523, %dot_general3A_518 : vector<128x4096xf32>
    %sub3A_525 = arith.subf %add3A_521, %mul3A_524 : vector<128x4096xf32>
    %lt3A_526 = arith.constant 2.500000e-01 : f32
    %lt3A_527 = vector.broadcast %lt3A_526 : f32 to vector<128x4096xf32>
    %lt3A_528 = arith.cmpf olt, %sub3A_525, %lt3A_527 : vector<128x4096xf32>
    %convert_element_type3A_529 = arith.extui %lt3A_528 : vector<128x4096xi1> to vector<128x4096xi32>
    %convert_element_type3A_530 = arith.sitofp %convert_element_type3A_529 : vector<128x4096xi32> to vector<128x4096xf32>
    %reduce_sum3A_531 = arith.constant dense<0.000000e+00> : vector<4096xf32>
    %reduce_sum3A_532 = vector.multi_reduction <add>, %convert_element_type3A_530, %reduce_sum3A_531 [0] : vector<128x4096xf32> to vector<4096xf32>
    %broadcast_in_dim3A_533 = vector.shape_cast %reduce_sum3A_532 : vector<4096xf32> to vector<1x4096xf32>
    %add3A_534 = arith.addf %add3A_506, %broadcast_in_dim3A_533 : vector<1x4096xf32>
    %get3A_535 = arith.constant 0 : index
    %get3A_536 = arith.constant 2432 : index
    %get3A_537 = arith.constant 0 : index
    %get3A_538 = vector.load %arg0[%get3A_535, %get3A_536, %get3A_537] : memref<2x4096x3xf32, #tpu.memory_space<vmem>>, vector<1x128x3xf32>
    %get3A_539 = vector.shape_cast %get3A_538 : vector<1x128x3xf32> to vector<128x3xf32>
    %get3A_540 = arith.constant 0 : index
    %get3A_541 = arith.constant 2432 : index
    %get3A_542 = arith.constant 0 : index
    %get3A_543 = vector.load %arg2[%get3A_540, %get3A_541, %get3A_542] : memref<2x4096x1xf32, #tpu.memory_space<vmem>>, vector<1x128x1xf32>
    %get3A_544 = vector.shape_cast %get3A_543 : vector<1x128x1xf32> to vector<128x1xf32>
    %dot_general3A_545 = arith.constant dense<0.000000e+00> : vector<128x4096xf32>
    %dot_general3A_546 = tpu.matmul %get3A_539, %get3A_3, %dot_general3A_545 {dimension_numbers = #tpu.dot_dimension_numbers<[1], [0], [0], [1], [0, 0, 1, 1], [], []>, transpose_lhs_hint = false} : vector<128x3xf32>, vector<3x4096xf32>, vector<128x4096xf32> -> vector<128x4096xf32>
    %add3A_547 = vector.broadcast %get3A_544 : vector<128x1xf32> to vector<128x4096xf32>
    %add3A_548 = vector.broadcast %get3A_8 : vector<1x4096xf32> to vector<128x4096xf32>
    %add3A_549 = arith.addf %add3A_547, %add3A_548 : vector<128x4096xf32>
    %mul3A_550 = arith.constant 2.000000e+00 : f32
    %mul3A_551 = vector.broadcast %mul3A_550 : f32 to vector<128x4096xf32>
    %mul3A_552 = arith.mulf %mul3A_551, %dot_general3A_546 : vector<128x4096xf32>
    %sub3A_553 = arith.subf %add3A_549, %mul3A_552 : vector<128x4096xf32>
    %lt3A_554 = arith.constant 2.500000e-01 : f32
    %lt3A_555 = vector.broadcast %lt3A_554 : f32 to vector<128x4096xf32>
    %lt3A_556 = arith.cmpf olt, %sub3A_553, %lt3A_555 : vector<128x4096xf32>
    %convert_element_type3A_557 = arith.extui %lt3A_556 : vector<128x4096xi1> to vector<128x4096xi32>
    %convert_element_type3A_558 = arith.sitofp %convert_element_type3A_557 : vector<128x4096xi32> to vector<128x4096xf32>
    %reduce_sum3A_559 = arith.constant dense<0.000000e+00> : vector<4096xf32>
    %reduce_sum3A_560 = vector.multi_reduction <add>, %convert_element_type3A_558, %reduce_sum3A_559 [0] : vector<128x4096xf32> to vector<4096xf32>
    %broadcast_in_dim3A_561 = vector.shape_cast %reduce_sum3A_560 : vector<4096xf32> to vector<1x4096xf32>
    %add3A_562 = arith.addf %add3A_534, %broadcast_in_dim3A_561 : vector<1x4096xf32>
    %get3A_563 = arith.constant 0 : index
    %get3A_564 = arith.constant 2560 : index
    %get3A_565 = arith.constant 0 : index
    %get3A_566 = vector.load %arg0[%get3A_563, %get3A_564, %get3A_565] : memref<2x4096x3xf32, #tpu.memory_space<vmem>>, vector<1x128x3xf32>
    %get3A_567 = vector.shape_cast %get3A_566 : vector<1x128x3xf32> to vector<128x3xf32>
    %get3A_568 = arith.constant 0 : index
    %get3A_569 = arith.constant 2560 : index
    %get3A_570 = arith.constant 0 : index
    %get3A_571 = vector.load %arg2[%get3A_568, %get3A_569, %get3A_570] : memref<2x4096x1xf32, #tpu.memory_space<vmem>>, vector<1x128x1xf32>
    %get3A_572 = vector.shape_cast %get3A_571 : vector<1x128x1xf32> to vector<128x1xf32>
    %dot_general3A_573 = arith.constant dense<0.000000e+00> : vector<128x4096xf32>
    %dot_general3A_574 = tpu.matmul %get3A_567, %get3A_3, %dot_general3A_573 {dimension_numbers = #tpu.dot_dimension_numbers<[1], [0], [0], [1], [0, 0, 1, 1], [], []>, transpose_lhs_hint = false} : vector<128x3xf32>, vector<3x4096xf32>, vector<128x4096xf32> -> vector<128x4096xf32>
    %add3A_575 = vector.broadcast %get3A_572 : vector<128x1xf32> to vector<128x4096xf32>
    %add3A_576 = vector.broadcast %get3A_8 : vector<1x4096xf32> to vector<128x4096xf32>
    %add3A_577 = arith.addf %add3A_575, %add3A_576 : vector<128x4096xf32>
    %mul3A_578 = arith.constant 2.000000e+00 : f32
    %mul3A_579 = vector.broadcast %mul3A_578 : f32 to vector<128x4096xf32>
    %mul3A_580 = arith.mulf %mul3A_579, %dot_general3A_574 : vector<128x4096xf32>
    %sub3A_581 = arith.subf %add3A_577, %mul3A_580 : vector<128x4096xf32>
    %lt3A_582 = arith.constant 2.500000e-01 : f32
    %lt3A_583 = vector.broadcast %lt3A_582 : f32 to vector<128x4096xf32>
    %lt3A_584 = arith.cmpf olt, %sub3A_581, %lt3A_583 : vector<128x4096xf32>
    %convert_element_type3A_585 = arith.extui %lt3A_584 : vector<128x4096xi1> to vector<128x4096xi32>
    %convert_element_type3A_586 = arith.sitofp %convert_element_type3A_585 : vector<128x4096xi32> to vector<128x4096xf32>
    %reduce_sum3A_587 = arith.constant dense<0.000000e+00> : vector<4096xf32>
    %reduce_sum3A_588 = vector.multi_reduction <add>, %convert_element_type3A_586, %reduce_sum3A_587 [0] : vector<128x4096xf32> to vector<4096xf32>
    %broadcast_in_dim3A_589 = vector.shape_cast %reduce_sum3A_588 : vector<4096xf32> to vector<1x4096xf32>
    %add3A_590 = arith.addf %add3A_562, %broadcast_in_dim3A_589 : vector<1x4096xf32>
    %get3A_591 = arith.constant 0 : index
    %get3A_592 = arith.constant 2688 : index
    %get3A_593 = arith.constant 0 : index
    %get3A_594 = vector.load %arg0[%get3A_591, %get3A_592, %get3A_593] : memref<2x4096x3xf32, #tpu.memory_space<vmem>>, vector<1x128x3xf32>
    %get3A_595 = vector.shape_cast %get3A_594 : vector<1x128x3xf32> to vector<128x3xf32>
    %get3A_596 = arith.constant 0 : index
    %get3A_597 = arith.constant 2688 : index
    %get3A_598 = arith.constant 0 : index
    %get3A_599 = vector.load %arg2[%get3A_596, %get3A_597, %get3A_598] : memref<2x4096x1xf32, #tpu.memory_space<vmem>>, vector<1x128x1xf32>
    %get3A_600 = vector.shape_cast %get3A_599 : vector<1x128x1xf32> to vector<128x1xf32>
    %dot_general3A_601 = arith.constant dense<0.000000e+00> : vector<128x4096xf32>
    %dot_general3A_602 = tpu.matmul %get3A_595, %get3A_3, %dot_general3A_601 {dimension_numbers = #tpu.dot_dimension_numbers<[1], [0], [0], [1], [0, 0, 1, 1], [], []>, transpose_lhs_hint = false} : vector<128x3xf32>, vector<3x4096xf32>, vector<128x4096xf32> -> vector<128x4096xf32>
    %add3A_603 = vector.broadcast %get3A_600 : vector<128x1xf32> to vector<128x4096xf32>
    %add3A_604 = vector.broadcast %get3A_8 : vector<1x4096xf32> to vector<128x4096xf32>
    %add3A_605 = arith.addf %add3A_603, %add3A_604 : vector<128x4096xf32>
    %mul3A_606 = arith.constant 2.000000e+00 : f32
    %mul3A_607 = vector.broadcast %mul3A_606 : f32 to vector<128x4096xf32>
    %mul3A_608 = arith.mulf %mul3A_607, %dot_general3A_602 : vector<128x4096xf32>
    %sub3A_609 = arith.subf %add3A_605, %mul3A_608 : vector<128x4096xf32>
    %lt3A_610 = arith.constant 2.500000e-01 : f32
    %lt3A_611 = vector.broadcast %lt3A_610 : f32 to vector<128x4096xf32>
    %lt3A_612 = arith.cmpf olt, %sub3A_609, %lt3A_611 : vector<128x4096xf32>
    %convert_element_type3A_613 = arith.extui %lt3A_612 : vector<128x4096xi1> to vector<128x4096xi32>
    %convert_element_type3A_614 = arith.sitofp %convert_element_type3A_613 : vector<128x4096xi32> to vector<128x4096xf32>
    %reduce_sum3A_615 = arith.constant dense<0.000000e+00> : vector<4096xf32>
    %reduce_sum3A_616 = vector.multi_reduction <add>, %convert_element_type3A_614, %reduce_sum3A_615 [0] : vector<128x4096xf32> to vector<4096xf32>
    %broadcast_in_dim3A_617 = vector.shape_cast %reduce_sum3A_616 : vector<4096xf32> to vector<1x4096xf32>
    %add3A_618 = arith.addf %add3A_590, %broadcast_in_dim3A_617 : vector<1x4096xf32>
    %get3A_619 = arith.constant 0 : index
    %get3A_620 = arith.constant 2816 : index
    %get3A_621 = arith.constant 0 : index
    %get3A_622 = vector.load %arg0[%get3A_619, %get3A_620, %get3A_621] : memref<2x4096x3xf32, #tpu.memory_space<vmem>>, vector<1x128x3xf32>
    %get3A_623 = vector.shape_cast %get3A_622 : vector<1x128x3xf32> to vector<128x3xf32>
    %get3A_624 = arith.constant 0 : index
    %get3A_625 = arith.constant 2816 : index
    %get3A_626 = arith.constant 0 : index
    %get3A_627 = vector.load %arg2[%get3A_624, %get3A_625, %get3A_626] : memref<2x4096x1xf32, #tpu.memory_space<vmem>>, vector<1x128x1xf32>
    %get3A_628 = vector.shape_cast %get3A_627 : vector<1x128x1xf32> to vector<128x1xf32>
    %dot_general3A_629 = arith.constant dense<0.000000e+00> : vector<128x4096xf32>
    %dot_general3A_630 = tpu.matmul %get3A_623, %get3A_3, %dot_general3A_629 {dimension_numbers = #tpu.dot_dimension_numbers<[1], [0], [0], [1], [0, 0, 1, 1], [], []>, transpose_lhs_hint = false} : vector<128x3xf32>, vector<3x4096xf32>, vector<128x4096xf32> -> vector<128x4096xf32>
    %add3A_631 = vector.broadcast %get3A_628 : vector<128x1xf32> to vector<128x4096xf32>
    %add3A_632 = vector.broadcast %get3A_8 : vector<1x4096xf32> to vector<128x4096xf32>
    %add3A_633 = arith.addf %add3A_631, %add3A_632 : vector<128x4096xf32>
    %mul3A_634 = arith.constant 2.000000e+00 : f32
    %mul3A_635 = vector.broadcast %mul3A_634 : f32 to vector<128x4096xf32>
    %mul3A_636 = arith.mulf %mul3A_635, %dot_general3A_630 : vector<128x4096xf32>
    %sub3A_637 = arith.subf %add3A_633, %mul3A_636 : vector<128x4096xf32>
    %lt3A_638 = arith.constant 2.500000e-01 : f32
    %lt3A_639 = vector.broadcast %lt3A_638 : f32 to vector<128x4096xf32>
    %lt3A_640 = arith.cmpf olt, %sub3A_637, %lt3A_639 : vector<128x4096xf32>
    %convert_element_type3A_641 = arith.extui %lt3A_640 : vector<128x4096xi1> to vector<128x4096xi32>
    %convert_element_type3A_642 = arith.sitofp %convert_element_type3A_641 : vector<128x4096xi32> to vector<128x4096xf32>
    %reduce_sum3A_643 = arith.constant dense<0.000000e+00> : vector<4096xf32>
    %reduce_sum3A_644 = vector.multi_reduction <add>, %convert_element_type3A_642, %reduce_sum3A_643 [0] : vector<128x4096xf32> to vector<4096xf32>
    %broadcast_in_dim3A_645 = vector.shape_cast %reduce_sum3A_644 : vector<4096xf32> to vector<1x4096xf32>
    %add3A_646 = arith.addf %add3A_618, %broadcast_in_dim3A_645 : vector<1x4096xf32>
    %get3A_647 = arith.constant 0 : index
    %get3A_648 = arith.constant 2944 : index
    %get3A_649 = arith.constant 0 : index
    %get3A_650 = vector.load %arg0[%get3A_647, %get3A_648, %get3A_649] : memref<2x4096x3xf32, #tpu.memory_space<vmem>>, vector<1x128x3xf32>
    %get3A_651 = vector.shape_cast %get3A_650 : vector<1x128x3xf32> to vector<128x3xf32>
    %get3A_652 = arith.constant 0 : index
    %get3A_653 = arith.constant 2944 : index
    %get3A_654 = arith.constant 0 : index
    %get3A_655 = vector.load %arg2[%get3A_652, %get3A_653, %get3A_654] : memref<2x4096x1xf32, #tpu.memory_space<vmem>>, vector<1x128x1xf32>
    %get3A_656 = vector.shape_cast %get3A_655 : vector<1x128x1xf32> to vector<128x1xf32>
    %dot_general3A_657 = arith.constant dense<0.000000e+00> : vector<128x4096xf32>
    %dot_general3A_658 = tpu.matmul %get3A_651, %get3A_3, %dot_general3A_657 {dimension_numbers = #tpu.dot_dimension_numbers<[1], [0], [0], [1], [0, 0, 1, 1], [], []>, transpose_lhs_hint = false} : vector<128x3xf32>, vector<3x4096xf32>, vector<128x4096xf32> -> vector<128x4096xf32>
    %add3A_659 = vector.broadcast %get3A_656 : vector<128x1xf32> to vector<128x4096xf32>
    %add3A_660 = vector.broadcast %get3A_8 : vector<1x4096xf32> to vector<128x4096xf32>
    %add3A_661 = arith.addf %add3A_659, %add3A_660 : vector<128x4096xf32>
    %mul3A_662 = arith.constant 2.000000e+00 : f32
    %mul3A_663 = vector.broadcast %mul3A_662 : f32 to vector<128x4096xf32>
    %mul3A_664 = arith.mulf %mul3A_663, %dot_general3A_658 : vector<128x4096xf32>
    %sub3A_665 = arith.subf %add3A_661, %mul3A_664 : vector<128x4096xf32>
    %lt3A_666 = arith.constant 2.500000e-01 : f32
    %lt3A_667 = vector.broadcast %lt3A_666 : f32 to vector<128x4096xf32>
    %lt3A_668 = arith.cmpf olt, %sub3A_665, %lt3A_667 : vector<128x4096xf32>
    %convert_element_type3A_669 = arith.extui %lt3A_668 : vector<128x4096xi1> to vector<128x4096xi32>
    %convert_element_type3A_670 = arith.sitofp %convert_element_type3A_669 : vector<128x4096xi32> to vector<128x4096xf32>
    %reduce_sum3A_671 = arith.constant dense<0.000000e+00> : vector<4096xf32>
    %reduce_sum3A_672 = vector.multi_reduction <add>, %convert_element_type3A_670, %reduce_sum3A_671 [0] : vector<128x4096xf32> to vector<4096xf32>
    %broadcast_in_dim3A_673 = vector.shape_cast %reduce_sum3A_672 : vector<4096xf32> to vector<1x4096xf32>
    %add3A_674 = arith.addf %add3A_646, %broadcast_in_dim3A_673 : vector<1x4096xf32>
    %get3A_675 = arith.constant 0 : index
    %get3A_676 = arith.constant 3072 : index
    %get3A_677 = arith.constant 0 : index
    %get3A_678 = vector.load %arg0[%get3A_675, %get3A_676, %get3A_677] : memref<2x4096x3xf32, #tpu.memory_space<vmem>>, vector<1x128x3xf32>
    %get3A_679 = vector.shape_cast %get3A_678 : vector<1x128x3xf32> to vector<128x3xf32>
    %get3A_680 = arith.constant 0 : index
    %get3A_681 = arith.constant 3072 : index
    %get3A_682 = arith.constant 0 : index
    %get3A_683 = vector.load %arg2[%get3A_680, %get3A_681, %get3A_682] : memref<2x4096x1xf32, #tpu.memory_space<vmem>>, vector<1x128x1xf32>
    %get3A_684 = vector.shape_cast %get3A_683 : vector<1x128x1xf32> to vector<128x1xf32>
    %dot_general3A_685 = arith.constant dense<0.000000e+00> : vector<128x4096xf32>
    %dot_general3A_686 = tpu.matmul %get3A_679, %get3A_3, %dot_general3A_685 {dimension_numbers = #tpu.dot_dimension_numbers<[1], [0], [0], [1], [0, 0, 1, 1], [], []>, transpose_lhs_hint = false} : vector<128x3xf32>, vector<3x4096xf32>, vector<128x4096xf32> -> vector<128x4096xf32>
    %add3A_687 = vector.broadcast %get3A_684 : vector<128x1xf32> to vector<128x4096xf32>
    %add3A_688 = vector.broadcast %get3A_8 : vector<1x4096xf32> to vector<128x4096xf32>
    %add3A_689 = arith.addf %add3A_687, %add3A_688 : vector<128x4096xf32>
    %mul3A_690 = arith.constant 2.000000e+00 : f32
    %mul3A_691 = vector.broadcast %mul3A_690 : f32 to vector<128x4096xf32>
    %mul3A_692 = arith.mulf %mul3A_691, %dot_general3A_686 : vector<128x4096xf32>
    %sub3A_693 = arith.subf %add3A_689, %mul3A_692 : vector<128x4096xf32>
    %lt3A_694 = arith.constant 2.500000e-01 : f32
    %lt3A_695 = vector.broadcast %lt3A_694 : f32 to vector<128x4096xf32>
    %lt3A_696 = arith.cmpf olt, %sub3A_693, %lt3A_695 : vector<128x4096xf32>
    %convert_element_type3A_697 = arith.extui %lt3A_696 : vector<128x4096xi1> to vector<128x4096xi32>
    %convert_element_type3A_698 = arith.sitofp %convert_element_type3A_697 : vector<128x4096xi32> to vector<128x4096xf32>
    %reduce_sum3A_699 = arith.constant dense<0.000000e+00> : vector<4096xf32>
    %reduce_sum3A_700 = vector.multi_reduction <add>, %convert_element_type3A_698, %reduce_sum3A_699 [0] : vector<128x4096xf32> to vector<4096xf32>
    %broadcast_in_dim3A_701 = vector.shape_cast %reduce_sum3A_700 : vector<4096xf32> to vector<1x4096xf32>
    %add3A_702 = arith.addf %add3A_674, %broadcast_in_dim3A_701 : vector<1x4096xf32>
    %get3A_703 = arith.constant 0 : index
    %get3A_704 = arith.constant 3200 : index
    %get3A_705 = arith.constant 0 : index
    %get3A_706 = vector.load %arg0[%get3A_703, %get3A_704, %get3A_705] : memref<2x4096x3xf32, #tpu.memory_space<vmem>>, vector<1x128x3xf32>
    %get3A_707 = vector.shape_cast %get3A_706 : vector<1x128x3xf32> to vector<128x3xf32>
    %get3A_708 = arith.constant 0 : index
    %get3A_709 = arith.constant 3200 : index
    %get3A_710 = arith.constant 0 : index
    %get3A_711 = vector.load %arg2[%get3A_708, %get3A_709, %get3A_710] : memref<2x4096x1xf32, #tpu.memory_space<vmem>>, vector<1x128x1xf32>
    %get3A_712 = vector.shape_cast %get3A_711 : vector<1x128x1xf32> to vector<128x1xf32>
    %dot_general3A_713 = arith.constant dense<0.000000e+00> : vector<128x4096xf32>
    %dot_general3A_714 = tpu.matmul %get3A_707, %get3A_3, %dot_general3A_713 {dimension_numbers = #tpu.dot_dimension_numbers<[1], [0], [0], [1], [0, 0, 1, 1], [], []>, transpose_lhs_hint = false} : vector<128x3xf32>, vector<3x4096xf32>, vector<128x4096xf32> -> vector<128x4096xf32>
    %add3A_715 = vector.broadcast %get3A_712 : vector<128x1xf32> to vector<128x4096xf32>
    %add3A_716 = vector.broadcast %get3A_8 : vector<1x4096xf32> to vector<128x4096xf32>
    %add3A_717 = arith.addf %add3A_715, %add3A_716 : vector<128x4096xf32>
    %mul3A_718 = arith.constant 2.000000e+00 : f32
    %mul3A_719 = vector.broadcast %mul3A_718 : f32 to vector<128x4096xf32>
    %mul3A_720 = arith.mulf %mul3A_719, %dot_general3A_714 : vector<128x4096xf32>
    %sub3A_721 = arith.subf %add3A_717, %mul3A_720 : vector<128x4096xf32>
    %lt3A_722 = arith.constant 2.500000e-01 : f32
    %lt3A_723 = vector.broadcast %lt3A_722 : f32 to vector<128x4096xf32>
    %lt3A_724 = arith.cmpf olt, %sub3A_721, %lt3A_723 : vector<128x4096xf32>
    %convert_element_type3A_725 = arith.extui %lt3A_724 : vector<128x4096xi1> to vector<128x4096xi32>
    %convert_element_type3A_726 = arith.sitofp %convert_element_type3A_725 : vector<128x4096xi32> to vector<128x4096xf32>
    %reduce_sum3A_727 = arith.constant dense<0.000000e+00> : vector<4096xf32>
    %reduce_sum3A_728 = vector.multi_reduction <add>, %convert_element_type3A_726, %reduce_sum3A_727 [0] : vector<128x4096xf32> to vector<4096xf32>
    %broadcast_in_dim3A_729 = vector.shape_cast %reduce_sum3A_728 : vector<4096xf32> to vector<1x4096xf32>
    %add3A_730 = arith.addf %add3A_702, %broadcast_in_dim3A_729 : vector<1x4096xf32>
    %get3A_731 = arith.constant 0 : index
    %get3A_732 = arith.constant 3328 : index
    %get3A_733 = arith.constant 0 : index
    %get3A_734 = vector.load %arg0[%get3A_731, %get3A_732, %get3A_733] : memref<2x4096x3xf32, #tpu.memory_space<vmem>>, vector<1x128x3xf32>
    %get3A_735 = vector.shape_cast %get3A_734 : vector<1x128x3xf32> to vector<128x3xf32>
    %get3A_736 = arith.constant 0 : index
    %get3A_737 = arith.constant 3328 : index
    %get3A_738 = arith.constant 0 : index
    %get3A_739 = vector.load %arg2[%get3A_736, %get3A_737, %get3A_738] : memref<2x4096x1xf32, #tpu.memory_space<vmem>>, vector<1x128x1xf32>
    %get3A_740 = vector.shape_cast %get3A_739 : vector<1x128x1xf32> to vector<128x1xf32>
    %dot_general3A_741 = arith.constant dense<0.000000e+00> : vector<128x4096xf32>
    %dot_general3A_742 = tpu.matmul %get3A_735, %get3A_3, %dot_general3A_741 {dimension_numbers = #tpu.dot_dimension_numbers<[1], [0], [0], [1], [0, 0, 1, 1], [], []>, transpose_lhs_hint = false} : vector<128x3xf32>, vector<3x4096xf32>, vector<128x4096xf32> -> vector<128x4096xf32>
    %add3A_743 = vector.broadcast %get3A_740 : vector<128x1xf32> to vector<128x4096xf32>
    %add3A_744 = vector.broadcast %get3A_8 : vector<1x4096xf32> to vector<128x4096xf32>
    %add3A_745 = arith.addf %add3A_743, %add3A_744 : vector<128x4096xf32>
    %mul3A_746 = arith.constant 2.000000e+00 : f32
    %mul3A_747 = vector.broadcast %mul3A_746 : f32 to vector<128x4096xf32>
    %mul3A_748 = arith.mulf %mul3A_747, %dot_general3A_742 : vector<128x4096xf32>
    %sub3A_749 = arith.subf %add3A_745, %mul3A_748 : vector<128x4096xf32>
    %lt3A_750 = arith.constant 2.500000e-01 : f32
    %lt3A_751 = vector.broadcast %lt3A_750 : f32 to vector<128x4096xf32>
    %lt3A_752 = arith.cmpf olt, %sub3A_749, %lt3A_751 : vector<128x4096xf32>
    %convert_element_type3A_753 = arith.extui %lt3A_752 : vector<128x4096xi1> to vector<128x4096xi32>
    %convert_element_type3A_754 = arith.sitofp %convert_element_type3A_753 : vector<128x4096xi32> to vector<128x4096xf32>
    %reduce_sum3A_755 = arith.constant dense<0.000000e+00> : vector<4096xf32>
    %reduce_sum3A_756 = vector.multi_reduction <add>, %convert_element_type3A_754, %reduce_sum3A_755 [0] : vector<128x4096xf32> to vector<4096xf32>
    %broadcast_in_dim3A_757 = vector.shape_cast %reduce_sum3A_756 : vector<4096xf32> to vector<1x4096xf32>
    %add3A_758 = arith.addf %add3A_730, %broadcast_in_dim3A_757 : vector<1x4096xf32>
    %get3A_759 = arith.constant 0 : index
    %get3A_760 = arith.constant 3456 : index
    %get3A_761 = arith.constant 0 : index
    %get3A_762 = vector.load %arg0[%get3A_759, %get3A_760, %get3A_761] : memref<2x4096x3xf32, #tpu.memory_space<vmem>>, vector<1x128x3xf32>
    %get3A_763 = vector.shape_cast %get3A_762 : vector<1x128x3xf32> to vector<128x3xf32>
    %get3A_764 = arith.constant 0 : index
    %get3A_765 = arith.constant 3456 : index
    %get3A_766 = arith.constant 0 : index
    %get3A_767 = vector.load %arg2[%get3A_764, %get3A_765, %get3A_766] : memref<2x4096x1xf32, #tpu.memory_space<vmem>>, vector<1x128x1xf32>
    %get3A_768 = vector.shape_cast %get3A_767 : vector<1x128x1xf32> to vector<128x1xf32>
    %dot_general3A_769 = arith.constant dense<0.000000e+00> : vector<128x4096xf32>
    %dot_general3A_770 = tpu.matmul %get3A_763, %get3A_3, %dot_general3A_769 {dimension_numbers = #tpu.dot_dimension_numbers<[1], [0], [0], [1], [0, 0, 1, 1], [], []>, transpose_lhs_hint = false} : vector<128x3xf32>, vector<3x4096xf32>, vector<128x4096xf32> -> vector<128x4096xf32>
    %add3A_771 = vector.broadcast %get3A_768 : vector<128x1xf32> to vector<128x4096xf32>
    %add3A_772 = vector.broadcast %get3A_8 : vector<1x4096xf32> to vector<128x4096xf32>
    %add3A_773 = arith.addf %add3A_771, %add3A_772 : vector<128x4096xf32>
    %mul3A_774 = arith.constant 2.000000e+00 : f32
    %mul3A_775 = vector.broadcast %mul3A_774 : f32 to vector<128x4096xf32>
    %mul3A_776 = arith.mulf %mul3A_775, %dot_general3A_770 : vector<128x4096xf32>
    %sub3A_777 = arith.subf %add3A_773, %mul3A_776 : vector<128x4096xf32>
    %lt3A_778 = arith.constant 2.500000e-01 : f32
    %lt3A_779 = vector.broadcast %lt3A_778 : f32 to vector<128x4096xf32>
    %lt3A_780 = arith.cmpf olt, %sub3A_777, %lt3A_779 : vector<128x4096xf32>
    %convert_element_type3A_781 = arith.extui %lt3A_780 : vector<128x4096xi1> to vector<128x4096xi32>
    %convert_element_type3A_782 = arith.sitofp %convert_element_type3A_781 : vector<128x4096xi32> to vector<128x4096xf32>
    %reduce_sum3A_783 = arith.constant dense<0.000000e+00> : vector<4096xf32>
    %reduce_sum3A_784 = vector.multi_reduction <add>, %convert_element_type3A_782, %reduce_sum3A_783 [0] : vector<128x4096xf32> to vector<4096xf32>
    %broadcast_in_dim3A_785 = vector.shape_cast %reduce_sum3A_784 : vector<4096xf32> to vector<1x4096xf32>
    %add3A_786 = arith.addf %add3A_758, %broadcast_in_dim3A_785 : vector<1x4096xf32>
    %get3A_787 = arith.constant 0 : index
    %get3A_788 = arith.constant 3584 : index
    %get3A_789 = arith.constant 0 : index
    %get3A_790 = vector.load %arg0[%get3A_787, %get3A_788, %get3A_789] : memref<2x4096x3xf32, #tpu.memory_space<vmem>>, vector<1x128x3xf32>
    %get3A_791 = vector.shape_cast %get3A_790 : vector<1x128x3xf32> to vector<128x3xf32>
    %get3A_792 = arith.constant 0 : index
    %get3A_793 = arith.constant 3584 : index
    %get3A_794 = arith.constant 0 : index
    %get3A_795 = vector.load %arg2[%get3A_792, %get3A_793, %get3A_794] : memref<2x4096x1xf32, #tpu.memory_space<vmem>>, vector<1x128x1xf32>
    %get3A_796 = vector.shape_cast %get3A_795 : vector<1x128x1xf32> to vector<128x1xf32>
    %dot_general3A_797 = arith.constant dense<0.000000e+00> : vector<128x4096xf32>
    %dot_general3A_798 = tpu.matmul %get3A_791, %get3A_3, %dot_general3A_797 {dimension_numbers = #tpu.dot_dimension_numbers<[1], [0], [0], [1], [0, 0, 1, 1], [], []>, transpose_lhs_hint = false} : vector<128x3xf32>, vector<3x4096xf32>, vector<128x4096xf32> -> vector<128x4096xf32>
    %add3A_799 = vector.broadcast %get3A_796 : vector<128x1xf32> to vector<128x4096xf32>
    %add3A_800 = vector.broadcast %get3A_8 : vector<1x4096xf32> to vector<128x4096xf32>
    %add3A_801 = arith.addf %add3A_799, %add3A_800 : vector<128x4096xf32>
    %mul3A_802 = arith.constant 2.000000e+00 : f32
    %mul3A_803 = vector.broadcast %mul3A_802 : f32 to vector<128x4096xf32>
    %mul3A_804 = arith.mulf %mul3A_803, %dot_general3A_798 : vector<128x4096xf32>
    %sub3A_805 = arith.subf %add3A_801, %mul3A_804 : vector<128x4096xf32>
    %lt3A_806 = arith.constant 2.500000e-01 : f32
    %lt3A_807 = vector.broadcast %lt3A_806 : f32 to vector<128x4096xf32>
    %lt3A_808 = arith.cmpf olt, %sub3A_805, %lt3A_807 : vector<128x4096xf32>
    %convert_element_type3A_809 = arith.extui %lt3A_808 : vector<128x4096xi1> to vector<128x4096xi32>
    %convert_element_type3A_810 = arith.sitofp %convert_element_type3A_809 : vector<128x4096xi32> to vector<128x4096xf32>
    %reduce_sum3A_811 = arith.constant dense<0.000000e+00> : vector<4096xf32>
    %reduce_sum3A_812 = vector.multi_reduction <add>, %convert_element_type3A_810, %reduce_sum3A_811 [0] : vector<128x4096xf32> to vector<4096xf32>
    %broadcast_in_dim3A_813 = vector.shape_cast %reduce_sum3A_812 : vector<4096xf32> to vector<1x4096xf32>
    %add3A_814 = arith.addf %add3A_786, %broadcast_in_dim3A_813 : vector<1x4096xf32>
    %get3A_815 = arith.constant 0 : index
    %get3A_816 = arith.constant 3712 : index
    %get3A_817 = arith.constant 0 : index
    %get3A_818 = vector.load %arg0[%get3A_815, %get3A_816, %get3A_817] : memref<2x4096x3xf32, #tpu.memory_space<vmem>>, vector<1x128x3xf32>
    %get3A_819 = vector.shape_cast %get3A_818 : vector<1x128x3xf32> to vector<128x3xf32>
    %get3A_820 = arith.constant 0 : index
    %get3A_821 = arith.constant 3712 : index
    %get3A_822 = arith.constant 0 : index
    %get3A_823 = vector.load %arg2[%get3A_820, %get3A_821, %get3A_822] : memref<2x4096x1xf32, #tpu.memory_space<vmem>>, vector<1x128x1xf32>
    %get3A_824 = vector.shape_cast %get3A_823 : vector<1x128x1xf32> to vector<128x1xf32>
    %dot_general3A_825 = arith.constant dense<0.000000e+00> : vector<128x4096xf32>
    %dot_general3A_826 = tpu.matmul %get3A_819, %get3A_3, %dot_general3A_825 {dimension_numbers = #tpu.dot_dimension_numbers<[1], [0], [0], [1], [0, 0, 1, 1], [], []>, transpose_lhs_hint = false} : vector<128x3xf32>, vector<3x4096xf32>, vector<128x4096xf32> -> vector<128x4096xf32>
    %add3A_827 = vector.broadcast %get3A_824 : vector<128x1xf32> to vector<128x4096xf32>
    %add3A_828 = vector.broadcast %get3A_8 : vector<1x4096xf32> to vector<128x4096xf32>
    %add3A_829 = arith.addf %add3A_827, %add3A_828 : vector<128x4096xf32>
    %mul3A_830 = arith.constant 2.000000e+00 : f32
    %mul3A_831 = vector.broadcast %mul3A_830 : f32 to vector<128x4096xf32>
    %mul3A_832 = arith.mulf %mul3A_831, %dot_general3A_826 : vector<128x4096xf32>
    %sub3A_833 = arith.subf %add3A_829, %mul3A_832 : vector<128x4096xf32>
    %lt3A_834 = arith.constant 2.500000e-01 : f32
    %lt3A_835 = vector.broadcast %lt3A_834 : f32 to vector<128x4096xf32>
    %lt3A_836 = arith.cmpf olt, %sub3A_833, %lt3A_835 : vector<128x4096xf32>
    %convert_element_type3A_837 = arith.extui %lt3A_836 : vector<128x4096xi1> to vector<128x4096xi32>
    %convert_element_type3A_838 = arith.sitofp %convert_element_type3A_837 : vector<128x4096xi32> to vector<128x4096xf32>
    %reduce_sum3A_839 = arith.constant dense<0.000000e+00> : vector<4096xf32>
    %reduce_sum3A_840 = vector.multi_reduction <add>, %convert_element_type3A_838, %reduce_sum3A_839 [0] : vector<128x4096xf32> to vector<4096xf32>
    %broadcast_in_dim3A_841 = vector.shape_cast %reduce_sum3A_840 : vector<4096xf32> to vector<1x4096xf32>
    %add3A_842 = arith.addf %add3A_814, %broadcast_in_dim3A_841 : vector<1x4096xf32>
    %get3A_843 = arith.constant 0 : index
    %get3A_844 = arith.constant 3840 : index
    %get3A_845 = arith.constant 0 : index
    %get3A_846 = vector.load %arg0[%get3A_843, %get3A_844, %get3A_845] : memref<2x4096x3xf32, #tpu.memory_space<vmem>>, vector<1x128x3xf32>
    %get3A_847 = vector.shape_cast %get3A_846 : vector<1x128x3xf32> to vector<128x3xf32>
    %get3A_848 = arith.constant 0 : index
    %get3A_849 = arith.constant 3840 : index
    %get3A_850 = arith.constant 0 : index
    %get3A_851 = vector.load %arg2[%get3A_848, %get3A_849, %get3A_850] : memref<2x4096x1xf32, #tpu.memory_space<vmem>>, vector<1x128x1xf32>
    %get3A_852 = vector.shape_cast %get3A_851 : vector<1x128x1xf32> to vector<128x1xf32>
    %dot_general3A_853 = arith.constant dense<0.000000e+00> : vector<128x4096xf32>
    %dot_general3A_854 = tpu.matmul %get3A_847, %get3A_3, %dot_general3A_853 {dimension_numbers = #tpu.dot_dimension_numbers<[1], [0], [0], [1], [0, 0, 1, 1], [], []>, transpose_lhs_hint = false} : vector<128x3xf32>, vector<3x4096xf32>, vector<128x4096xf32> -> vector<128x4096xf32>
    %add3A_855 = vector.broadcast %get3A_852 : vector<128x1xf32> to vector<128x4096xf32>
    %add3A_856 = vector.broadcast %get3A_8 : vector<1x4096xf32> to vector<128x4096xf32>
    %add3A_857 = arith.addf %add3A_855, %add3A_856 : vector<128x4096xf32>
    %mul3A_858 = arith.constant 2.000000e+00 : f32
    %mul3A_859 = vector.broadcast %mul3A_858 : f32 to vector<128x4096xf32>
    %mul3A_860 = arith.mulf %mul3A_859, %dot_general3A_854 : vector<128x4096xf32>
    %sub3A_861 = arith.subf %add3A_857, %mul3A_860 : vector<128x4096xf32>
    %lt3A_862 = arith.constant 2.500000e-01 : f32
    %lt3A_863 = vector.broadcast %lt3A_862 : f32 to vector<128x4096xf32>
    %lt3A_864 = arith.cmpf olt, %sub3A_861, %lt3A_863 : vector<128x4096xf32>
    %convert_element_type3A_865 = arith.extui %lt3A_864 : vector<128x4096xi1> to vector<128x4096xi32>
    %convert_element_type3A_866 = arith.sitofp %convert_element_type3A_865 : vector<128x4096xi32> to vector<128x4096xf32>
    %reduce_sum3A_867 = arith.constant dense<0.000000e+00> : vector<4096xf32>
    %reduce_sum3A_868 = vector.multi_reduction <add>, %convert_element_type3A_866, %reduce_sum3A_867 [0] : vector<128x4096xf32> to vector<4096xf32>
    %broadcast_in_dim3A_869 = vector.shape_cast %reduce_sum3A_868 : vector<4096xf32> to vector<1x4096xf32>
    %add3A_870 = arith.addf %add3A_842, %broadcast_in_dim3A_869 : vector<1x4096xf32>
    %get3A_871 = arith.constant 0 : index
    %get3A_872 = arith.constant 3968 : index
    %get3A_873 = arith.constant 0 : index
    %get3A_874 = vector.load %arg0[%get3A_871, %get3A_872, %get3A_873] : memref<2x4096x3xf32, #tpu.memory_space<vmem>>, vector<1x128x3xf32>
    %get3A_875 = vector.shape_cast %get3A_874 : vector<1x128x3xf32> to vector<128x3xf32>
    %get3A_876 = arith.constant 0 : index
    %get3A_877 = arith.constant 3968 : index
    %get3A_878 = arith.constant 0 : index
    %get3A_879 = vector.load %arg2[%get3A_876, %get3A_877, %get3A_878] : memref<2x4096x1xf32, #tpu.memory_space<vmem>>, vector<1x128x1xf32>
    %get3A_880 = vector.shape_cast %get3A_879 : vector<1x128x1xf32> to vector<128x1xf32>
    %dot_general3A_881 = arith.constant dense<0.000000e+00> : vector<128x4096xf32>
    %dot_general3A_882 = tpu.matmul %get3A_875, %get3A_3, %dot_general3A_881 {dimension_numbers = #tpu.dot_dimension_numbers<[1], [0], [0], [1], [0, 0, 1, 1], [], []>, transpose_lhs_hint = false} : vector<128x3xf32>, vector<3x4096xf32>, vector<128x4096xf32> -> vector<128x4096xf32>
    %add3A_883 = vector.broadcast %get3A_880 : vector<128x1xf32> to vector<128x4096xf32>
    %add3A_884 = vector.broadcast %get3A_8 : vector<1x4096xf32> to vector<128x4096xf32>
    %add3A_885 = arith.addf %add3A_883, %add3A_884 : vector<128x4096xf32>
    %mul3A_886 = arith.constant 2.000000e+00 : f32
    %mul3A_887 = vector.broadcast %mul3A_886 : f32 to vector<128x4096xf32>
    %mul3A_888 = arith.mulf %mul3A_887, %dot_general3A_882 : vector<128x4096xf32>
    %sub3A_889 = arith.subf %add3A_885, %mul3A_888 : vector<128x4096xf32>
    %lt3A_890 = arith.constant 2.500000e-01 : f32
    %lt3A_891 = vector.broadcast %lt3A_890 : f32 to vector<128x4096xf32>
    %lt3A_892 = arith.cmpf olt, %sub3A_889, %lt3A_891 : vector<128x4096xf32>
    %convert_element_type3A_893 = arith.extui %lt3A_892 : vector<128x4096xi1> to vector<128x4096xi32>
    %convert_element_type3A_894 = arith.sitofp %convert_element_type3A_893 : vector<128x4096xi32> to vector<128x4096xf32>
    %reduce_sum3A_895 = arith.constant dense<0.000000e+00> : vector<4096xf32>
    %reduce_sum3A_896 = vector.multi_reduction <add>, %convert_element_type3A_894, %reduce_sum3A_895 [0] : vector<128x4096xf32> to vector<4096xf32>
    %broadcast_in_dim3A_897 = vector.shape_cast %reduce_sum3A_896 : vector<4096xf32> to vector<1x4096xf32>
    %add3A_898 = arith.addf %add3A_870, %broadcast_in_dim3A_897 : vector<1x4096xf32>
    %div3A = arith.constant 1.000000e+00 : f32
    %div3A_899 = vector.broadcast %div3A : f32 to vector<1x4096xf32>
    %div3A_900 = arith.divf %div3A_899, %add3A_898 : vector<1x4096xf32>
    %swap3A = arith.constant 0 : index
    %swap3A_901 = arith.constant 0 : index
    %swap3A_902 = arith.constant 0 : index
    %swap3A_903 = vector.load %arg4[%swap3A, %swap3A_901, %swap3A_902] : memref<2x1x4096xf32, #tpu.memory_space<vmem>>, vector<1x1x4096xf32>
    %swap3A_904 = vector.shape_cast %swap3A_903 : vector<1x1x4096xf32> to vector<1x4096xf32>
    %swap3A_905 = vector.shape_cast %div3A_900 : vector<1x4096xf32> to vector<1x1x4096xf32>
    tpu.vector_store %arg4[%swap3A, %swap3A_901, %swap3A_902], %swap3A_905 {strides = array<i32>} : memref<2x1x4096xf32, #tpu.memory_space<vmem>>, vector<1x1x4096xf32>,
    %get3A_906 = arith.constant 1 : index
    %get3A_907 = arith.constant 0 : index
    %get3A_908 = arith.constant 0 : index
    %get3A_909 = vector.load %arg1[%get3A_906, %get3A_907, %get3A_908] : memref<2x3x4096xf32, #tpu.memory_space<vmem>>, vector<1x3x4096xf32>
    %get3A_910 = vector.shape_cast %get3A_909 : vector<1x3x4096xf32> to vector<3x4096xf32>
    %get3A_911 = arith.constant 1 : index
    %get3A_912 = arith.constant 0 : index
    %get3A_913 = arith.constant 0 : index
    %get3A_914 = vector.load %arg3[%get3A_911, %get3A_912, %get3A_913] : memref<2x1x4096xf32, #tpu.memory_space<vmem>>, vector<1x1x4096xf32>
    %get3A_915 = vector.shape_cast %get3A_914 : vector<1x1x4096xf32> to vector<1x4096xf32>
    %broadcast_in_dim3A_916 = arith.constant 0.000000e+00 : f32
    %broadcast_in_dim3A_917 = vector.broadcast %broadcast_in_dim3A_916 : f32 to vector<1x4096xf32>
    %get3A_918 = arith.constant 1 : index
    %get3A_919 = arith.constant 0 : index
    %get3A_920 = arith.constant 0 : index
    %get3A_921 = vector.load %arg0[%get3A_918, %get3A_919, %get3A_920] : memref<2x4096x3xf32, #tpu.memory_space<vmem>>, vector<1x128x3xf32>
    %get3A_922 = vector.shape_cast %get3A_921 : vector<1x128x3xf32> to vector<128x3xf32>
    %get3A_923 = arith.constant 1 : index
    %get3A_924 = arith.constant 0 : index
    %get3A_925 = arith.constant 0 : index
    %get3A_926 = vector.load %arg2[%get3A_923, %get3A_924, %get3A_925] : memref<2x4096x1xf32, #tpu.memory_space<vmem>>, vector<1x128x1xf32>
    %get3A_927 = vector.shape_cast %get3A_926 : vector<1x128x1xf32> to vector<128x1xf32>
    %dot_general3A_928 = arith.constant dense<0.000000e+00> : vector<128x4096xf32>
    %dot_general3A_929 = tpu.matmul %get3A_922, %get3A_910, %dot_general3A_928 {dimension_numbers = #tpu.dot_dimension_numbers<[1], [0], [0], [1], [0, 0, 1, 1], [], []>, transpose_lhs_hint = false} : vector<128x3xf32>, vector<3x4096xf32>, vector<128x4096xf32> -> vector<128x4096xf32>
    %add3A_930 = vector.broadcast %get3A_927 : vector<128x1xf32> to vector<128x4096xf32>
    %add3A_931 = vector.broadcast %get3A_915 : vector<1x4096xf32> to vector<128x4096xf32>
    %add3A_932 = arith.addf %add3A_930, %add3A_931 : vector<128x4096xf32>
    %mul3A_933 = arith.constant 2.000000e+00 : f32
    %mul3A_934 = vector.broadcast %mul3A_933 : f32 to vector<128x4096xf32>
    %mul3A_935 = arith.mulf %mul3A_934, %dot_general3A_929 : vector<128x4096xf32>
    %sub3A_936 = arith.subf %add3A_932, %mul3A_935 : vector<128x4096xf32>
    %lt3A_937 = arith.constant 2.500000e-01 : f32
    %lt3A_938 = vector.broadcast %lt3A_937 : f32 to vector<128x4096xf32>
    %lt3A_939 = arith.cmpf olt, %sub3A_936, %lt3A_938 : vector<128x4096xf32>
    %convert_element_type3A_940 = arith.extui %lt3A_939 : vector<128x4096xi1> to vector<128x4096xi32>
    %convert_element_type3A_941 = arith.sitofp %convert_element_type3A_940 : vector<128x4096xi32> to vector<128x4096xf32>
    %reduce_sum3A_942 = arith.constant dense<0.000000e+00> : vector<4096xf32>
    %reduce_sum3A_943 = vector.multi_reduction <add>, %convert_element_type3A_941, %reduce_sum3A_942 [0] : vector<128x4096xf32> to vector<4096xf32>
    %broadcast_in_dim3A_944 = vector.shape_cast %reduce_sum3A_943 : vector<4096xf32> to vector<1x4096xf32>
    %add3A_945 = arith.addf %broadcast_in_dim3A_917, %broadcast_in_dim3A_944 : vector<1x4096xf32>
    %get3A_946 = arith.constant 1 : index
    %get3A_947 = arith.constant 128 : index
    %get3A_948 = arith.constant 0 : index
    %get3A_949 = vector.load %arg0[%get3A_946, %get3A_947, %get3A_948] : memref<2x4096x3xf32, #tpu.memory_space<vmem>>, vector<1x128x3xf32>
    %get3A_950 = vector.shape_cast %get3A_949 : vector<1x128x3xf32> to vector<128x3xf32>
    %get3A_951 = arith.constant 1 : index
    %get3A_952 = arith.constant 128 : index
    %get3A_953 = arith.constant 0 : index
    %get3A_954 = vector.load %arg2[%get3A_951, %get3A_952, %get3A_953] : memref<2x4096x1xf32, #tpu.memory_space<vmem>>, vector<1x128x1xf32>
    %get3A_955 = vector.shape_cast %get3A_954 : vector<1x128x1xf32> to vector<128x1xf32>
    %dot_general3A_956 = arith.constant dense<0.000000e+00> : vector<128x4096xf32>
    %dot_general3A_957 = tpu.matmul %get3A_950, %get3A_910, %dot_general3A_956 {dimension_numbers = #tpu.dot_dimension_numbers<[1], [0], [0], [1], [0, 0, 1, 1], [], []>, transpose_lhs_hint = false} : vector<128x3xf32>, vector<3x4096xf32>, vector<128x4096xf32> -> vector<128x4096xf32>
    %add3A_958 = vector.broadcast %get3A_955 : vector<128x1xf32> to vector<128x4096xf32>
    %add3A_959 = vector.broadcast %get3A_915 : vector<1x4096xf32> to vector<128x4096xf32>
    %add3A_960 = arith.addf %add3A_958, %add3A_959 : vector<128x4096xf32>
    %mul3A_961 = arith.constant 2.000000e+00 : f32
    %mul3A_962 = vector.broadcast %mul3A_961 : f32 to vector<128x4096xf32>
    %mul3A_963 = arith.mulf %mul3A_962, %dot_general3A_957 : vector<128x4096xf32>
    %sub3A_964 = arith.subf %add3A_960, %mul3A_963 : vector<128x4096xf32>
    %lt3A_965 = arith.constant 2.500000e-01 : f32
    %lt3A_966 = vector.broadcast %lt3A_965 : f32 to vector<128x4096xf32>
    %lt3A_967 = arith.cmpf olt, %sub3A_964, %lt3A_966 : vector<128x4096xf32>
    %convert_element_type3A_968 = arith.extui %lt3A_967 : vector<128x4096xi1> to vector<128x4096xi32>
    %convert_element_type3A_969 = arith.sitofp %convert_element_type3A_968 : vector<128x4096xi32> to vector<128x4096xf32>
    %reduce_sum3A_970 = arith.constant dense<0.000000e+00> : vector<4096xf32>
    %reduce_sum3A_971 = vector.multi_reduction <add>, %convert_element_type3A_969, %reduce_sum3A_970 [0] : vector<128x4096xf32> to vector<4096xf32>
    %broadcast_in_dim3A_972 = vector.shape_cast %reduce_sum3A_971 : vector<4096xf32> to vector<1x4096xf32>
    %add3A_973 = arith.addf %add3A_945, %broadcast_in_dim3A_972 : vector<1x4096xf32>
    %get3A_974 = arith.constant 1 : index
    %get3A_975 = arith.constant 256 : index
    %get3A_976 = arith.constant 0 : index
    %get3A_977 = vector.load %arg0[%get3A_974, %get3A_975, %get3A_976] : memref<2x4096x3xf32, #tpu.memory_space<vmem>>, vector<1x128x3xf32>
    %get3A_978 = vector.shape_cast %get3A_977 : vector<1x128x3xf32> to vector<128x3xf32>
    %get3A_979 = arith.constant 1 : index
    %get3A_980 = arith.constant 256 : index
    %get3A_981 = arith.constant 0 : index
    %get3A_982 = vector.load %arg2[%get3A_979, %get3A_980, %get3A_981] : memref<2x4096x1xf32, #tpu.memory_space<vmem>>, vector<1x128x1xf32>
    %get3A_983 = vector.shape_cast %get3A_982 : vector<1x128x1xf32> to vector<128x1xf32>
    %dot_general3A_984 = arith.constant dense<0.000000e+00> : vector<128x4096xf32>
    %dot_general3A_985 = tpu.matmul %get3A_978, %get3A_910, %dot_general3A_984 {dimension_numbers = #tpu.dot_dimension_numbers<[1], [0], [0], [1], [0, 0, 1, 1], [], []>, transpose_lhs_hint = false} : vector<128x3xf32>, vector<3x4096xf32>, vector<128x4096xf32> -> vector<128x4096xf32>
    %add3A_986 = vector.broadcast %get3A_983 : vector<128x1xf32> to vector<128x4096xf32>
    %add3A_987 = vector.broadcast %get3A_915 : vector<1x4096xf32> to vector<128x4096xf32>
    %add3A_988 = arith.addf %add3A_986, %add3A_987 : vector<128x4096xf32>
    %mul3A_989 = arith.constant 2.000000e+00 : f32
    %mul3A_990 = vector.broadcast %mul3A_989 : f32 to vector<128x4096xf32>
    %mul3A_991 = arith.mulf %mul3A_990, %dot_general3A_985 : vector<128x4096xf32>
    %sub3A_992 = arith.subf %add3A_988, %mul3A_991 : vector<128x4096xf32>
    %lt3A_993 = arith.constant 2.500000e-01 : f32
    %lt3A_994 = vector.broadcast %lt3A_993 : f32 to vector<128x4096xf32>
    %lt3A_995 = arith.cmpf olt, %sub3A_992, %lt3A_994 : vector<128x4096xf32>
    %convert_element_type3A_996 = arith.extui %lt3A_995 : vector<128x4096xi1> to vector<128x4096xi32>
    %convert_element_type3A_997 = arith.sitofp %convert_element_type3A_996 : vector<128x4096xi32> to vector<128x4096xf32>
    %reduce_sum3A_998 = arith.constant dense<0.000000e+00> : vector<4096xf32>
    %reduce_sum3A_999 = vector.multi_reduction <add>, %convert_element_type3A_997, %reduce_sum3A_998 [0] : vector<128x4096xf32> to vector<4096xf32>
    %broadcast_in_dim3A_1000 = vector.shape_cast %reduce_sum3A_999 : vector<4096xf32> to vector<1x4096xf32>
    %add3A_1001 = arith.addf %add3A_973, %broadcast_in_dim3A_1000 : vector<1x4096xf32>
    %get3A_1002 = arith.constant 1 : index
    %get3A_1003 = arith.constant 384 : index
    %get3A_1004 = arith.constant 0 : index
    %get3A_1005 = vector.load %arg0[%get3A_1002, %get3A_1003, %get3A_1004] : memref<2x4096x3xf32, #tpu.memory_space<vmem>>, vector<1x128x3xf32>
    %get3A_1006 = vector.shape_cast %get3A_1005 : vector<1x128x3xf32> to vector<128x3xf32>
    %get3A_1007 = arith.constant 1 : index
    %get3A_1008 = arith.constant 384 : index
    %get3A_1009 = arith.constant 0 : index
    %get3A_1010 = vector.load %arg2[%get3A_1007, %get3A_1008, %get3A_1009] : memref<2x4096x1xf32, #tpu.memory_space<vmem>>, vector<1x128x1xf32>
    %get3A_1011 = vector.shape_cast %get3A_1010 : vector<1x128x1xf32> to vector<128x1xf32>
    %dot_general3A_1012 = arith.constant dense<0.000000e+00> : vector<128x4096xf32>
    %dot_general3A_1013 = tpu.matmul %get3A_1006, %get3A_910, %dot_general3A_1012 {dimension_numbers = #tpu.dot_dimension_numbers<[1], [0], [0], [1], [0, 0, 1, 1], [], []>, transpose_lhs_hint = false} : vector<128x3xf32>, vector<3x4096xf32>, vector<128x4096xf32> -> vector<128x4096xf32>
    %add3A_1014 = vector.broadcast %get3A_1011 : vector<128x1xf32> to vector<128x4096xf32>
    %add3A_1015 = vector.broadcast %get3A_915 : vector<1x4096xf32> to vector<128x4096xf32>
    %add3A_1016 = arith.addf %add3A_1014, %add3A_1015 : vector<128x4096xf32>
    %mul3A_1017 = arith.constant 2.000000e+00 : f32
    %mul3A_1018 = vector.broadcast %mul3A_1017 : f32 to vector<128x4096xf32>
    %mul3A_1019 = arith.mulf %mul3A_1018, %dot_general3A_1013 : vector<128x4096xf32>
    %sub3A_1020 = arith.subf %add3A_1016, %mul3A_1019 : vector<128x4096xf32>
    %lt3A_1021 = arith.constant 2.500000e-01 : f32
    %lt3A_1022 = vector.broadcast %lt3A_1021 : f32 to vector<128x4096xf32>
    %lt3A_1023 = arith.cmpf olt, %sub3A_1020, %lt3A_1022 : vector<128x4096xf32>
    %convert_element_type3A_1024 = arith.extui %lt3A_1023 : vector<128x4096xi1> to vector<128x4096xi32>
    %convert_element_type3A_1025 = arith.sitofp %convert_element_type3A_1024 : vector<128x4096xi32> to vector<128x4096xf32>
    %reduce_sum3A_1026 = arith.constant dense<0.000000e+00> : vector<4096xf32>
    %reduce_sum3A_1027 = vector.multi_reduction <add>, %convert_element_type3A_1025, %reduce_sum3A_1026 [0] : vector<128x4096xf32> to vector<4096xf32>
    %broadcast_in_dim3A_1028 = vector.shape_cast %reduce_sum3A_1027 : vector<4096xf32> to vector<1x4096xf32>
    %add3A_1029 = arith.addf %add3A_1001, %broadcast_in_dim3A_1028 : vector<1x4096xf32>
    %get3A_1030 = arith.constant 1 : index
    %get3A_1031 = arith.constant 512 : index
    %get3A_1032 = arith.constant 0 : index
    %get3A_1033 = vector.load %arg0[%get3A_1030, %get3A_1031, %get3A_1032] : memref<2x4096x3xf32, #tpu.memory_space<vmem>>, vector<1x128x3xf32>
    %get3A_1034 = vector.shape_cast %get3A_1033 : vector<1x128x3xf32> to vector<128x3xf32>
    %get3A_1035 = arith.constant 1 : index
    %get3A_1036 = arith.constant 512 : index
    %get3A_1037 = arith.constant 0 : index
    %get3A_1038 = vector.load %arg2[%get3A_1035, %get3A_1036, %get3A_1037] : memref<2x4096x1xf32, #tpu.memory_space<vmem>>, vector<1x128x1xf32>
    %get3A_1039 = vector.shape_cast %get3A_1038 : vector<1x128x1xf32> to vector<128x1xf32>
    %dot_general3A_1040 = arith.constant dense<0.000000e+00> : vector<128x4096xf32>
    %dot_general3A_1041 = tpu.matmul %get3A_1034, %get3A_910, %dot_general3A_1040 {dimension_numbers = #tpu.dot_dimension_numbers<[1], [0], [0], [1], [0, 0, 1, 1], [], []>, transpose_lhs_hint = false} : vector<128x3xf32>, vector<3x4096xf32>, vector<128x4096xf32> -> vector<128x4096xf32>
    %add3A_1042 = vector.broadcast %get3A_1039 : vector<128x1xf32> to vector<128x4096xf32>
    %add3A_1043 = vector.broadcast %get3A_915 : vector<1x4096xf32> to vector<128x4096xf32>
    %add3A_1044 = arith.addf %add3A_1042, %add3A_1043 : vector<128x4096xf32>
    %mul3A_1045 = arith.constant 2.000000e+00 : f32
    %mul3A_1046 = vector.broadcast %mul3A_1045 : f32 to vector<128x4096xf32>
    %mul3A_1047 = arith.mulf %mul3A_1046, %dot_general3A_1041 : vector<128x4096xf32>
    %sub3A_1048 = arith.subf %add3A_1044, %mul3A_1047 : vector<128x4096xf32>
    %lt3A_1049 = arith.constant 2.500000e-01 : f32
    %lt3A_1050 = vector.broadcast %lt3A_1049 : f32 to vector<128x4096xf32>
    %lt3A_1051 = arith.cmpf olt, %sub3A_1048, %lt3A_1050 : vector<128x4096xf32>
    %convert_element_type3A_1052 = arith.extui %lt3A_1051 : vector<128x4096xi1> to vector<128x4096xi32>
    %convert_element_type3A_1053 = arith.sitofp %convert_element_type3A_1052 : vector<128x4096xi32> to vector<128x4096xf32>
    %reduce_sum3A_1054 = arith.constant dense<0.000000e+00> : vector<4096xf32>
    %reduce_sum3A_1055 = vector.multi_reduction <add>, %convert_element_type3A_1053, %reduce_sum3A_1054 [0] : vector<128x4096xf32> to vector<4096xf32>
    %broadcast_in_dim3A_1056 = vector.shape_cast %reduce_sum3A_1055 : vector<4096xf32> to vector<1x4096xf32>
    %add3A_1057 = arith.addf %add3A_1029, %broadcast_in_dim3A_1056 : vector<1x4096xf32>
    %get3A_1058 = arith.constant 1 : index
    %get3A_1059 = arith.constant 640 : index
    %get3A_1060 = arith.constant 0 : index
    %get3A_1061 = vector.load %arg0[%get3A_1058, %get3A_1059, %get3A_1060] : memref<2x4096x3xf32, #tpu.memory_space<vmem>>, vector<1x128x3xf32>
    %get3A_1062 = vector.shape_cast %get3A_1061 : vector<1x128x3xf32> to vector<128x3xf32>
    %get3A_1063 = arith.constant 1 : index
    %get3A_1064 = arith.constant 640 : index
    %get3A_1065 = arith.constant 0 : index
    %get3A_1066 = vector.load %arg2[%get3A_1063, %get3A_1064, %get3A_1065] : memref<2x4096x1xf32, #tpu.memory_space<vmem>>, vector<1x128x1xf32>
    %get3A_1067 = vector.shape_cast %get3A_1066 : vector<1x128x1xf32> to vector<128x1xf32>
    %dot_general3A_1068 = arith.constant dense<0.000000e+00> : vector<128x4096xf32>
    %dot_general3A_1069 = tpu.matmul %get3A_1062, %get3A_910, %dot_general3A_1068 {dimension_numbers = #tpu.dot_dimension_numbers<[1], [0], [0], [1], [0, 0, 1, 1], [], []>, transpose_lhs_hint = false} : vector<128x3xf32>, vector<3x4096xf32>, vector<128x4096xf32> -> vector<128x4096xf32>
    %add3A_1070 = vector.broadcast %get3A_1067 : vector<128x1xf32> to vector<128x4096xf32>
    %add3A_1071 = vector.broadcast %get3A_915 : vector<1x4096xf32> to vector<128x4096xf32>
    %add3A_1072 = arith.addf %add3A_1070, %add3A_1071 : vector<128x4096xf32>
    %mul3A_1073 = arith.constant 2.000000e+00 : f32
    %mul3A_1074 = vector.broadcast %mul3A_1073 : f32 to vector<128x4096xf32>
    %mul3A_1075 = arith.mulf %mul3A_1074, %dot_general3A_1069 : vector<128x4096xf32>
    %sub3A_1076 = arith.subf %add3A_1072, %mul3A_1075 : vector<128x4096xf32>
    %lt3A_1077 = arith.constant 2.500000e-01 : f32
    %lt3A_1078 = vector.broadcast %lt3A_1077 : f32 to vector<128x4096xf32>
    %lt3A_1079 = arith.cmpf olt, %sub3A_1076, %lt3A_1078 : vector<128x4096xf32>
    %convert_element_type3A_1080 = arith.extui %lt3A_1079 : vector<128x4096xi1> to vector<128x4096xi32>
    %convert_element_type3A_1081 = arith.sitofp %convert_element_type3A_1080 : vector<128x4096xi32> to vector<128x4096xf32>
    %reduce_sum3A_1082 = arith.constant dense<0.000000e+00> : vector<4096xf32>
    %reduce_sum3A_1083 = vector.multi_reduction <add>, %convert_element_type3A_1081, %reduce_sum3A_1082 [0] : vector<128x4096xf32> to vector<4096xf32>
    %broadcast_in_dim3A_1084 = vector.shape_cast %reduce_sum3A_1083 : vector<4096xf32> to vector<1x4096xf32>
    %add3A_1085 = arith.addf %add3A_1057, %broadcast_in_dim3A_1084 : vector<1x4096xf32>
    %get3A_1086 = arith.constant 1 : index
    %get3A_1087 = arith.constant 768 : index
    %get3A_1088 = arith.constant 0 : index
    %get3A_1089 = vector.load %arg0[%get3A_1086, %get3A_1087, %get3A_1088] : memref<2x4096x3xf32, #tpu.memory_space<vmem>>, vector<1x128x3xf32>
    %get3A_1090 = vector.shape_cast %get3A_1089 : vector<1x128x3xf32> to vector<128x3xf32>
    %get3A_1091 = arith.constant 1 : index
    %get3A_1092 = arith.constant 768 : index
    %get3A_1093 = arith.constant 0 : index
    %get3A_1094 = vector.load %arg2[%get3A_1091, %get3A_1092, %get3A_1093] : memref<2x4096x1xf32, #tpu.memory_space<vmem>>, vector<1x128x1xf32>
    %get3A_1095 = vector.shape_cast %get3A_1094 : vector<1x128x1xf32> to vector<128x1xf32>
    %dot_general3A_1096 = arith.constant dense<0.000000e+00> : vector<128x4096xf32>
    %dot_general3A_1097 = tpu.matmul %get3A_1090, %get3A_910, %dot_general3A_1096 {dimension_numbers = #tpu.dot_dimension_numbers<[1], [0], [0], [1], [0, 0, 1, 1], [], []>, transpose_lhs_hint = false} : vector<128x3xf32>, vector<3x4096xf32>, vector<128x4096xf32> -> vector<128x4096xf32>
    %add3A_1098 = vector.broadcast %get3A_1095 : vector<128x1xf32> to vector<128x4096xf32>
    %add3A_1099 = vector.broadcast %get3A_915 : vector<1x4096xf32> to vector<128x4096xf32>
    %add3A_1100 = arith.addf %add3A_1098, %add3A_1099 : vector<128x4096xf32>
    %mul3A_1101 = arith.constant 2.000000e+00 : f32
    %mul3A_1102 = vector.broadcast %mul3A_1101 : f32 to vector<128x4096xf32>
    %mul3A_1103 = arith.mulf %mul3A_1102, %dot_general3A_1097 : vector<128x4096xf32>
    %sub3A_1104 = arith.subf %add3A_1100, %mul3A_1103 : vector<128x4096xf32>
    %lt3A_1105 = arith.constant 2.500000e-01 : f32
    %lt3A_1106 = vector.broadcast %lt3A_1105 : f32 to vector<128x4096xf32>
    %lt3A_1107 = arith.cmpf olt, %sub3A_1104, %lt3A_1106 : vector<128x4096xf32>
    %convert_element_type3A_1108 = arith.extui %lt3A_1107 : vector<128x4096xi1> to vector<128x4096xi32>
    %convert_element_type3A_1109 = arith.sitofp %convert_element_type3A_1108 : vector<128x4096xi32> to vector<128x4096xf32>
    %reduce_sum3A_1110 = arith.constant dense<0.000000e+00> : vector<4096xf32>
    %reduce_sum3A_1111 = vector.multi_reduction <add>, %convert_element_type3A_1109, %reduce_sum3A_1110 [0] : vector<128x4096xf32> to vector<4096xf32>
    %broadcast_in_dim3A_1112 = vector.shape_cast %reduce_sum3A_1111 : vector<4096xf32> to vector<1x4096xf32>
    %add3A_1113 = arith.addf %add3A_1085, %broadcast_in_dim3A_1112 : vector<1x4096xf32>
    %get3A_1114 = arith.constant 1 : index
    %get3A_1115 = arith.constant 896 : index
    %get3A_1116 = arith.constant 0 : index
    %get3A_1117 = vector.load %arg0[%get3A_1114, %get3A_1115, %get3A_1116] : memref<2x4096x3xf32, #tpu.memory_space<vmem>>, vector<1x128x3xf32>
    %get3A_1118 = vector.shape_cast %get3A_1117 : vector<1x128x3xf32> to vector<128x3xf32>
    %get3A_1119 = arith.constant 1 : index
    %get3A_1120 = arith.constant 896 : index
    %get3A_1121 = arith.constant 0 : index
    %get3A_1122 = vector.load %arg2[%get3A_1119, %get3A_1120, %get3A_1121] : memref<2x4096x1xf32, #tpu.memory_space<vmem>>, vector<1x128x1xf32>
    %get3A_1123 = vector.shape_cast %get3A_1122 : vector<1x128x1xf32> to vector<128x1xf32>
    %dot_general3A_1124 = arith.constant dense<0.000000e+00> : vector<128x4096xf32>
    %dot_general3A_1125 = tpu.matmul %get3A_1118, %get3A_910, %dot_general3A_1124 {dimension_numbers = #tpu.dot_dimension_numbers<[1], [0], [0], [1], [0, 0, 1, 1], [], []>, transpose_lhs_hint = false} : vector<128x3xf32>, vector<3x4096xf32>, vector<128x4096xf32> -> vector<128x4096xf32>
    %add3A_1126 = vector.broadcast %get3A_1123 : vector<128x1xf32> to vector<128x4096xf32>
    %add3A_1127 = vector.broadcast %get3A_915 : vector<1x4096xf32> to vector<128x4096xf32>
    %add3A_1128 = arith.addf %add3A_1126, %add3A_1127 : vector<128x4096xf32>
    %mul3A_1129 = arith.constant 2.000000e+00 : f32
    %mul3A_1130 = vector.broadcast %mul3A_1129 : f32 to vector<128x4096xf32>
    %mul3A_1131 = arith.mulf %mul3A_1130, %dot_general3A_1125 : vector<128x4096xf32>
    %sub3A_1132 = arith.subf %add3A_1128, %mul3A_1131 : vector<128x4096xf32>
    %lt3A_1133 = arith.constant 2.500000e-01 : f32
    %lt3A_1134 = vector.broadcast %lt3A_1133 : f32 to vector<128x4096xf32>
    %lt3A_1135 = arith.cmpf olt, %sub3A_1132, %lt3A_1134 : vector<128x4096xf32>
    %convert_element_type3A_1136 = arith.extui %lt3A_1135 : vector<128x4096xi1> to vector<128x4096xi32>
    %convert_element_type3A_1137 = arith.sitofp %convert_element_type3A_1136 : vector<128x4096xi32> to vector<128x4096xf32>
    %reduce_sum3A_1138 = arith.constant dense<0.000000e+00> : vector<4096xf32>
    %reduce_sum3A_1139 = vector.multi_reduction <add>, %convert_element_type3A_1137, %reduce_sum3A_1138 [0] : vector<128x4096xf32> to vector<4096xf32>
    %broadcast_in_dim3A_1140 = vector.shape_cast %reduce_sum3A_1139 : vector<4096xf32> to vector<1x4096xf32>
    %add3A_1141 = arith.addf %add3A_1113, %broadcast_in_dim3A_1140 : vector<1x4096xf32>
    %get3A_1142 = arith.constant 1 : index
    %get3A_1143 = arith.constant 1024 : index
    %get3A_1144 = arith.constant 0 : index
    %get3A_1145 = vector.load %arg0[%get3A_1142, %get3A_1143, %get3A_1144] : memref<2x4096x3xf32, #tpu.memory_space<vmem>>, vector<1x128x3xf32>
    %get3A_1146 = vector.shape_cast %get3A_1145 : vector<1x128x3xf32> to vector<128x3xf32>
    %get3A_1147 = arith.constant 1 : index
    %get3A_1148 = arith.constant 1024 : index
    %get3A_1149 = arith.constant 0 : index
    %get3A_1150 = vector.load %arg2[%get3A_1147, %get3A_1148, %get3A_1149] : memref<2x4096x1xf32, #tpu.memory_space<vmem>>, vector<1x128x1xf32>
    %get3A_1151 = vector.shape_cast %get3A_1150 : vector<1x128x1xf32> to vector<128x1xf32>
    %dot_general3A_1152 = arith.constant dense<0.000000e+00> : vector<128x4096xf32>
    %dot_general3A_1153 = tpu.matmul %get3A_1146, %get3A_910, %dot_general3A_1152 {dimension_numbers = #tpu.dot_dimension_numbers<[1], [0], [0], [1], [0, 0, 1, 1], [], []>, transpose_lhs_hint = false} : vector<128x3xf32>, vector<3x4096xf32>, vector<128x4096xf32> -> vector<128x4096xf32>
    %add3A_1154 = vector.broadcast %get3A_1151 : vector<128x1xf32> to vector<128x4096xf32>
    %add3A_1155 = vector.broadcast %get3A_915 : vector<1x4096xf32> to vector<128x4096xf32>
    %add3A_1156 = arith.addf %add3A_1154, %add3A_1155 : vector<128x4096xf32>
    %mul3A_1157 = arith.constant 2.000000e+00 : f32
    %mul3A_1158 = vector.broadcast %mul3A_1157 : f32 to vector<128x4096xf32>
    %mul3A_1159 = arith.mulf %mul3A_1158, %dot_general3A_1153 : vector<128x4096xf32>
    %sub3A_1160 = arith.subf %add3A_1156, %mul3A_1159 : vector<128x4096xf32>
    %lt3A_1161 = arith.constant 2.500000e-01 : f32
    %lt3A_1162 = vector.broadcast %lt3A_1161 : f32 to vector<128x4096xf32>
    %lt3A_1163 = arith.cmpf olt, %sub3A_1160, %lt3A_1162 : vector<128x4096xf32>
    %convert_element_type3A_1164 = arith.extui %lt3A_1163 : vector<128x4096xi1> to vector<128x4096xi32>
    %convert_element_type3A_1165 = arith.sitofp %convert_element_type3A_1164 : vector<128x4096xi32> to vector<128x4096xf32>
    %reduce_sum3A_1166 = arith.constant dense<0.000000e+00> : vector<4096xf32>
    %reduce_sum3A_1167 = vector.multi_reduction <add>, %convert_element_type3A_1165, %reduce_sum3A_1166 [0] : vector<128x4096xf32> to vector<4096xf32>
    %broadcast_in_dim3A_1168 = vector.shape_cast %reduce_sum3A_1167 : vector<4096xf32> to vector<1x4096xf32>
    %add3A_1169 = arith.addf %add3A_1141, %broadcast_in_dim3A_1168 : vector<1x4096xf32>
    %get3A_1170 = arith.constant 1 : index
    %get3A_1171 = arith.constant 1152 : index
    %get3A_1172 = arith.constant 0 : index
    %get3A_1173 = vector.load %arg0[%get3A_1170, %get3A_1171, %get3A_1172] : memref<2x4096x3xf32, #tpu.memory_space<vmem>>, vector<1x128x3xf32>
    %get3A_1174 = vector.shape_cast %get3A_1173 : vector<1x128x3xf32> to vector<128x3xf32>
    %get3A_1175 = arith.constant 1 : index
    %get3A_1176 = arith.constant 1152 : index
    %get3A_1177 = arith.constant 0 : index
    %get3A_1178 = vector.load %arg2[%get3A_1175, %get3A_1176, %get3A_1177] : memref<2x4096x1xf32, #tpu.memory_space<vmem>>, vector<1x128x1xf32>
    %get3A_1179 = vector.shape_cast %get3A_1178 : vector<1x128x1xf32> to vector<128x1xf32>
    %dot_general3A_1180 = arith.constant dense<0.000000e+00> : vector<128x4096xf32>
    %dot_general3A_1181 = tpu.matmul %get3A_1174, %get3A_910, %dot_general3A_1180 {dimension_numbers = #tpu.dot_dimension_numbers<[1], [0], [0], [1], [0, 0, 1, 1], [], []>, transpose_lhs_hint = false} : vector<128x3xf32>, vector<3x4096xf32>, vector<128x4096xf32> -> vector<128x4096xf32>
    %add3A_1182 = vector.broadcast %get3A_1179 : vector<128x1xf32> to vector<128x4096xf32>
    %add3A_1183 = vector.broadcast %get3A_915 : vector<1x4096xf32> to vector<128x4096xf32>
    %add3A_1184 = arith.addf %add3A_1182, %add3A_1183 : vector<128x4096xf32>
    %mul3A_1185 = arith.constant 2.000000e+00 : f32
    %mul3A_1186 = vector.broadcast %mul3A_1185 : f32 to vector<128x4096xf32>
    %mul3A_1187 = arith.mulf %mul3A_1186, %dot_general3A_1181 : vector<128x4096xf32>
    %sub3A_1188 = arith.subf %add3A_1184, %mul3A_1187 : vector<128x4096xf32>
    %lt3A_1189 = arith.constant 2.500000e-01 : f32
    %lt3A_1190 = vector.broadcast %lt3A_1189 : f32 to vector<128x4096xf32>
    %lt3A_1191 = arith.cmpf olt, %sub3A_1188, %lt3A_1190 : vector<128x4096xf32>
    %convert_element_type3A_1192 = arith.extui %lt3A_1191 : vector<128x4096xi1> to vector<128x4096xi32>
    %convert_element_type3A_1193 = arith.sitofp %convert_element_type3A_1192 : vector<128x4096xi32> to vector<128x4096xf32>
    %reduce_sum3A_1194 = arith.constant dense<0.000000e+00> : vector<4096xf32>
    %reduce_sum3A_1195 = vector.multi_reduction <add>, %convert_element_type3A_1193, %reduce_sum3A_1194 [0] : vector<128x4096xf32> to vector<4096xf32>
    %broadcast_in_dim3A_1196 = vector.shape_cast %reduce_sum3A_1195 : vector<4096xf32> to vector<1x4096xf32>
    %add3A_1197 = arith.addf %add3A_1169, %broadcast_in_dim3A_1196 : vector<1x4096xf32>
    %get3A_1198 = arith.constant 1 : index
    %get3A_1199 = arith.constant 1280 : index
    %get3A_1200 = arith.constant 0 : index
    %get3A_1201 = vector.load %arg0[%get3A_1198, %get3A_1199, %get3A_1200] : memref<2x4096x3xf32, #tpu.memory_space<vmem>>, vector<1x128x3xf32>
    %get3A_1202 = vector.shape_cast %get3A_1201 : vector<1x128x3xf32> to vector<128x3xf32>
    %get3A_1203 = arith.constant 1 : index
    %get3A_1204 = arith.constant 1280 : index
    %get3A_1205 = arith.constant 0 : index
    %get3A_1206 = vector.load %arg2[%get3A_1203, %get3A_1204, %get3A_1205] : memref<2x4096x1xf32, #tpu.memory_space<vmem>>, vector<1x128x1xf32>
    %get3A_1207 = vector.shape_cast %get3A_1206 : vector<1x128x1xf32> to vector<128x1xf32>
    %dot_general3A_1208 = arith.constant dense<0.000000e+00> : vector<128x4096xf32>
    %dot_general3A_1209 = tpu.matmul %get3A_1202, %get3A_910, %dot_general3A_1208 {dimension_numbers = #tpu.dot_dimension_numbers<[1], [0], [0], [1], [0, 0, 1, 1], [], []>, transpose_lhs_hint = false} : vector<128x3xf32>, vector<3x4096xf32>, vector<128x4096xf32> -> vector<128x4096xf32>
    %add3A_1210 = vector.broadcast %get3A_1207 : vector<128x1xf32> to vector<128x4096xf32>
    %add3A_1211 = vector.broadcast %get3A_915 : vector<1x4096xf32> to vector<128x4096xf32>
    %add3A_1212 = arith.addf %add3A_1210, %add3A_1211 : vector<128x4096xf32>
    %mul3A_1213 = arith.constant 2.000000e+00 : f32
    %mul3A_1214 = vector.broadcast %mul3A_1213 : f32 to vector<128x4096xf32>
    %mul3A_1215 = arith.mulf %mul3A_1214, %dot_general3A_1209 : vector<128x4096xf32>
    %sub3A_1216 = arith.subf %add3A_1212, %mul3A_1215 : vector<128x4096xf32>
    %lt3A_1217 = arith.constant 2.500000e-01 : f32
    %lt3A_1218 = vector.broadcast %lt3A_1217 : f32 to vector<128x4096xf32>
    %lt3A_1219 = arith.cmpf olt, %sub3A_1216, %lt3A_1218 : vector<128x4096xf32>
    %convert_element_type3A_1220 = arith.extui %lt3A_1219 : vector<128x4096xi1> to vector<128x4096xi32>
    %convert_element_type3A_1221 = arith.sitofp %convert_element_type3A_1220 : vector<128x4096xi32> to vector<128x4096xf32>
    %reduce_sum3A_1222 = arith.constant dense<0.000000e+00> : vector<4096xf32>
    %reduce_sum3A_1223 = vector.multi_reduction <add>, %convert_element_type3A_1221, %reduce_sum3A_1222 [0] : vector<128x4096xf32> to vector<4096xf32>
    %broadcast_in_dim3A_1224 = vector.shape_cast %reduce_sum3A_1223 : vector<4096xf32> to vector<1x4096xf32>
    %add3A_1225 = arith.addf %add3A_1197, %broadcast_in_dim3A_1224 : vector<1x4096xf32>
    %get3A_1226 = arith.constant 1 : index
    %get3A_1227 = arith.constant 1408 : index
    %get3A_1228 = arith.constant 0 : index
    %get3A_1229 = vector.load %arg0[%get3A_1226, %get3A_1227, %get3A_1228] : memref<2x4096x3xf32, #tpu.memory_space<vmem>>, vector<1x128x3xf32>
    %get3A_1230 = vector.shape_cast %get3A_1229 : vector<1x128x3xf32> to vector<128x3xf32>
    %get3A_1231 = arith.constant 1 : index
    %get3A_1232 = arith.constant 1408 : index
    %get3A_1233 = arith.constant 0 : index
    %get3A_1234 = vector.load %arg2[%get3A_1231, %get3A_1232, %get3A_1233] : memref<2x4096x1xf32, #tpu.memory_space<vmem>>, vector<1x128x1xf32>
    %get3A_1235 = vector.shape_cast %get3A_1234 : vector<1x128x1xf32> to vector<128x1xf32>
    %dot_general3A_1236 = arith.constant dense<0.000000e+00> : vector<128x4096xf32>
    %dot_general3A_1237 = tpu.matmul %get3A_1230, %get3A_910, %dot_general3A_1236 {dimension_numbers = #tpu.dot_dimension_numbers<[1], [0], [0], [1], [0, 0, 1, 1], [], []>, transpose_lhs_hint = false} : vector<128x3xf32>, vector<3x4096xf32>, vector<128x4096xf32> -> vector<128x4096xf32>
    %add3A_1238 = vector.broadcast %get3A_1235 : vector<128x1xf32> to vector<128x4096xf32>
    %add3A_1239 = vector.broadcast %get3A_915 : vector<1x4096xf32> to vector<128x4096xf32>
    %add3A_1240 = arith.addf %add3A_1238, %add3A_1239 : vector<128x4096xf32>
    %mul3A_1241 = arith.constant 2.000000e+00 : f32
    %mul3A_1242 = vector.broadcast %mul3A_1241 : f32 to vector<128x4096xf32>
    %mul3A_1243 = arith.mulf %mul3A_1242, %dot_general3A_1237 : vector<128x4096xf32>
    %sub3A_1244 = arith.subf %add3A_1240, %mul3A_1243 : vector<128x4096xf32>
    %lt3A_1245 = arith.constant 2.500000e-01 : f32
    %lt3A_1246 = vector.broadcast %lt3A_1245 : f32 to vector<128x4096xf32>
    %lt3A_1247 = arith.cmpf olt, %sub3A_1244, %lt3A_1246 : vector<128x4096xf32>
    %convert_element_type3A_1248 = arith.extui %lt3A_1247 : vector<128x4096xi1> to vector<128x4096xi32>
    %convert_element_type3A_1249 = arith.sitofp %convert_element_type3A_1248 : vector<128x4096xi32> to vector<128x4096xf32>
    %reduce_sum3A_1250 = arith.constant dense<0.000000e+00> : vector<4096xf32>
    %reduce_sum3A_1251 = vector.multi_reduction <add>, %convert_element_type3A_1249, %reduce_sum3A_1250 [0] : vector<128x4096xf32> to vector<4096xf32>
    %broadcast_in_dim3A_1252 = vector.shape_cast %reduce_sum3A_1251 : vector<4096xf32> to vector<1x4096xf32>
    %add3A_1253 = arith.addf %add3A_1225, %broadcast_in_dim3A_1252 : vector<1x4096xf32>
    %get3A_1254 = arith.constant 1 : index
    %get3A_1255 = arith.constant 1536 : index
    %get3A_1256 = arith.constant 0 : index
    %get3A_1257 = vector.load %arg0[%get3A_1254, %get3A_1255, %get3A_1256] : memref<2x4096x3xf32, #tpu.memory_space<vmem>>, vector<1x128x3xf32>
    %get3A_1258 = vector.shape_cast %get3A_1257 : vector<1x128x3xf32> to vector<128x3xf32>
    %get3A_1259 = arith.constant 1 : index
    %get3A_1260 = arith.constant 1536 : index
    %get3A_1261 = arith.constant 0 : index
    %get3A_1262 = vector.load %arg2[%get3A_1259, %get3A_1260, %get3A_1261] : memref<2x4096x1xf32, #tpu.memory_space<vmem>>, vector<1x128x1xf32>
    %get3A_1263 = vector.shape_cast %get3A_1262 : vector<1x128x1xf32> to vector<128x1xf32>
    %dot_general3A_1264 = arith.constant dense<0.000000e+00> : vector<128x4096xf32>
    %dot_general3A_1265 = tpu.matmul %get3A_1258, %get3A_910, %dot_general3A_1264 {dimension_numbers = #tpu.dot_dimension_numbers<[1], [0], [0], [1], [0, 0, 1, 1], [], []>, transpose_lhs_hint = false} : vector<128x3xf32>, vector<3x4096xf32>, vector<128x4096xf32> -> vector<128x4096xf32>
    %add3A_1266 = vector.broadcast %get3A_1263 : vector<128x1xf32> to vector<128x4096xf32>
    %add3A_1267 = vector.broadcast %get3A_915 : vector<1x4096xf32> to vector<128x4096xf32>
    %add3A_1268 = arith.addf %add3A_1266, %add3A_1267 : vector<128x4096xf32>
    %mul3A_1269 = arith.constant 2.000000e+00 : f32
    %mul3A_1270 = vector.broadcast %mul3A_1269 : f32 to vector<128x4096xf32>
    %mul3A_1271 = arith.mulf %mul3A_1270, %dot_general3A_1265 : vector<128x4096xf32>
    %sub3A_1272 = arith.subf %add3A_1268, %mul3A_1271 : vector<128x4096xf32>
    %lt3A_1273 = arith.constant 2.500000e-01 : f32
    %lt3A_1274 = vector.broadcast %lt3A_1273 : f32 to vector<128x4096xf32>
    %lt3A_1275 = arith.cmpf olt, %sub3A_1272, %lt3A_1274 : vector<128x4096xf32>
    %convert_element_type3A_1276 = arith.extui %lt3A_1275 : vector<128x4096xi1> to vector<128x4096xi32>
    %convert_element_type3A_1277 = arith.sitofp %convert_element_type3A_1276 : vector<128x4096xi32> to vector<128x4096xf32>
    %reduce_sum3A_1278 = arith.constant dense<0.000000e+00> : vector<4096xf32>
    %reduce_sum3A_1279 = vector.multi_reduction <add>, %convert_element_type3A_1277, %reduce_sum3A_1278 [0] : vector<128x4096xf32> to vector<4096xf32>
    %broadcast_in_dim3A_1280 = vector.shape_cast %reduce_sum3A_1279 : vector<4096xf32> to vector<1x4096xf32>
    %add3A_1281 = arith.addf %add3A_1253, %broadcast_in_dim3A_1280 : vector<1x4096xf32>
    %get3A_1282 = arith.constant 1 : index
    %get3A_1283 = arith.constant 1664 : index
    %get3A_1284 = arith.constant 0 : index
    %get3A_1285 = vector.load %arg0[%get3A_1282, %get3A_1283, %get3A_1284] : memref<2x4096x3xf32, #tpu.memory_space<vmem>>, vector<1x128x3xf32>
    %get3A_1286 = vector.shape_cast %get3A_1285 : vector<1x128x3xf32> to vector<128x3xf32>
    %get3A_1287 = arith.constant 1 : index
    %get3A_1288 = arith.constant 1664 : index
    %get3A_1289 = arith.constant 0 : index
    %get3A_1290 = vector.load %arg2[%get3A_1287, %get3A_1288, %get3A_1289] : memref<2x4096x1xf32, #tpu.memory_space<vmem>>, vector<1x128x1xf32>
    %get3A_1291 = vector.shape_cast %get3A_1290 : vector<1x128x1xf32> to vector<128x1xf32>
    %dot_general3A_1292 = arith.constant dense<0.000000e+00> : vector<128x4096xf32>
    %dot_general3A_1293 = tpu.matmul %get3A_1286, %get3A_910, %dot_general3A_1292 {dimension_numbers = #tpu.dot_dimension_numbers<[1], [0], [0], [1], [0, 0, 1, 1], [], []>, transpose_lhs_hint = false} : vector<128x3xf32>, vector<3x4096xf32>, vector<128x4096xf32> -> vector<128x4096xf32>
    %add3A_1294 = vector.broadcast %get3A_1291 : vector<128x1xf32> to vector<128x4096xf32>
    %add3A_1295 = vector.broadcast %get3A_915 : vector<1x4096xf32> to vector<128x4096xf32>
    %add3A_1296 = arith.addf %add3A_1294, %add3A_1295 : vector<128x4096xf32>
    %mul3A_1297 = arith.constant 2.000000e+00 : f32
    %mul3A_1298 = vector.broadcast %mul3A_1297 : f32 to vector<128x4096xf32>
    %mul3A_1299 = arith.mulf %mul3A_1298, %dot_general3A_1293 : vector<128x4096xf32>
    %sub3A_1300 = arith.subf %add3A_1296, %mul3A_1299 : vector<128x4096xf32>
    %lt3A_1301 = arith.constant 2.500000e-01 : f32
    %lt3A_1302 = vector.broadcast %lt3A_1301 : f32 to vector<128x4096xf32>
    %lt3A_1303 = arith.cmpf olt, %sub3A_1300, %lt3A_1302 : vector<128x4096xf32>
    %convert_element_type3A_1304 = arith.extui %lt3A_1303 : vector<128x4096xi1> to vector<128x4096xi32>
    %convert_element_type3A_1305 = arith.sitofp %convert_element_type3A_1304 : vector<128x4096xi32> to vector<128x4096xf32>
    %reduce_sum3A_1306 = arith.constant dense<0.000000e+00> : vector<4096xf32>
    %reduce_sum3A_1307 = vector.multi_reduction <add>, %convert_element_type3A_1305, %reduce_sum3A_1306 [0] : vector<128x4096xf32> to vector<4096xf32>
    %broadcast_in_dim3A_1308 = vector.shape_cast %reduce_sum3A_1307 : vector<4096xf32> to vector<1x4096xf32>
    %add3A_1309 = arith.addf %add3A_1281, %broadcast_in_dim3A_1308 : vector<1x4096xf32>
    %get3A_1310 = arith.constant 1 : index
    %get3A_1311 = arith.constant 1792 : index
    %get3A_1312 = arith.constant 0 : index
    %get3A_1313 = vector.load %arg0[%get3A_1310, %get3A_1311, %get3A_1312] : memref<2x4096x3xf32, #tpu.memory_space<vmem>>, vector<1x128x3xf32>
    %get3A_1314 = vector.shape_cast %get3A_1313 : vector<1x128x3xf32> to vector<128x3xf32>
    %get3A_1315 = arith.constant 1 : index
    %get3A_1316 = arith.constant 1792 : index
    %get3A_1317 = arith.constant 0 : index
    %get3A_1318 = vector.load %arg2[%get3A_1315, %get3A_1316, %get3A_1317] : memref<2x4096x1xf32, #tpu.memory_space<vmem>>, vector<1x128x1xf32>
    %get3A_1319 = vector.shape_cast %get3A_1318 : vector<1x128x1xf32> to vector<128x1xf32>
    %dot_general3A_1320 = arith.constant dense<0.000000e+00> : vector<128x4096xf32>
    %dot_general3A_1321 = tpu.matmul %get3A_1314, %get3A_910, %dot_general3A_1320 {dimension_numbers = #tpu.dot_dimension_numbers<[1], [0], [0], [1], [0, 0, 1, 1], [], []>, transpose_lhs_hint = false} : vector<128x3xf32>, vector<3x4096xf32>, vector<128x4096xf32> -> vector<128x4096xf32>
    %add3A_1322 = vector.broadcast %get3A_1319 : vector<128x1xf32> to vector<128x4096xf32>
    %add3A_1323 = vector.broadcast %get3A_915 : vector<1x4096xf32> to vector<128x4096xf32>
    %add3A_1324 = arith.addf %add3A_1322, %add3A_1323 : vector<128x4096xf32>
    %mul3A_1325 = arith.constant 2.000000e+00 : f32
    %mul3A_1326 = vector.broadcast %mul3A_1325 : f32 to vector<128x4096xf32>
    %mul3A_1327 = arith.mulf %mul3A_1326, %dot_general3A_1321 : vector<128x4096xf32>
    %sub3A_1328 = arith.subf %add3A_1324, %mul3A_1327 : vector<128x4096xf32>
    %lt3A_1329 = arith.constant 2.500000e-01 : f32
    %lt3A_1330 = vector.broadcast %lt3A_1329 : f32 to vector<128x4096xf32>
    %lt3A_1331 = arith.cmpf olt, %sub3A_1328, %lt3A_1330 : vector<128x4096xf32>
    %convert_element_type3A_1332 = arith.extui %lt3A_1331 : vector<128x4096xi1> to vector<128x4096xi32>
    %convert_element_type3A_1333 = arith.sitofp %convert_element_type3A_1332 : vector<128x4096xi32> to vector<128x4096xf32>
    %reduce_sum3A_1334 = arith.constant dense<0.000000e+00> : vector<4096xf32>
    %reduce_sum3A_1335 = vector.multi_reduction <add>, %convert_element_type3A_1333, %reduce_sum3A_1334 [0] : vector<128x4096xf32> to vector<4096xf32>
    %broadcast_in_dim3A_1336 = vector.shape_cast %reduce_sum3A_1335 : vector<4096xf32> to vector<1x4096xf32>
    %add3A_1337 = arith.addf %add3A_1309, %broadcast_in_dim3A_1336 : vector<1x4096xf32>
    %get3A_1338 = arith.constant 1 : index
    %get3A_1339 = arith.constant 1920 : index
    %get3A_1340 = arith.constant 0 : index
    %get3A_1341 = vector.load %arg0[%get3A_1338, %get3A_1339, %get3A_1340] : memref<2x4096x3xf32, #tpu.memory_space<vmem>>, vector<1x128x3xf32>
    %get3A_1342 = vector.shape_cast %get3A_1341 : vector<1x128x3xf32> to vector<128x3xf32>
    %get3A_1343 = arith.constant 1 : index
    %get3A_1344 = arith.constant 1920 : index
    %get3A_1345 = arith.constant 0 : index
    %get3A_1346 = vector.load %arg2[%get3A_1343, %get3A_1344, %get3A_1345] : memref<2x4096x1xf32, #tpu.memory_space<vmem>>, vector<1x128x1xf32>
    %get3A_1347 = vector.shape_cast %get3A_1346 : vector<1x128x1xf32> to vector<128x1xf32>
    %dot_general3A_1348 = arith.constant dense<0.000000e+00> : vector<128x4096xf32>
    %dot_general3A_1349 = tpu.matmul %get3A_1342, %get3A_910, %dot_general3A_1348 {dimension_numbers = #tpu.dot_dimension_numbers<[1], [0], [0], [1], [0, 0, 1, 1], [], []>, transpose_lhs_hint = false} : vector<128x3xf32>, vector<3x4096xf32>, vector<128x4096xf32> -> vector<128x4096xf32>
    %add3A_1350 = vector.broadcast %get3A_1347 : vector<128x1xf32> to vector<128x4096xf32>
    %add3A_1351 = vector.broadcast %get3A_915 : vector<1x4096xf32> to vector<128x4096xf32>
    %add3A_1352 = arith.addf %add3A_1350, %add3A_1351 : vector<128x4096xf32>
    %mul3A_1353 = arith.constant 2.000000e+00 : f32
    %mul3A_1354 = vector.broadcast %mul3A_1353 : f32 to vector<128x4096xf32>
    %mul3A_1355 = arith.mulf %mul3A_1354, %dot_general3A_1349 : vector<128x4096xf32>
    %sub3A_1356 = arith.subf %add3A_1352, %mul3A_1355 : vector<128x4096xf32>
    %lt3A_1357 = arith.constant 2.500000e-01 : f32
    %lt3A_1358 = vector.broadcast %lt3A_1357 : f32 to vector<128x4096xf32>
    %lt3A_1359 = arith.cmpf olt, %sub3A_1356, %lt3A_1358 : vector<128x4096xf32>
    %convert_element_type3A_1360 = arith.extui %lt3A_1359 : vector<128x4096xi1> to vector<128x4096xi32>
    %convert_element_type3A_1361 = arith.sitofp %convert_element_type3A_1360 : vector<128x4096xi32> to vector<128x4096xf32>
    %reduce_sum3A_1362 = arith.constant dense<0.000000e+00> : vector<4096xf32>
    %reduce_sum3A_1363 = vector.multi_reduction <add>, %convert_element_type3A_1361, %reduce_sum3A_1362 [0] : vector<128x4096xf32> to vector<4096xf32>
    %broadcast_in_dim3A_1364 = vector.shape_cast %reduce_sum3A_1363 : vector<4096xf32> to vector<1x4096xf32>
    %add3A_1365 = arith.addf %add3A_1337, %broadcast_in_dim3A_1364 : vector<1x4096xf32>
    %get3A_1366 = arith.constant 1 : index
    %get3A_1367 = arith.constant 2048 : index
    %get3A_1368 = arith.constant 0 : index
    %get3A_1369 = vector.load %arg0[%get3A_1366, %get3A_1367, %get3A_1368] : memref<2x4096x3xf32, #tpu.memory_space<vmem>>, vector<1x128x3xf32>
    %get3A_1370 = vector.shape_cast %get3A_1369 : vector<1x128x3xf32> to vector<128x3xf32>
    %get3A_1371 = arith.constant 1 : index
    %get3A_1372 = arith.constant 2048 : index
    %get3A_1373 = arith.constant 0 : index
    %get3A_1374 = vector.load %arg2[%get3A_1371, %get3A_1372, %get3A_1373] : memref<2x4096x1xf32, #tpu.memory_space<vmem>>, vector<1x128x1xf32>
    %get3A_1375 = vector.shape_cast %get3A_1374 : vector<1x128x1xf32> to vector<128x1xf32>
    %dot_general3A_1376 = arith.constant dense<0.000000e+00> : vector<128x4096xf32>
    %dot_general3A_1377 = tpu.matmul %get3A_1370, %get3A_910, %dot_general3A_1376 {dimension_numbers = #tpu.dot_dimension_numbers<[1], [0], [0], [1], [0, 0, 1, 1], [], []>, transpose_lhs_hint = false} : vector<128x3xf32>, vector<3x4096xf32>, vector<128x4096xf32> -> vector<128x4096xf32>
    %add3A_1378 = vector.broadcast %get3A_1375 : vector<128x1xf32> to vector<128x4096xf32>
    %add3A_1379 = vector.broadcast %get3A_915 : vector<1x4096xf32> to vector<128x4096xf32>
    %add3A_1380 = arith.addf %add3A_1378, %add3A_1379 : vector<128x4096xf32>
    %mul3A_1381 = arith.constant 2.000000e+00 : f32
    %mul3A_1382 = vector.broadcast %mul3A_1381 : f32 to vector<128x4096xf32>
    %mul3A_1383 = arith.mulf %mul3A_1382, %dot_general3A_1377 : vector<128x4096xf32>
    %sub3A_1384 = arith.subf %add3A_1380, %mul3A_1383 : vector<128x4096xf32>
    %lt3A_1385 = arith.constant 2.500000e-01 : f32
    %lt3A_1386 = vector.broadcast %lt3A_1385 : f32 to vector<128x4096xf32>
    %lt3A_1387 = arith.cmpf olt, %sub3A_1384, %lt3A_1386 : vector<128x4096xf32>
    %convert_element_type3A_1388 = arith.extui %lt3A_1387 : vector<128x4096xi1> to vector<128x4096xi32>
    %convert_element_type3A_1389 = arith.sitofp %convert_element_type3A_1388 : vector<128x4096xi32> to vector<128x4096xf32>
    %reduce_sum3A_1390 = arith.constant dense<0.000000e+00> : vector<4096xf32>
    %reduce_sum3A_1391 = vector.multi_reduction <add>, %convert_element_type3A_1389, %reduce_sum3A_1390 [0] : vector<128x4096xf32> to vector<4096xf32>
    %broadcast_in_dim3A_1392 = vector.shape_cast %reduce_sum3A_1391 : vector<4096xf32> to vector<1x4096xf32>
    %add3A_1393 = arith.addf %add3A_1365, %broadcast_in_dim3A_1392 : vector<1x4096xf32>
    %get3A_1394 = arith.constant 1 : index
    %get3A_1395 = arith.constant 2176 : index
    %get3A_1396 = arith.constant 0 : index
    %get3A_1397 = vector.load %arg0[%get3A_1394, %get3A_1395, %get3A_1396] : memref<2x4096x3xf32, #tpu.memory_space<vmem>>, vector<1x128x3xf32>
    %get3A_1398 = vector.shape_cast %get3A_1397 : vector<1x128x3xf32> to vector<128x3xf32>
    %get3A_1399 = arith.constant 1 : index
    %get3A_1400 = arith.constant 2176 : index
    %get3A_1401 = arith.constant 0 : index
    %get3A_1402 = vector.load %arg2[%get3A_1399, %get3A_1400, %get3A_1401] : memref<2x4096x1xf32, #tpu.memory_space<vmem>>, vector<1x128x1xf32>
    %get3A_1403 = vector.shape_cast %get3A_1402 : vector<1x128x1xf32> to vector<128x1xf32>
    %dot_general3A_1404 = arith.constant dense<0.000000e+00> : vector<128x4096xf32>
    %dot_general3A_1405 = tpu.matmul %get3A_1398, %get3A_910, %dot_general3A_1404 {dimension_numbers = #tpu.dot_dimension_numbers<[1], [0], [0], [1], [0, 0, 1, 1], [], []>, transpose_lhs_hint = false} : vector<128x3xf32>, vector<3x4096xf32>, vector<128x4096xf32> -> vector<128x4096xf32>
    %add3A_1406 = vector.broadcast %get3A_1403 : vector<128x1xf32> to vector<128x4096xf32>
    %add3A_1407 = vector.broadcast %get3A_915 : vector<1x4096xf32> to vector<128x4096xf32>
    %add3A_1408 = arith.addf %add3A_1406, %add3A_1407 : vector<128x4096xf32>
    %mul3A_1409 = arith.constant 2.000000e+00 : f32
    %mul3A_1410 = vector.broadcast %mul3A_1409 : f32 to vector<128x4096xf32>
    %mul3A_1411 = arith.mulf %mul3A_1410, %dot_general3A_1405 : vector<128x4096xf32>
    %sub3A_1412 = arith.subf %add3A_1408, %mul3A_1411 : vector<128x4096xf32>
    %lt3A_1413 = arith.constant 2.500000e-01 : f32
    %lt3A_1414 = vector.broadcast %lt3A_1413 : f32 to vector<128x4096xf32>
    %lt3A_1415 = arith.cmpf olt, %sub3A_1412, %lt3A_1414 : vector<128x4096xf32>
    %convert_element_type3A_1416 = arith.extui %lt3A_1415 : vector<128x4096xi1> to vector<128x4096xi32>
    %convert_element_type3A_1417 = arith.sitofp %convert_element_type3A_1416 : vector<128x4096xi32> to vector<128x4096xf32>
    %reduce_sum3A_1418 = arith.constant dense<0.000000e+00> : vector<4096xf32>
    %reduce_sum3A_1419 = vector.multi_reduction <add>, %convert_element_type3A_1417, %reduce_sum3A_1418 [0] : vector<128x4096xf32> to vector<4096xf32>
    %broadcast_in_dim3A_1420 = vector.shape_cast %reduce_sum3A_1419 : vector<4096xf32> to vector<1x4096xf32>
    %add3A_1421 = arith.addf %add3A_1393, %broadcast_in_dim3A_1420 : vector<1x4096xf32>
    %get3A_1422 = arith.constant 1 : index
    %get3A_1423 = arith.constant 2304 : index
    %get3A_1424 = arith.constant 0 : index
    %get3A_1425 = vector.load %arg0[%get3A_1422, %get3A_1423, %get3A_1424] : memref<2x4096x3xf32, #tpu.memory_space<vmem>>, vector<1x128x3xf32>
    %get3A_1426 = vector.shape_cast %get3A_1425 : vector<1x128x3xf32> to vector<128x3xf32>
    %get3A_1427 = arith.constant 1 : index
    %get3A_1428 = arith.constant 2304 : index
    %get3A_1429 = arith.constant 0 : index
    %get3A_1430 = vector.load %arg2[%get3A_1427, %get3A_1428, %get3A_1429] : memref<2x4096x1xf32, #tpu.memory_space<vmem>>, vector<1x128x1xf32>
    %get3A_1431 = vector.shape_cast %get3A_1430 : vector<1x128x1xf32> to vector<128x1xf32>
    %dot_general3A_1432 = arith.constant dense<0.000000e+00> : vector<128x4096xf32>
    %dot_general3A_1433 = tpu.matmul %get3A_1426, %get3A_910, %dot_general3A_1432 {dimension_numbers = #tpu.dot_dimension_numbers<[1], [0], [0], [1], [0, 0, 1, 1], [], []>, transpose_lhs_hint = false} : vector<128x3xf32>, vector<3x4096xf32>, vector<128x4096xf32> -> vector<128x4096xf32>
    %add3A_1434 = vector.broadcast %get3A_1431 : vector<128x1xf32> to vector<128x4096xf32>
    %add3A_1435 = vector.broadcast %get3A_915 : vector<1x4096xf32> to vector<128x4096xf32>
    %add3A_1436 = arith.addf %add3A_1434, %add3A_1435 : vector<128x4096xf32>
    %mul3A_1437 = arith.constant 2.000000e+00 : f32
    %mul3A_1438 = vector.broadcast %mul3A_1437 : f32 to vector<128x4096xf32>
    %mul3A_1439 = arith.mulf %mul3A_1438, %dot_general3A_1433 : vector<128x4096xf32>
    %sub3A_1440 = arith.subf %add3A_1436, %mul3A_1439 : vector<128x4096xf32>
    %lt3A_1441 = arith.constant 2.500000e-01 : f32
    %lt3A_1442 = vector.broadcast %lt3A_1441 : f32 to vector<128x4096xf32>
    %lt3A_1443 = arith.cmpf olt, %sub3A_1440, %lt3A_1442 : vector<128x4096xf32>
    %convert_element_type3A_1444 = arith.extui %lt3A_1443 : vector<128x4096xi1> to vector<128x4096xi32>
    %convert_element_type3A_1445 = arith.sitofp %convert_element_type3A_1444 : vector<128x4096xi32> to vector<128x4096xf32>
    %reduce_sum3A_1446 = arith.constant dense<0.000000e+00> : vector<4096xf32>
    %reduce_sum3A_1447 = vector.multi_reduction <add>, %convert_element_type3A_1445, %reduce_sum3A_1446 [0] : vector<128x4096xf32> to vector<4096xf32>
    %broadcast_in_dim3A_1448 = vector.shape_cast %reduce_sum3A_1447 : vector<4096xf32> to vector<1x4096xf32>
    %add3A_1449 = arith.addf %add3A_1421, %broadcast_in_dim3A_1448 : vector<1x4096xf32>
    %get3A_1450 = arith.constant 1 : index
    %get3A_1451 = arith.constant 2432 : index
    %get3A_1452 = arith.constant 0 : index
    %get3A_1453 = vector.load %arg0[%get3A_1450, %get3A_1451, %get3A_1452] : memref<2x4096x3xf32, #tpu.memory_space<vmem>>, vector<1x128x3xf32>
    %get3A_1454 = vector.shape_cast %get3A_1453 : vector<1x128x3xf32> to vector<128x3xf32>
    %get3A_1455 = arith.constant 1 : index
    %get3A_1456 = arith.constant 2432 : index
    %get3A_1457 = arith.constant 0 : index
    %get3A_1458 = vector.load %arg2[%get3A_1455, %get3A_1456, %get3A_1457] : memref<2x4096x1xf32, #tpu.memory_space<vmem>>, vector<1x128x1xf32>
    %get3A_1459 = vector.shape_cast %get3A_1458 : vector<1x128x1xf32> to vector<128x1xf32>
    %dot_general3A_1460 = arith.constant dense<0.000000e+00> : vector<128x4096xf32>
    %dot_general3A_1461 = tpu.matmul %get3A_1454, %get3A_910, %dot_general3A_1460 {dimension_numbers = #tpu.dot_dimension_numbers<[1], [0], [0], [1], [0, 0, 1, 1], [], []>, transpose_lhs_hint = false} : vector<128x3xf32>, vector<3x4096xf32>, vector<128x4096xf32> -> vector<128x4096xf32>
    %add3A_1462 = vector.broadcast %get3A_1459 : vector<128x1xf32> to vector<128x4096xf32>
    %add3A_1463 = vector.broadcast %get3A_915 : vector<1x4096xf32> to vector<128x4096xf32>
    %add3A_1464 = arith.addf %add3A_1462, %add3A_1463 : vector<128x4096xf32>
    %mul3A_1465 = arith.constant 2.000000e+00 : f32
    %mul3A_1466 = vector.broadcast %mul3A_1465 : f32 to vector<128x4096xf32>
    %mul3A_1467 = arith.mulf %mul3A_1466, %dot_general3A_1461 : vector<128x4096xf32>
    %sub3A_1468 = arith.subf %add3A_1464, %mul3A_1467 : vector<128x4096xf32>
    %lt3A_1469 = arith.constant 2.500000e-01 : f32
    %lt3A_1470 = vector.broadcast %lt3A_1469 : f32 to vector<128x4096xf32>
    %lt3A_1471 = arith.cmpf olt, %sub3A_1468, %lt3A_1470 : vector<128x4096xf32>
    %convert_element_type3A_1472 = arith.extui %lt3A_1471 : vector<128x4096xi1> to vector<128x4096xi32>
    %convert_element_type3A_1473 = arith.sitofp %convert_element_type3A_1472 : vector<128x4096xi32> to vector<128x4096xf32>
    %reduce_sum3A_1474 = arith.constant dense<0.000000e+00> : vector<4096xf32>
    %reduce_sum3A_1475 = vector.multi_reduction <add>, %convert_element_type3A_1473, %reduce_sum3A_1474 [0] : vector<128x4096xf32> to vector<4096xf32>
    %broadcast_in_dim3A_1476 = vector.shape_cast %reduce_sum3A_1475 : vector<4096xf32> to vector<1x4096xf32>
    %add3A_1477 = arith.addf %add3A_1449, %broadcast_in_dim3A_1476 : vector<1x4096xf32>
    %get3A_1478 = arith.constant 1 : index
    %get3A_1479 = arith.constant 2560 : index
    %get3A_1480 = arith.constant 0 : index
    %get3A_1481 = vector.load %arg0[%get3A_1478, %get3A_1479, %get3A_1480] : memref<2x4096x3xf32, #tpu.memory_space<vmem>>, vector<1x128x3xf32>
    %get3A_1482 = vector.shape_cast %get3A_1481 : vector<1x128x3xf32> to vector<128x3xf32>
    %get3A_1483 = arith.constant 1 : index
    %get3A_1484 = arith.constant 2560 : index
    %get3A_1485 = arith.constant 0 : index
    %get3A_1486 = vector.load %arg2[%get3A_1483, %get3A_1484, %get3A_1485] : memref<2x4096x1xf32, #tpu.memory_space<vmem>>, vector<1x128x1xf32>
    %get3A_1487 = vector.shape_cast %get3A_1486 : vector<1x128x1xf32> to vector<128x1xf32>
    %dot_general3A_1488 = arith.constant dense<0.000000e+00> : vector<128x4096xf32>
    %dot_general3A_1489 = tpu.matmul %get3A_1482, %get3A_910, %dot_general3A_1488 {dimension_numbers = #tpu.dot_dimension_numbers<[1], [0], [0], [1], [0, 0, 1, 1], [], []>, transpose_lhs_hint = false} : vector<128x3xf32>, vector<3x4096xf32>, vector<128x4096xf32> -> vector<128x4096xf32>
    %add3A_1490 = vector.broadcast %get3A_1487 : vector<128x1xf32> to vector<128x4096xf32>
    %add3A_1491 = vector.broadcast %get3A_915 : vector<1x4096xf32> to vector<128x4096xf32>
    %add3A_1492 = arith.addf %add3A_1490, %add3A_1491 : vector<128x4096xf32>
    %mul3A_1493 = arith.constant 2.000000e+00 : f32
    %mul3A_1494 = vector.broadcast %mul3A_1493 : f32 to vector<128x4096xf32>
    %mul3A_1495 = arith.mulf %mul3A_1494, %dot_general3A_1489 : vector<128x4096xf32>
    %sub3A_1496 = arith.subf %add3A_1492, %mul3A_1495 : vector<128x4096xf32>
    %lt3A_1497 = arith.constant 2.500000e-01 : f32
    %lt3A_1498 = vector.broadcast %lt3A_1497 : f32 to vector<128x4096xf32>
    %lt3A_1499 = arith.cmpf olt, %sub3A_1496, %lt3A_1498 : vector<128x4096xf32>
    %convert_element_type3A_1500 = arith.extui %lt3A_1499 : vector<128x4096xi1> to vector<128x4096xi32>
    %convert_element_type3A_1501 = arith.sitofp %convert_element_type3A_1500 : vector<128x4096xi32> to vector<128x4096xf32>
    %reduce_sum3A_1502 = arith.constant dense<0.000000e+00> : vector<4096xf32>
    %reduce_sum3A_1503 = vector.multi_reduction <add>, %convert_element_type3A_1501, %reduce_sum3A_1502 [0] : vector<128x4096xf32> to vector<4096xf32>
    %broadcast_in_dim3A_1504 = vector.shape_cast %reduce_sum3A_1503 : vector<4096xf32> to vector<1x4096xf32>
    %add3A_1505 = arith.addf %add3A_1477, %broadcast_in_dim3A_1504 : vector<1x4096xf32>
    %get3A_1506 = arith.constant 1 : index
    %get3A_1507 = arith.constant 2688 : index
    %get3A_1508 = arith.constant 0 : index
    %get3A_1509 = vector.load %arg0[%get3A_1506, %get3A_1507, %get3A_1508] : memref<2x4096x3xf32, #tpu.memory_space<vmem>>, vector<1x128x3xf32>
    %get3A_1510 = vector.shape_cast %get3A_1509 : vector<1x128x3xf32> to vector<128x3xf32>
    %get3A_1511 = arith.constant 1 : index
    %get3A_1512 = arith.constant 2688 : index
    %get3A_1513 = arith.constant 0 : index
    %get3A_1514 = vector.load %arg2[%get3A_1511, %get3A_1512, %get3A_1513] : memref<2x4096x1xf32, #tpu.memory_space<vmem>>, vector<1x128x1xf32>
    %get3A_1515 = vector.shape_cast %get3A_1514 : vector<1x128x1xf32> to vector<128x1xf32>
    %dot_general3A_1516 = arith.constant dense<0.000000e+00> : vector<128x4096xf32>
    %dot_general3A_1517 = tpu.matmul %get3A_1510, %get3A_910, %dot_general3A_1516 {dimension_numbers = #tpu.dot_dimension_numbers<[1], [0], [0], [1], [0, 0, 1, 1], [], []>, transpose_lhs_hint = false} : vector<128x3xf32>, vector<3x4096xf32>, vector<128x4096xf32> -> vector<128x4096xf32>
    %add3A_1518 = vector.broadcast %get3A_1515 : vector<128x1xf32> to vector<128x4096xf32>
    %add3A_1519 = vector.broadcast %get3A_915 : vector<1x4096xf32> to vector<128x4096xf32>
    %add3A_1520 = arith.addf %add3A_1518, %add3A_1519 : vector<128x4096xf32>
    %mul3A_1521 = arith.constant 2.000000e+00 : f32
    %mul3A_1522 = vector.broadcast %mul3A_1521 : f32 to vector<128x4096xf32>
    %mul3A_1523 = arith.mulf %mul3A_1522, %dot_general3A_1517 : vector<128x4096xf32>
    %sub3A_1524 = arith.subf %add3A_1520, %mul3A_1523 : vector<128x4096xf32>
    %lt3A_1525 = arith.constant 2.500000e-01 : f32
    %lt3A_1526 = vector.broadcast %lt3A_1525 : f32 to vector<128x4096xf32>
    %lt3A_1527 = arith.cmpf olt, %sub3A_1524, %lt3A_1526 : vector<128x4096xf32>
    %convert_element_type3A_1528 = arith.extui %lt3A_1527 : vector<128x4096xi1> to vector<128x4096xi32>
    %convert_element_type3A_1529 = arith.sitofp %convert_element_type3A_1528 : vector<128x4096xi32> to vector<128x4096xf32>
    %reduce_sum3A_1530 = arith.constant dense<0.000000e+00> : vector<4096xf32>
    %reduce_sum3A_1531 = vector.multi_reduction <add>, %convert_element_type3A_1529, %reduce_sum3A_1530 [0] : vector<128x4096xf32> to vector<4096xf32>
    %broadcast_in_dim3A_1532 = vector.shape_cast %reduce_sum3A_1531 : vector<4096xf32> to vector<1x4096xf32>
    %add3A_1533 = arith.addf %add3A_1505, %broadcast_in_dim3A_1532 : vector<1x4096xf32>
    %get3A_1534 = arith.constant 1 : index
    %get3A_1535 = arith.constant 2816 : index
    %get3A_1536 = arith.constant 0 : index
    %get3A_1537 = vector.load %arg0[%get3A_1534, %get3A_1535, %get3A_1536] : memref<2x4096x3xf32, #tpu.memory_space<vmem>>, vector<1x128x3xf32>
    %get3A_1538 = vector.shape_cast %get3A_1537 : vector<1x128x3xf32> to vector<128x3xf32>
    %get3A_1539 = arith.constant 1 : index
    %get3A_1540 = arith.constant 2816 : index
    %get3A_1541 = arith.constant 0 : index
    %get3A_1542 = vector.load %arg2[%get3A_1539, %get3A_1540, %get3A_1541] : memref<2x4096x1xf32, #tpu.memory_space<vmem>>, vector<1x128x1xf32>
    %get3A_1543 = vector.shape_cast %get3A_1542 : vector<1x128x1xf32> to vector<128x1xf32>
    %dot_general3A_1544 = arith.constant dense<0.000000e+00> : vector<128x4096xf32>
    %dot_general3A_1545 = tpu.matmul %get3A_1538, %get3A_910, %dot_general3A_1544 {dimension_numbers = #tpu.dot_dimension_numbers<[1], [0], [0], [1], [0, 0, 1, 1], [], []>, transpose_lhs_hint = false} : vector<128x3xf32>, vector<3x4096xf32>, vector<128x4096xf32> -> vector<128x4096xf32>
    %add3A_1546 = vector.broadcast %get3A_1543 : vector<128x1xf32> to vector<128x4096xf32>
    %add3A_1547 = vector.broadcast %get3A_915 : vector<1x4096xf32> to vector<128x4096xf32>
    %add3A_1548 = arith.addf %add3A_1546, %add3A_1547 : vector<128x4096xf32>
    %mul3A_1549 = arith.constant 2.000000e+00 : f32
    %mul3A_1550 = vector.broadcast %mul3A_1549 : f32 to vector<128x4096xf32>
    %mul3A_1551 = arith.mulf %mul3A_1550, %dot_general3A_1545 : vector<128x4096xf32>
    %sub3A_1552 = arith.subf %add3A_1548, %mul3A_1551 : vector<128x4096xf32>
    %lt3A_1553 = arith.constant 2.500000e-01 : f32
    %lt3A_1554 = vector.broadcast %lt3A_1553 : f32 to vector<128x4096xf32>
    %lt3A_1555 = arith.cmpf olt, %sub3A_1552, %lt3A_1554 : vector<128x4096xf32>
    %convert_element_type3A_1556 = arith.extui %lt3A_1555 : vector<128x4096xi1> to vector<128x4096xi32>
    %convert_element_type3A_1557 = arith.sitofp %convert_element_type3A_1556 : vector<128x4096xi32> to vector<128x4096xf32>
    %reduce_sum3A_1558 = arith.constant dense<0.000000e+00> : vector<4096xf32>
    %reduce_sum3A_1559 = vector.multi_reduction <add>, %convert_element_type3A_1557, %reduce_sum3A_1558 [0] : vector<128x4096xf32> to vector<4096xf32>
    %broadcast_in_dim3A_1560 = vector.shape_cast %reduce_sum3A_1559 : vector<4096xf32> to vector<1x4096xf32>
    %add3A_1561 = arith.addf %add3A_1533, %broadcast_in_dim3A_1560 : vector<1x4096xf32>
    %get3A_1562 = arith.constant 1 : index
    %get3A_1563 = arith.constant 2944 : index
    %get3A_1564 = arith.constant 0 : index
    %get3A_1565 = vector.load %arg0[%get3A_1562, %get3A_1563, %get3A_1564] : memref<2x4096x3xf32, #tpu.memory_space<vmem>>, vector<1x128x3xf32>
    %get3A_1566 = vector.shape_cast %get3A_1565 : vector<1x128x3xf32> to vector<128x3xf32>
    %get3A_1567 = arith.constant 1 : index
    %get3A_1568 = arith.constant 2944 : index
    %get3A_1569 = arith.constant 0 : index
    %get3A_1570 = vector.load %arg2[%get3A_1567, %get3A_1568, %get3A_1569] : memref<2x4096x1xf32, #tpu.memory_space<vmem>>, vector<1x128x1xf32>
    %get3A_1571 = vector.shape_cast %get3A_1570 : vector<1x128x1xf32> to vector<128x1xf32>
    %dot_general3A_1572 = arith.constant dense<0.000000e+00> : vector<128x4096xf32>
    %dot_general3A_1573 = tpu.matmul %get3A_1566, %get3A_910, %dot_general3A_1572 {dimension_numbers = #tpu.dot_dimension_numbers<[1], [0], [0], [1], [0, 0, 1, 1], [], []>, transpose_lhs_hint = false} : vector<128x3xf32>, vector<3x4096xf32>, vector<128x4096xf32> -> vector<128x4096xf32>
    %add3A_1574 = vector.broadcast %get3A_1571 : vector<128x1xf32> to vector<128x4096xf32>
    %add3A_1575 = vector.broadcast %get3A_915 : vector<1x4096xf32> to vector<128x4096xf32>
    %add3A_1576 = arith.addf %add3A_1574, %add3A_1575 : vector<128x4096xf32>
    %mul3A_1577 = arith.constant 2.000000e+00 : f32
    %mul3A_1578 = vector.broadcast %mul3A_1577 : f32 to vector<128x4096xf32>
    %mul3A_1579 = arith.mulf %mul3A_1578, %dot_general3A_1573 : vector<128x4096xf32>
    %sub3A_1580 = arith.subf %add3A_1576, %mul3A_1579 : vector<128x4096xf32>
    %lt3A_1581 = arith.constant 2.500000e-01 : f32
    %lt3A_1582 = vector.broadcast %lt3A_1581 : f32 to vector<128x4096xf32>
    %lt3A_1583 = arith.cmpf olt, %sub3A_1580, %lt3A_1582 : vector<128x4096xf32>
    %convert_element_type3A_1584 = arith.extui %lt3A_1583 : vector<128x4096xi1> to vector<128x4096xi32>
    %convert_element_type3A_1585 = arith.sitofp %convert_element_type3A_1584 : vector<128x4096xi32> to vector<128x4096xf32>
    %reduce_sum3A_1586 = arith.constant dense<0.000000e+00> : vector<4096xf32>
    %reduce_sum3A_1587 = vector.multi_reduction <add>, %convert_element_type3A_1585, %reduce_sum3A_1586 [0] : vector<128x4096xf32> to vector<4096xf32>
    %broadcast_in_dim3A_1588 = vector.shape_cast %reduce_sum3A_1587 : vector<4096xf32> to vector<1x4096xf32>
    %add3A_1589 = arith.addf %add3A_1561, %broadcast_in_dim3A_1588 : vector<1x4096xf32>
    %get3A_1590 = arith.constant 1 : index
    %get3A_1591 = arith.constant 3072 : index
    %get3A_1592 = arith.constant 0 : index
    %get3A_1593 = vector.load %arg0[%get3A_1590, %get3A_1591, %get3A_1592] : memref<2x4096x3xf32, #tpu.memory_space<vmem>>, vector<1x128x3xf32>
    %get3A_1594 = vector.shape_cast %get3A_1593 : vector<1x128x3xf32> to vector<128x3xf32>
    %get3A_1595 = arith.constant 1 : index
    %get3A_1596 = arith.constant 3072 : index
    %get3A_1597 = arith.constant 0 : index
    %get3A_1598 = vector.load %arg2[%get3A_1595, %get3A_1596, %get3A_1597] : memref<2x4096x1xf32, #tpu.memory_space<vmem>>, vector<1x128x1xf32>
    %get3A_1599 = vector.shape_cast %get3A_1598 : vector<1x128x1xf32> to vector<128x1xf32>
    %dot_general3A_1600 = arith.constant dense<0.000000e+00> : vector<128x4096xf32>
    %dot_general3A_1601 = tpu.matmul %get3A_1594, %get3A_910, %dot_general3A_1600 {dimension_numbers = #tpu.dot_dimension_numbers<[1], [0], [0], [1], [0, 0, 1, 1], [], []>, transpose_lhs_hint = false} : vector<128x3xf32>, vector<3x4096xf32>, vector<128x4096xf32> -> vector<128x4096xf32>
    %add3A_1602 = vector.broadcast %get3A_1599 : vector<128x1xf32> to vector<128x4096xf32>
    %add3A_1603 = vector.broadcast %get3A_915 : vector<1x4096xf32> to vector<128x4096xf32>
    %add3A_1604 = arith.addf %add3A_1602, %add3A_1603 : vector<128x4096xf32>
    %mul3A_1605 = arith.constant 2.000000e+00 : f32
    %mul3A_1606 = vector.broadcast %mul3A_1605 : f32 to vector<128x4096xf32>
    %mul3A_1607 = arith.mulf %mul3A_1606, %dot_general3A_1601 : vector<128x4096xf32>
    %sub3A_1608 = arith.subf %add3A_1604, %mul3A_1607 : vector<128x4096xf32>
    %lt3A_1609 = arith.constant 2.500000e-01 : f32
    %lt3A_1610 = vector.broadcast %lt3A_1609 : f32 to vector<128x4096xf32>
    %lt3A_1611 = arith.cmpf olt, %sub3A_1608, %lt3A_1610 : vector<128x4096xf32>
    %convert_element_type3A_1612 = arith.extui %lt3A_1611 : vector<128x4096xi1> to vector<128x4096xi32>
    %convert_element_type3A_1613 = arith.sitofp %convert_element_type3A_1612 : vector<128x4096xi32> to vector<128x4096xf32>
    %reduce_sum3A_1614 = arith.constant dense<0.000000e+00> : vector<4096xf32>
    %reduce_sum3A_1615 = vector.multi_reduction <add>, %convert_element_type3A_1613, %reduce_sum3A_1614 [0] : vector<128x4096xf32> to vector<4096xf32>
    %broadcast_in_dim3A_1616 = vector.shape_cast %reduce_sum3A_1615 : vector<4096xf32> to vector<1x4096xf32>
    %add3A_1617 = arith.addf %add3A_1589, %broadcast_in_dim3A_1616 : vector<1x4096xf32>
    %get3A_1618 = arith.constant 1 : index
    %get3A_1619 = arith.constant 3200 : index
    %get3A_1620 = arith.constant 0 : index
    %get3A_1621 = vector.load %arg0[%get3A_1618, %get3A_1619, %get3A_1620] : memref<2x4096x3xf32, #tpu.memory_space<vmem>>, vector<1x128x3xf32>
    %get3A_1622 = vector.shape_cast %get3A_1621 : vector<1x128x3xf32> to vector<128x3xf32>
    %get3A_1623 = arith.constant 1 : index
    %get3A_1624 = arith.constant 3200 : index
    %get3A_1625 = arith.constant 0 : index
    %get3A_1626 = vector.load %arg2[%get3A_1623, %get3A_1624, %get3A_1625] : memref<2x4096x1xf32, #tpu.memory_space<vmem>>, vector<1x128x1xf32>
    %get3A_1627 = vector.shape_cast %get3A_1626 : vector<1x128x1xf32> to vector<128x1xf32>
    %dot_general3A_1628 = arith.constant dense<0.000000e+00> : vector<128x4096xf32>
    %dot_general3A_1629 = tpu.matmul %get3A_1622, %get3A_910, %dot_general3A_1628 {dimension_numbers = #tpu.dot_dimension_numbers<[1], [0], [0], [1], [0, 0, 1, 1], [], []>, transpose_lhs_hint = false} : vector<128x3xf32>, vector<3x4096xf32>, vector<128x4096xf32> -> vector<128x4096xf32>
    %add3A_1630 = vector.broadcast %get3A_1627 : vector<128x1xf32> to vector<128x4096xf32>
    %add3A_1631 = vector.broadcast %get3A_915 : vector<1x4096xf32> to vector<128x4096xf32>
    %add3A_1632 = arith.addf %add3A_1630, %add3A_1631 : vector<128x4096xf32>
    %mul3A_1633 = arith.constant 2.000000e+00 : f32
    %mul3A_1634 = vector.broadcast %mul3A_1633 : f32 to vector<128x4096xf32>
    %mul3A_1635 = arith.mulf %mul3A_1634, %dot_general3A_1629 : vector<128x4096xf32>
    %sub3A_1636 = arith.subf %add3A_1632, %mul3A_1635 : vector<128x4096xf32>
    %lt3A_1637 = arith.constant 2.500000e-01 : f32
    %lt3A_1638 = vector.broadcast %lt3A_1637 : f32 to vector<128x4096xf32>
    %lt3A_1639 = arith.cmpf olt, %sub3A_1636, %lt3A_1638 : vector<128x4096xf32>
    %convert_element_type3A_1640 = arith.extui %lt3A_1639 : vector<128x4096xi1> to vector<128x4096xi32>
    %convert_element_type3A_1641 = arith.sitofp %convert_element_type3A_1640 : vector<128x4096xi32> to vector<128x4096xf32>
    %reduce_sum3A_1642 = arith.constant dense<0.000000e+00> : vector<4096xf32>
    %reduce_sum3A_1643 = vector.multi_reduction <add>, %convert_element_type3A_1641, %reduce_sum3A_1642 [0] : vector<128x4096xf32> to vector<4096xf32>
    %broadcast_in_dim3A_1644 = vector.shape_cast %reduce_sum3A_1643 : vector<4096xf32> to vector<1x4096xf32>
    %add3A_1645 = arith.addf %add3A_1617, %broadcast_in_dim3A_1644 : vector<1x4096xf32>
    %get3A_1646 = arith.constant 1 : index
    %get3A_1647 = arith.constant 3328 : index
    %get3A_1648 = arith.constant 0 : index
    %get3A_1649 = vector.load %arg0[%get3A_1646, %get3A_1647, %get3A_1648] : memref<2x4096x3xf32, #tpu.memory_space<vmem>>, vector<1x128x3xf32>
    %get3A_1650 = vector.shape_cast %get3A_1649 : vector<1x128x3xf32> to vector<128x3xf32>
    %get3A_1651 = arith.constant 1 : index
    %get3A_1652 = arith.constant 3328 : index
    %get3A_1653 = arith.constant 0 : index
    %get3A_1654 = vector.load %arg2[%get3A_1651, %get3A_1652, %get3A_1653] : memref<2x4096x1xf32, #tpu.memory_space<vmem>>, vector<1x128x1xf32>
    %get3A_1655 = vector.shape_cast %get3A_1654 : vector<1x128x1xf32> to vector<128x1xf32>
    %dot_general3A_1656 = arith.constant dense<0.000000e+00> : vector<128x4096xf32>
    %dot_general3A_1657 = tpu.matmul %get3A_1650, %get3A_910, %dot_general3A_1656 {dimension_numbers = #tpu.dot_dimension_numbers<[1], [0], [0], [1], [0, 0, 1, 1], [], []>, transpose_lhs_hint = false} : vector<128x3xf32>, vector<3x4096xf32>, vector<128x4096xf32> -> vector<128x4096xf32>
    %add3A_1658 = vector.broadcast %get3A_1655 : vector<128x1xf32> to vector<128x4096xf32>
    %add3A_1659 = vector.broadcast %get3A_915 : vector<1x4096xf32> to vector<128x4096xf32>
    %add3A_1660 = arith.addf %add3A_1658, %add3A_1659 : vector<128x4096xf32>
    %mul3A_1661 = arith.constant 2.000000e+00 : f32
    %mul3A_1662 = vector.broadcast %mul3A_1661 : f32 to vector<128x4096xf32>
    %mul3A_1663 = arith.mulf %mul3A_1662, %dot_general3A_1657 : vector<128x4096xf32>
    %sub3A_1664 = arith.subf %add3A_1660, %mul3A_1663 : vector<128x4096xf32>
    %lt3A_1665 = arith.constant 2.500000e-01 : f32
    %lt3A_1666 = vector.broadcast %lt3A_1665 : f32 to vector<128x4096xf32>
    %lt3A_1667 = arith.cmpf olt, %sub3A_1664, %lt3A_1666 : vector<128x4096xf32>
    %convert_element_type3A_1668 = arith.extui %lt3A_1667 : vector<128x4096xi1> to vector<128x4096xi32>
    %convert_element_type3A_1669 = arith.sitofp %convert_element_type3A_1668 : vector<128x4096xi32> to vector<128x4096xf32>
    %reduce_sum3A_1670 = arith.constant dense<0.000000e+00> : vector<4096xf32>
    %reduce_sum3A_1671 = vector.multi_reduction <add>, %convert_element_type3A_1669, %reduce_sum3A_1670 [0] : vector<128x4096xf32> to vector<4096xf32>
    %broadcast_in_dim3A_1672 = vector.shape_cast %reduce_sum3A_1671 : vector<4096xf32> to vector<1x4096xf32>
    %add3A_1673 = arith.addf %add3A_1645, %broadcast_in_dim3A_1672 : vector<1x4096xf32>
    %get3A_1674 = arith.constant 1 : index
    %get3A_1675 = arith.constant 3456 : index
    %get3A_1676 = arith.constant 0 : index
    %get3A_1677 = vector.load %arg0[%get3A_1674, %get3A_1675, %get3A_1676] : memref<2x4096x3xf32, #tpu.memory_space<vmem>>, vector<1x128x3xf32>
    %get3A_1678 = vector.shape_cast %get3A_1677 : vector<1x128x3xf32> to vector<128x3xf32>
    %get3A_1679 = arith.constant 1 : index
    %get3A_1680 = arith.constant 3456 : index
    %get3A_1681 = arith.constant 0 : index
    %get3A_1682 = vector.load %arg2[%get3A_1679, %get3A_1680, %get3A_1681] : memref<2x4096x1xf32, #tpu.memory_space<vmem>>, vector<1x128x1xf32>
    %get3A_1683 = vector.shape_cast %get3A_1682 : vector<1x128x1xf32> to vector<128x1xf32>
    %dot_general3A_1684 = arith.constant dense<0.000000e+00> : vector<128x4096xf32>
    %dot_general3A_1685 = tpu.matmul %get3A_1678, %get3A_910, %dot_general3A_1684 {dimension_numbers = #tpu.dot_dimension_numbers<[1], [0], [0], [1], [0, 0, 1, 1], [], []>, transpose_lhs_hint = false} : vector<128x3xf32>, vector<3x4096xf32>, vector<128x4096xf32> -> vector<128x4096xf32>
    %add3A_1686 = vector.broadcast %get3A_1683 : vector<128x1xf32> to vector<128x4096xf32>
    %add3A_1687 = vector.broadcast %get3A_915 : vector<1x4096xf32> to vector<128x4096xf32>
    %add3A_1688 = arith.addf %add3A_1686, %add3A_1687 : vector<128x4096xf32>
    %mul3A_1689 = arith.constant 2.000000e+00 : f32
    %mul3A_1690 = vector.broadcast %mul3A_1689 : f32 to vector<128x4096xf32>
    %mul3A_1691 = arith.mulf %mul3A_1690, %dot_general3A_1685 : vector<128x4096xf32>
    %sub3A_1692 = arith.subf %add3A_1688, %mul3A_1691 : vector<128x4096xf32>
    %lt3A_1693 = arith.constant 2.500000e-01 : f32
    %lt3A_1694 = vector.broadcast %lt3A_1693 : f32 to vector<128x4096xf32>
    %lt3A_1695 = arith.cmpf olt, %sub3A_1692, %lt3A_1694 : vector<128x4096xf32>
    %convert_element_type3A_1696 = arith.extui %lt3A_1695 : vector<128x4096xi1> to vector<128x4096xi32>
    %convert_element_type3A_1697 = arith.sitofp %convert_element_type3A_1696 : vector<128x4096xi32> to vector<128x4096xf32>
    %reduce_sum3A_1698 = arith.constant dense<0.000000e+00> : vector<4096xf32>
    %reduce_sum3A_1699 = vector.multi_reduction <add>, %convert_element_type3A_1697, %reduce_sum3A_1698 [0] : vector<128x4096xf32> to vector<4096xf32>
    %broadcast_in_dim3A_1700 = vector.shape_cast %reduce_sum3A_1699 : vector<4096xf32> to vector<1x4096xf32>
    %add3A_1701 = arith.addf %add3A_1673, %broadcast_in_dim3A_1700 : vector<1x4096xf32>
    %get3A_1702 = arith.constant 1 : index
    %get3A_1703 = arith.constant 3584 : index
    %get3A_1704 = arith.constant 0 : index
    %get3A_1705 = vector.load %arg0[%get3A_1702, %get3A_1703, %get3A_1704] : memref<2x4096x3xf32, #tpu.memory_space<vmem>>, vector<1x128x3xf32>
    %get3A_1706 = vector.shape_cast %get3A_1705 : vector<1x128x3xf32> to vector<128x3xf32>
    %get3A_1707 = arith.constant 1 : index
    %get3A_1708 = arith.constant 3584 : index
    %get3A_1709 = arith.constant 0 : index
    %get3A_1710 = vector.load %arg2[%get3A_1707, %get3A_1708, %get3A_1709] : memref<2x4096x1xf32, #tpu.memory_space<vmem>>, vector<1x128x1xf32>
    %get3A_1711 = vector.shape_cast %get3A_1710 : vector<1x128x1xf32> to vector<128x1xf32>
    %dot_general3A_1712 = arith.constant dense<0.000000e+00> : vector<128x4096xf32>
    %dot_general3A_1713 = tpu.matmul %get3A_1706, %get3A_910, %dot_general3A_1712 {dimension_numbers = #tpu.dot_dimension_numbers<[1], [0], [0], [1], [0, 0, 1, 1], [], []>, transpose_lhs_hint = false} : vector<128x3xf32>, vector<3x4096xf32>, vector<128x4096xf32> -> vector<128x4096xf32>
    %add3A_1714 = vector.broadcast %get3A_1711 : vector<128x1xf32> to vector<128x4096xf32>
    %add3A_1715 = vector.broadcast %get3A_915 : vector<1x4096xf32> to vector<128x4096xf32>
    %add3A_1716 = arith.addf %add3A_1714, %add3A_1715 : vector<128x4096xf32>
    %mul3A_1717 = arith.constant 2.000000e+00 : f32
    %mul3A_1718 = vector.broadcast %mul3A_1717 : f32 to vector<128x4096xf32>
    %mul3A_1719 = arith.mulf %mul3A_1718, %dot_general3A_1713 : vector<128x4096xf32>
    %sub3A_1720 = arith.subf %add3A_1716, %mul3A_1719 : vector<128x4096xf32>
    %lt3A_1721 = arith.constant 2.500000e-01 : f32
    %lt3A_1722 = vector.broadcast %lt3A_1721 : f32 to vector<128x4096xf32>
    %lt3A_1723 = arith.cmpf olt, %sub3A_1720, %lt3A_1722 : vector<128x4096xf32>
    %convert_element_type3A_1724 = arith.extui %lt3A_1723 : vector<128x4096xi1> to vector<128x4096xi32>
    %convert_element_type3A_1725 = arith.sitofp %convert_element_type3A_1724 : vector<128x4096xi32> to vector<128x4096xf32>
    %reduce_sum3A_1726 = arith.constant dense<0.000000e+00> : vector<4096xf32>
    %reduce_sum3A_1727 = vector.multi_reduction <add>, %convert_element_type3A_1725, %reduce_sum3A_1726 [0] : vector<128x4096xf32> to vector<4096xf32>
    %broadcast_in_dim3A_1728 = vector.shape_cast %reduce_sum3A_1727 : vector<4096xf32> to vector<1x4096xf32>
    %add3A_1729 = arith.addf %add3A_1701, %broadcast_in_dim3A_1728 : vector<1x4096xf32>
    %get3A_1730 = arith.constant 1 : index
    %get3A_1731 = arith.constant 3712 : index
    %get3A_1732 = arith.constant 0 : index
    %get3A_1733 = vector.load %arg0[%get3A_1730, %get3A_1731, %get3A_1732] : memref<2x4096x3xf32, #tpu.memory_space<vmem>>, vector<1x128x3xf32>
    %get3A_1734 = vector.shape_cast %get3A_1733 : vector<1x128x3xf32> to vector<128x3xf32>
    %get3A_1735 = arith.constant 1 : index
    %get3A_1736 = arith.constant 3712 : index
    %get3A_1737 = arith.constant 0 : index
    %get3A_1738 = vector.load %arg2[%get3A_1735, %get3A_1736, %get3A_1737] : memref<2x4096x1xf32, #tpu.memory_space<vmem>>, vector<1x128x1xf32>
    %get3A_1739 = vector.shape_cast %get3A_1738 : vector<1x128x1xf32> to vector<128x1xf32>
    %dot_general3A_1740 = arith.constant dense<0.000000e+00> : vector<128x4096xf32>
    %dot_general3A_1741 = tpu.matmul %get3A_1734, %get3A_910, %dot_general3A_1740 {dimension_numbers = #tpu.dot_dimension_numbers<[1], [0], [0], [1], [0, 0, 1, 1], [], []>, transpose_lhs_hint = false} : vector<128x3xf32>, vector<3x4096xf32>, vector<128x4096xf32> -> vector<128x4096xf32>
    %add3A_1742 = vector.broadcast %get3A_1739 : vector<128x1xf32> to vector<128x4096xf32>
    %add3A_1743 = vector.broadcast %get3A_915 : vector<1x4096xf32> to vector<128x4096xf32>
    %add3A_1744 = arith.addf %add3A_1742, %add3A_1743 : vector<128x4096xf32>
    %mul3A_1745 = arith.constant 2.000000e+00 : f32
    %mul3A_1746 = vector.broadcast %mul3A_1745 : f32 to vector<128x4096xf32>
    %mul3A_1747 = arith.mulf %mul3A_1746, %dot_general3A_1741 : vector<128x4096xf32>
    %sub3A_1748 = arith.subf %add3A_1744, %mul3A_1747 : vector<128x4096xf32>
    %lt3A_1749 = arith.constant 2.500000e-01 : f32
    %lt3A_1750 = vector.broadcast %lt3A_1749 : f32 to vector<128x4096xf32>
    %lt3A_1751 = arith.cmpf olt, %sub3A_1748, %lt3A_1750 : vector<128x4096xf32>
    %convert_element_type3A_1752 = arith.extui %lt3A_1751 : vector<128x4096xi1> to vector<128x4096xi32>
    %convert_element_type3A_1753 = arith.sitofp %convert_element_type3A_1752 : vector<128x4096xi32> to vector<128x4096xf32>
    %reduce_sum3A_1754 = arith.constant dense<0.000000e+00> : vector<4096xf32>
    %reduce_sum3A_1755 = vector.multi_reduction <add>, %convert_element_type3A_1753, %reduce_sum3A_1754 [0] : vector<128x4096xf32> to vector<4096xf32>
    %broadcast_in_dim3A_1756 = vector.shape_cast %reduce_sum3A_1755 : vector<4096xf32> to vector<1x4096xf32>
    %add3A_1757 = arith.addf %add3A_1729, %broadcast_in_dim3A_1756 : vector<1x4096xf32>
    %get3A_1758 = arith.constant 1 : index
    %get3A_1759 = arith.constant 3840 : index
    %get3A_1760 = arith.constant 0 : index
    %get3A_1761 = vector.load %arg0[%get3A_1758, %get3A_1759, %get3A_1760] : memref<2x4096x3xf32, #tpu.memory_space<vmem>>, vector<1x128x3xf32>
    %get3A_1762 = vector.shape_cast %get3A_1761 : vector<1x128x3xf32> to vector<128x3xf32>
    %get3A_1763 = arith.constant 1 : index
    %get3A_1764 = arith.constant 3840 : index
    %get3A_1765 = arith.constant 0 : index
    %get3A_1766 = vector.load %arg2[%get3A_1763, %get3A_1764, %get3A_1765] : memref<2x4096x1xf32, #tpu.memory_space<vmem>>, vector<1x128x1xf32>
    %get3A_1767 = vector.shape_cast %get3A_1766 : vector<1x128x1xf32> to vector<128x1xf32>
    %dot_general3A_1768 = arith.constant dense<0.000000e+00> : vector<128x4096xf32>
    %dot_general3A_1769 = tpu.matmul %get3A_1762, %get3A_910, %dot_general3A_1768 {dimension_numbers = #tpu.dot_dimension_numbers<[1], [0], [0], [1], [0, 0, 1, 1], [], []>, transpose_lhs_hint = false} : vector<128x3xf32>, vector<3x4096xf32>, vector<128x4096xf32> -> vector<128x4096xf32>
    %add3A_1770 = vector.broadcast %get3A_1767 : vector<128x1xf32> to vector<128x4096xf32>
    %add3A_1771 = vector.broadcast %get3A_915 : vector<1x4096xf32> to vector<128x4096xf32>
    %add3A_1772 = arith.addf %add3A_1770, %add3A_1771 : vector<128x4096xf32>
    %mul3A_1773 = arith.constant 2.000000e+00 : f32
    %mul3A_1774 = vector.broadcast %mul3A_1773 : f32 to vector<128x4096xf32>
    %mul3A_1775 = arith.mulf %mul3A_1774, %dot_general3A_1769 : vector<128x4096xf32>
    %sub3A_1776 = arith.subf %add3A_1772, %mul3A_1775 : vector<128x4096xf32>
    %lt3A_1777 = arith.constant 2.500000e-01 : f32
    %lt3A_1778 = vector.broadcast %lt3A_1777 : f32 to vector<128x4096xf32>
    %lt3A_1779 = arith.cmpf olt, %sub3A_1776, %lt3A_1778 : vector<128x4096xf32>
    %convert_element_type3A_1780 = arith.extui %lt3A_1779 : vector<128x4096xi1> to vector<128x4096xi32>
    %convert_element_type3A_1781 = arith.sitofp %convert_element_type3A_1780 : vector<128x4096xi32> to vector<128x4096xf32>
    %reduce_sum3A_1782 = arith.constant dense<0.000000e+00> : vector<4096xf32>
    %reduce_sum3A_1783 = vector.multi_reduction <add>, %convert_element_type3A_1781, %reduce_sum3A_1782 [0] : vector<128x4096xf32> to vector<4096xf32>
    %broadcast_in_dim3A_1784 = vector.shape_cast %reduce_sum3A_1783 : vector<4096xf32> to vector<1x4096xf32>
    %add3A_1785 = arith.addf %add3A_1757, %broadcast_in_dim3A_1784 : vector<1x4096xf32>
    %get3A_1786 = arith.constant 1 : index
    %get3A_1787 = arith.constant 3968 : index
    %get3A_1788 = arith.constant 0 : index
    %get3A_1789 = vector.load %arg0[%get3A_1786, %get3A_1787, %get3A_1788] : memref<2x4096x3xf32, #tpu.memory_space<vmem>>, vector<1x128x3xf32>
    %get3A_1790 = vector.shape_cast %get3A_1789 : vector<1x128x3xf32> to vector<128x3xf32>
    %get3A_1791 = arith.constant 1 : index
    %get3A_1792 = arith.constant 3968 : index
    %get3A_1793 = arith.constant 0 : index
    %get3A_1794 = vector.load %arg2[%get3A_1791, %get3A_1792, %get3A_1793] : memref<2x4096x1xf32, #tpu.memory_space<vmem>>, vector<1x128x1xf32>
    %get3A_1795 = vector.shape_cast %get3A_1794 : vector<1x128x1xf32> to vector<128x1xf32>
    %dot_general3A_1796 = arith.constant dense<0.000000e+00> : vector<128x4096xf32>
    %dot_general3A_1797 = tpu.matmul %get3A_1790, %get3A_910, %dot_general3A_1796 {dimension_numbers = #tpu.dot_dimension_numbers<[1], [0], [0], [1], [0, 0, 1, 1], [], []>, transpose_lhs_hint = false} : vector<128x3xf32>, vector<3x4096xf32>, vector<128x4096xf32> -> vector<128x4096xf32>
    %add3A_1798 = vector.broadcast %get3A_1795 : vector<128x1xf32> to vector<128x4096xf32>
    %add3A_1799 = vector.broadcast %get3A_915 : vector<1x4096xf32> to vector<128x4096xf32>
    %add3A_1800 = arith.addf %add3A_1798, %add3A_1799 : vector<128x4096xf32>
    %mul3A_1801 = arith.constant 2.000000e+00 : f32
    %mul3A_1802 = vector.broadcast %mul3A_1801 : f32 to vector<128x4096xf32>
    %mul3A_1803 = arith.mulf %mul3A_1802, %dot_general3A_1797 : vector<128x4096xf32>
    %sub3A_1804 = arith.subf %add3A_1800, %mul3A_1803 : vector<128x4096xf32>
    %lt3A_1805 = arith.constant 2.500000e-01 : f32
    %lt3A_1806 = vector.broadcast %lt3A_1805 : f32 to vector<128x4096xf32>
    %lt3A_1807 = arith.cmpf olt, %sub3A_1804, %lt3A_1806 : vector<128x4096xf32>
    %convert_element_type3A_1808 = arith.extui %lt3A_1807 : vector<128x4096xi1> to vector<128x4096xi32>
    %convert_element_type3A_1809 = arith.sitofp %convert_element_type3A_1808 : vector<128x4096xi32> to vector<128x4096xf32>
    %reduce_sum3A_1810 = arith.constant dense<0.000000e+00> : vector<4096xf32>
    %reduce_sum3A_1811 = vector.multi_reduction <add>, %convert_element_type3A_1809, %reduce_sum3A_1810 [0] : vector<128x4096xf32> to vector<4096xf32>
    %broadcast_in_dim3A_1812 = vector.shape_cast %reduce_sum3A_1811 : vector<4096xf32> to vector<1x4096xf32>
    %add3A_1813 = arith.addf %add3A_1785, %broadcast_in_dim3A_1812 : vector<1x4096xf32>
    %div3A_1814 = arith.constant 1.000000e+00 : f32
    %div3A_1815 = vector.broadcast %div3A_1814 : f32 to vector<1x4096xf32>
    %div3A_1816 = arith.divf %div3A_1815, %add3A_1813 : vector<1x4096xf32>
    %swap3A_1817 = arith.constant 1 : index
    %swap3A_1818 = arith.constant 0 : index
    %swap3A_1819 = arith.constant 0 : index
    %swap3A_1820 = vector.load %arg4[%swap3A_1817, %swap3A_1818, %swap3A_1819] : memref<2x1x4096xf32, #tpu.memory_space<vmem>>, vector<1x1x4096xf32>
    %swap3A_1821 = vector.shape_cast %swap3A_1820 : vector<1x1x4096xf32> to vector<1x4096xf32>
    %swap3A_1822 = vector.shape_cast %div3A_1816 : vector<1x4096xf32> to vector<1x1x4096xf32>
    tpu.vector_store %arg4[%swap3A_1817, %swap3A_1818, %swap3A_1819], %swap3A_1822 {strides = array<i32>} : memref<2x1x4096xf32, #tpu.memory_space<vmem>>, vector<1x1x4096xf32>,
    return
  }
}

module attributes {stable_mosaic.version = 14 : i64} {
  func.func @_ffps_body(%arg0: memref<2x4096x19xf32, #tpu.memory_space<vmem>>, %arg1: memref<2x19x4096xf32, #tpu.memory_space<vmem>>, %arg2: memref<2x4096x1xf32, #tpu.memory_space<vmem>>, %arg3: memref<2x1x4096xf32, #tpu.memory_space<vmem>>, %arg4: memref<2x1x512xi32, #tpu.memory_space<vmem>>) attributes {dimension_semantics = [], scalar_prefetch = 0 : i64, scratch_operands = 0 : i64, tpu.core_type = #tpu.core_type<tc>} {
    %iota3A = tpu.iota {dimensions = array<i32: 1>} : vector<1x4096xi32>
    %iota3A_0 = tpu.iota {dimensions = array<i32: 1>} : vector<1x512xi32>
    %broadcast_in_dim3A = arith.constant 1.000000e+10 : f32
    %broadcast_in_dim3A_1 = vector.broadcast %broadcast_in_dim3A : f32 to vector<1x4096xf32>
    %broadcast_in_dim3A_2 = arith.constant 0 : i32
    %broadcast_in_dim3A_3 = vector.broadcast %broadcast_in_dim3A_2 : i32 to vector<1x512xi32>
    %scan3A = arith.constant 0 : i32
    %scan3A_4 = arith.constant 0 : i32
    %scan3A_5 = arith.constant 0 : i32
    %scan3A_6 = arith.constant 511 : i32
    %scan3A_7 = arith.addi %scan3A_5, %scan3A_6 : i32
    %scan3A_8 = arith.constant 1 : i32
    %scan3A_9:6 = scf.for %scan3A_22 = %scan3A_5 to %scan3A_7 step %scan3A_8 iter_args(%scan3A_23 = %broadcast_in_dim3A_1, %scan3A_24 = %broadcast_in_dim3A_1, %scan3A_25 = %scan3A, %scan3A_26 = %scan3A_4, %scan3A_27 = %broadcast_in_dim3A_3, %scan3A_28 = %broadcast_in_dim3A_3) -> (vector<1x4096xf32>, vector<1x4096xf32>, i32, i32, vector<1x512xi32>, vector<1x512xi32>)  : i32 {
      %get3A = arith.constant 0 : index
      %get3A_29 = arith.index_cast %scan3A_25 : i32 to index
      %get3A_30 = arith.constant 0 : index
      %get3A_31 = vector.load %arg0[%get3A, %get3A_29, %get3A_30] : memref<2x4096x19xf32, #tpu.memory_space<vmem>>, vector<1x1x19xf32>
      %get3A_32 = vector.shape_cast %get3A_31 : vector<1x1x19xf32> to vector<1x19xf32>
      %get3A_33 = arith.constant 0 : index
      %get3A_34 = arith.index_cast %scan3A_25 : i32 to index
      %get3A_35 = arith.constant 0 : index
      %get3A_36 = vector.load %arg2[%get3A_33, %get3A_34, %get3A_35] : memref<2x4096x1xf32, #tpu.memory_space<vmem>>, vector<1x1x1xf32>
      %get3A_37 = vector.shape_cast %get3A_36 : vector<1x1x1xf32> to vector<1x1xf32>
      %get3A_38 = arith.constant 0 : index
      %get3A_39 = arith.constant 0 : index
      %get3A_40 = arith.constant 0 : index
      %get3A_41 = vector.load %arg1[%get3A_38, %get3A_39, %get3A_40] : memref<2x19x4096xf32, #tpu.memory_space<vmem>>, vector<1x19x4096xf32>
      %get3A_42 = vector.shape_cast %get3A_41 : vector<1x19x4096xf32> to vector<19x4096xf32>
      %dot_general3A = arith.constant dense<0.000000e+00> : vector<1x4096xf32>
      %dot_general3A_43 = tpu.matmul %get3A_32, %get3A_42, %dot_general3A {dimension_numbers = #tpu.dot_dimension_numbers<[1], [0], [0], [1], [0, 0, 1, 1], [], []>, transpose_lhs_hint = false} : vector<1x19xf32>, vector<19x4096xf32>, vector<1x4096xf32> -> vector<1x4096xf32>
      %get3A_44 = arith.constant 0 : index
      %get3A_45 = arith.constant 0 : index
      %get3A_46 = arith.constant 0 : index
      %get3A_47 = vector.load %arg3[%get3A_44, %get3A_45, %get3A_46] : memref<2x1x4096xf32, #tpu.memory_space<vmem>>, vector<1x1x4096xf32>
      %get3A_48 = vector.shape_cast %get3A_47 : vector<1x1x4096xf32> to vector<1x4096xf32>
      %add3A = vector.broadcast %get3A_37 : vector<1x1xf32> to vector<1x4096xf32>
      %add3A_49 = arith.addf %get3A_48, %add3A : vector<1x4096xf32>
      %mul3A = arith.constant 2.000000e+00 : f32
      %mul3A_50 = vector.broadcast %mul3A : f32 to vector<1x4096xf32>
      %mul3A_51 = arith.mulf %mul3A_50, %dot_general3A_43 : vector<1x4096xf32>
      %sub3A = arith.subf %add3A_49, %mul3A_51 : vector<1x4096xf32>
      %min3A = arith.minimumf %scan3A_23, %sub3A : vector<1x4096xf32>
      %reduce_max3A = vector.shape_cast %min3A : vector<1x4096xf32> to vector<1x1x4096xf32>
      %reduce_max3A_52 = arith.constant dense<0xFF800000> : vector<1xf32>
      %reduce_max3A_53 = vector.multi_reduction <maximumf>, %reduce_max3A, %reduce_max3A_52 [1, 2] : vector<1x1x4096xf32> to vector<1xf32>
      %reduce_max3A_54 = vector.shape_cast %reduce_max3A_53 : vector<1xf32> to vector<1x1x1xf32>
      %reduce_max3A_55 = vector.extract %reduce_max3A_54[0, 0, 0] : f32 from vector<1x1x1xf32>
      %eq3A = vector.broadcast %reduce_max3A_55 : f32 to vector<1x4096xf32>
      %eq3A_56 = arith.cmpf oeq, %min3A, %eq3A : vector<1x4096xf32>
      %jit3A = arith.constant 4096 : i32
      %broadcast_in_dim3A_57 = vector.broadcast %jit3A : i32 to vector<1x4096xi32>
      %select_n3A = arith.select %eq3A_56, %iota3A, %broadcast_in_dim3A_57 : vector<1x4096xi1>, vector<1x4096xi32>
      %reduce_min3A = vector.shape_cast %select_n3A : vector<1x4096xi32> to vector<1x1x4096xi32>
      %reduce_min3A_58 = arith.constant dense<2147483647> : vector<1xi32>
      %reduce_min3A_59 = vector.multi_reduction <minsi>, %reduce_min3A, %reduce_min3A_58 [1, 2] : vector<1x1x4096xi32> to vector<1xi32>
      %reduce_min3A_60 = vector.shape_cast %reduce_min3A_59 : vector<1xi32> to vector<1x1x1xi32>
      %reduce_min3A_61 = vector.extract %reduce_min3A_60[0, 0, 0] : i32 from vector<1x1x1xi32>
      %add3A_62 = arith.constant 1 : i32
      %add3A_63 = arith.addi %scan3A_22, %add3A_62 : i32
      %eq3A_64 = vector.broadcast %add3A_63 : i32 to vector<1x512xi32>
      %eq3A_65 = arith.cmpi eq, %iota3A_0, %eq3A_64 : vector<1x512xi32>
      %broadcast_in_dim3A_66 = vector.broadcast %reduce_min3A_61 : i32 to vector<1x512xi32>
      %select_n3A_67 = arith.select %eq3A_65, %broadcast_in_dim3A_66, %scan3A_27 : vector<1x512xi1>, vector<1x512xi32>
      %get3A_68 = arith.constant 1 : index
      %get3A_69 = arith.index_cast %scan3A_26 : i32 to index
      %get3A_70 = arith.constant 0 : index
      %get3A_71 = vector.load %arg0[%get3A_68, %get3A_69, %get3A_70] : memref<2x4096x19xf32, #tpu.memory_space<vmem>>, vector<1x1x19xf32>
      %get3A_72 = vector.shape_cast %get3A_71 : vector<1x1x19xf32> to vector<1x19xf32>
      %get3A_73 = arith.constant 1 : index
      %get3A_74 = arith.index_cast %scan3A_26 : i32 to index
      %get3A_75 = arith.constant 0 : index
      %get3A_76 = vector.load %arg2[%get3A_73, %get3A_74, %get3A_75] : memref<2x4096x1xf32, #tpu.memory_space<vmem>>, vector<1x1x1xf32>
      %get3A_77 = vector.shape_cast %get3A_76 : vector<1x1x1xf32> to vector<1x1xf32>
      %get3A_78 = arith.constant 1 : index
      %get3A_79 = arith.constant 0 : index
      %get3A_80 = arith.constant 0 : index
      %get3A_81 = vector.load %arg1[%get3A_78, %get3A_79, %get3A_80] : memref<2x19x4096xf32, #tpu.memory_space<vmem>>, vector<1x19x4096xf32>
      %get3A_82 = vector.shape_cast %get3A_81 : vector<1x19x4096xf32> to vector<19x4096xf32>
      %dot_general3A_83 = arith.constant dense<0.000000e+00> : vector<1x4096xf32>
      %dot_general3A_84 = tpu.matmul %get3A_72, %get3A_82, %dot_general3A_83 {dimension_numbers = #tpu.dot_dimension_numbers<[1], [0], [0], [1], [0, 0, 1, 1], [], []>, transpose_lhs_hint = false} : vector<1x19xf32>, vector<19x4096xf32>, vector<1x4096xf32> -> vector<1x4096xf32>
      %get3A_85 = arith.constant 1 : index
      %get3A_86 = arith.constant 0 : index
      %get3A_87 = arith.constant 0 : index
      %get3A_88 = vector.load %arg3[%get3A_85, %get3A_86, %get3A_87] : memref<2x1x4096xf32, #tpu.memory_space<vmem>>, vector<1x1x4096xf32>
      %get3A_89 = vector.shape_cast %get3A_88 : vector<1x1x4096xf32> to vector<1x4096xf32>
      %add3A_90 = vector.broadcast %get3A_77 : vector<1x1xf32> to vector<1x4096xf32>
      %add3A_91 = arith.addf %get3A_89, %add3A_90 : vector<1x4096xf32>
      %mul3A_92 = arith.constant 2.000000e+00 : f32
      %mul3A_93 = vector.broadcast %mul3A_92 : f32 to vector<1x4096xf32>
      %mul3A_94 = arith.mulf %mul3A_93, %dot_general3A_84 : vector<1x4096xf32>
      %sub3A_95 = arith.subf %add3A_91, %mul3A_94 : vector<1x4096xf32>
      %min3A_96 = arith.minimumf %scan3A_24, %sub3A_95 : vector<1x4096xf32>
      %reduce_max3A_97 = vector.shape_cast %min3A_96 : vector<1x4096xf32> to vector<1x1x4096xf32>
      %reduce_max3A_98 = arith.constant dense<0xFF800000> : vector<1xf32>
      %reduce_max3A_99 = vector.multi_reduction <maximumf>, %reduce_max3A_97, %reduce_max3A_98 [1, 2] : vector<1x1x4096xf32> to vector<1xf32>
      %reduce_max3A_100 = vector.shape_cast %reduce_max3A_99 : vector<1xf32> to vector<1x1x1xf32>
      %reduce_max3A_101 = vector.extract %reduce_max3A_100[0, 0, 0] : f32 from vector<1x1x1xf32>
      %eq3A_102 = vector.broadcast %reduce_max3A_101 : f32 to vector<1x4096xf32>
      %eq3A_103 = arith.cmpf oeq, %min3A_96, %eq3A_102 : vector<1x4096xf32>
      %jit3A_104 = arith.constant 4096 : i32
      %broadcast_in_dim3A_105 = vector.broadcast %jit3A_104 : i32 to vector<1x4096xi32>
      %select_n3A_106 = arith.select %eq3A_103, %iota3A, %broadcast_in_dim3A_105 : vector<1x4096xi1>, vector<1x4096xi32>
      %reduce_min3A_107 = vector.shape_cast %select_n3A_106 : vector<1x4096xi32> to vector<1x1x4096xi32>
      %reduce_min3A_108 = arith.constant dense<2147483647> : vector<1xi32>
      %reduce_min3A_109 = vector.multi_reduction <minsi>, %reduce_min3A_107, %reduce_min3A_108 [1, 2] : vector<1x1x4096xi32> to vector<1xi32>
      %reduce_min3A_110 = vector.shape_cast %reduce_min3A_109 : vector<1xi32> to vector<1x1x1xi32>
      %reduce_min3A_111 = vector.extract %reduce_min3A_110[0, 0, 0] : i32 from vector<1x1x1xi32>
      %add3A_112 = arith.constant 1 : i32
      %add3A_113 = arith.addi %scan3A_22, %add3A_112 : i32
      %eq3A_114 = vector.broadcast %add3A_113 : i32 to vector<1x512xi32>
      %eq3A_115 = arith.cmpi eq, %iota3A_0, %eq3A_114 : vector<1x512xi32>
      %broadcast_in_dim3A_116 = vector.broadcast %reduce_min3A_111 : i32 to vector<1x512xi32>
      %select_n3A_117 = arith.select %eq3A_115, %broadcast_in_dim3A_116, %scan3A_28 : vector<1x512xi1>, vector<1x512xi32>
      scf.yield %min3A, %min3A_96, %reduce_min3A_61, %reduce_min3A_111, %select_n3A_67, %select_n3A_117 : vector<1x4096xf32>, vector<1x4096xf32>, i32, i32, vector<1x512xi32>, vector<1x512xi32>
    }
    %scan3A_10 = arith.constant 511 : i32
    %swap3A = arith.constant 0 : index
    %swap3A_11 = arith.constant 0 : index
    %swap3A_12 = arith.constant 0 : index
    %swap3A_13 = vector.load %arg4[%swap3A, %swap3A_11, %swap3A_12] : memref<2x1x512xi32, #tpu.memory_space<vmem>>, vector<1x1x512xi32>
    %swap3A_14 = vector.shape_cast %swap3A_13 : vector<1x1x512xi32> to vector<1x512xi32>
    %swap3A_15 = vector.shape_cast %scan3A_9#4 : vector<1x512xi32> to vector<1x1x512xi32>
    tpu.vector_store %arg4[%swap3A, %swap3A_11, %swap3A_12], %swap3A_15 {strides = array<i32>} : memref<2x1x512xi32, #tpu.memory_space<vmem>>, vector<1x1x512xi32>,
    %swap3A_16 = arith.constant 1 : index
    %swap3A_17 = arith.constant 0 : index
    %swap3A_18 = arith.constant 0 : index
    %swap3A_19 = vector.load %arg4[%swap3A_16, %swap3A_17, %swap3A_18] : memref<2x1x512xi32, #tpu.memory_space<vmem>>, vector<1x1x512xi32>
    %swap3A_20 = vector.shape_cast %swap3A_19 : vector<1x1x512xi32> to vector<1x512xi32>
    %swap3A_21 = vector.shape_cast %scan3A_9#5 : vector<1x512xi32> to vector<1x1x512xi32>
    tpu.vector_store %arg4[%swap3A_16, %swap3A_17, %swap3A_18], %swap3A_21 {strides = array<i32>} : memref<2x1x512xi32, #tpu.memory_space<vmem>>, vector<1x1x512xi32>,
    return
  }
}

</mosaic_0001>

<sc_bundles>
// kernel: kernel.5.cloned.1.call-start
scs
__scs_entry_jumppad:
0x0: {  	(pc) =	sbr.rel $0x88, $3  }
0x1: {  	(tag) =	ssettag $0x0;
	lr =	simm.s32 $0x1  }
0x2: {  	[smem:$0x3F9F] =	sst lr;
	_ =	strace $0xD0000000  }
0x3: {  	_ = 	snop  }
0x4: {  	_ = 	snop  }
0x5: {  	_ = 	snop  }
0x6: {  	_ = 	snop  }
0x7: {  	_ = 	snop  }
__scs_overlays_trampoline_lowered:
0x8: {  	[smem:$0x3FAE] =	sst s0  }
0x9: {  	[smem:$0x3FAF] =	sst s1  }
0xa: {  	[smem:$0x3FB0] =	sst s2  }
0xb: {  	[smem:$0x3FB1] =	sst s3  }
0xc: {  	[smem:$0x3FB2] =	sst s4  }
0xd: {  	[smem:$0x3FB3] =	sst s5  }
0xe: {  	[smem:$0x3FB4] =	sst s6  }
0xf: {  	[smem:$0x3FB5] =	sst s7  }
0x10: {  	[smem:$0x3FB6] =	sst s8  }
0x11: {  	[smem:$0x3FB7] =	sst s9;
	s0 =	simm.s32 @!p0 $0x0  }
0x12: {  	s1 =	sld [smem:$0x3F9D];
	s0 =	simm.s32 @p0 $0x1  }
0x13: {  	[smem:$0x3FB8] =	sst s0;
	s0 =	simm.s32 @!p1 $0x0  }
0x14: {  	s2 =	sld [smem:$0x3F9C];
	s0 =	simm.s32 @p1 $0x1  }
0x15: {  	[smem:$0x3FB9] =	sst s0;
	s0 =	simm.s32 @!p2 $0x0  }
0x16: {  	s3 =	sld [smem:$0x3FDB];
	s0 =	simm.s32 @p2 $0x1  }
0x17: {  	s4 =	simm.s32 $0x1BF5;
	[smem:$0x3FBB] =	sst s0  }
0x18: {  	s0 =	sld [smem:$0x3F9E];
	_ =	swait.ge [sflag:s4], $0x0  }
0x19: {  	s7 =	sld [smem:$0x3F9F]  }
0x1a: {  	s8 =	sadd.s32 $0xFFFFE003, lr  }
0x1b: {  	s9 =	sadd.s32 $0xFFFFFEF7, lr;
	s5 =	simm.s32 $0xFFFFFFFF;
	p2 =	slt.u32 s8, $0xFFFFF086  }
0x1c: {  	p1 =	slt.u32 s9, $0xF7A;
	s5 =	simm.s32 @!p2 $0x0  }
0x1d: {  	s5 =	simm.s32 @p1 $0x1;
	p0 =	seq.s32 s7, s2  }
0x1e: {  	s7 =	smul.u32 @!p0 $0xF7A, s2;
	p2 =	seq.s32 @!p0 s5, $0x0  }
0x1f: {  	s9 =	smul.u32 $0xF7A, s1;
	s8 =	simm.s32 @!p0 $0x1BF5;
	p2 =	por !p2, p0  }
0x20: {  	[sflag:s8] =	ssyncset.s32 @!p0 $0xFFFFF086;
	s6 =	sadd.s32 @!p0 s3, s7;
	s7 =	simm.s32 @!p0 $0x108  }
0x21: {  	s3 =	sadd.s32 s3, s9;
	s6 =	sadd.s32 @!p0 $0x88, s6;
	s7 =	simm.s32 @p2 $0x1082  }
0x22: {  	[simem:s7], [sflag:s8] =	dma.local @!p0 [hbm:s6], $0xF7A  }
0x23: {  	s9 =	sor.u32 $0xD0000000, s2;
	s6 =	simm.s32 $0x108;
	_ =	swait.ge @!p0 [sflag:s8], $0x0  }
0x24: {  	s3 =	sadd.s32 $0x88, s3;
	s6 =	simm.s32 @!p1 $0x1082;
	[sflag:s4] =	ssyncset.s32 $0xFFFFF086  }
0x25: {  	[simem:s6], [sflag:s4] =	dma.local [hbm:s3], $0xF7A  }
0x26: {  	[smem:$0x3F9F] =	sst s1;
	(tag) =	ssettag s2;
	_ =	strace s9  }
0x27: {  	s1 =	sld [smem:$0x3FAF]  }
0x28: {  	s2 =	sld [smem:$0x3FB0]  }
0x29: {  	s4 =	sld [smem:$0x3FB2]  }
0x2a: {  	p0 =	seq.s32 s5, $0x0;
	s5 =	sld [smem:$0x3FB3]  }
0x2b: {  	s6 =	sld [smem:$0x3FB4]  }
0x2c: {  	s7 =	sld [smem:$0x3FB5]  }
0x2d: {  	s3 =	simm.s32 $0x108;
	s8 =	sld [smem:$0x3FB6]  }
0x2e: {  	s3 =	simm.s32 @!p0 $0x1082;
	s9 =	sld [smem:$0x3FB7]  }
0x2f: {  	lr =	sadd.s32 s0, s3;
	s0 =	sld [smem:$0x3FAE]  }
0x30: {  	s3 =	sld [smem:$0x3FB1]  }
0x31: {  	[smem:$0x3FBA] =	sst s10  }
0x32: {  	s10 =	sld [smem:$0x3FB8];
	_ =	sdelay $0x3  }
0x33: {  	p0 =	seq.s32 s10, $0x1;
	s10 =	sld [smem:$0x3FBA];
	_ =	sdelay $0x3  }
0x34: {  	[smem:$0x3FBA] =	sst s10  }
0x35: {  	s10 =	sld [smem:$0x3FB9];
	_ =	sdelay $0x3  }
0x36: {  	p1 =	seq.s32 s10, $0x1;
	s10 =	sld [smem:$0x3FBA];
	_ =	sdelay $0x3  }
0x37: {  	[smem:$0x3FBA] =	sst s10  }
0x38: {  	s10 =	sld [smem:$0x3FBB]  }
0x39: {  	_ = 	snop;
	(pc) =	sbr.ind lr, $3  }
0x3a: {  	_ = 	snop  }
0x3b: {  	_ = 	snop  }
0x3c: {  	p2 =	seq.s32 s10, $0x1;
	s10 =	sld [smem:$0x3FBA]  }
0x3d: {  	_ =	shalt  }
0x3e: {  	_ =	shalt  }
0x3f: {  	_ =	shalt  }
0x40: {  	_ =	shalt  }
0x41: {  	_ =	shalt  }
0x42: {  	_ =	shalt  }
0x43: {  	_ =	shalt  }
0x44: {  	_ =	shalt  }
0x45: {  	_ =	shalt  }
0x46: {  	_ =	shalt  }
0x47: {  	_ =	shalt  }
0x48: {  	_ =	shalt  }
0x49: {  	_ =	shalt  }
0x4a: {  	_ =	shalt  }
0x4b: {  	_ =	shalt  }
0x4c: {  	_ =	shalt  }
0x4d: {  	_ =	shalt  }
0x4e: {  	_ =	shalt  }
0x4f: {  	_ =	shalt  }
0x50: {  	_ =	shalt  }
0x51: {  	_ =	shalt  }
0x52: {  	_ =	shalt  }
0x53: {  	_ =	shalt  }
0x54: {  	_ =	shalt  }
0x55: {  	_ =	shalt  }
0x56: {  	_ =	shalt  }
0x57: {  	_ =	shalt  }
0x58: {  	_ =	shalt  }
0x59: {  	_ =	shalt  }
0x5a: {  	_ =	shalt  }
0x5b: {  	_ =	shalt  }
0x5c: {  	_ =	shalt  }
0x5d: {  	_ =	shalt  }
0x5e: {  	_ =	shalt  }
0x5f: {  	_ =	shalt  }
0x60: {  	_ =	shalt  }
0x61: {  	_ =	shalt  }
0x62: {  	_ =	shalt  }
0x63: {  	_ =	shalt  }
0x64: {  	_ =	shalt  }
0x65: {  	_ =	shalt  }
0x66: {  	_ =	shalt  }
0x67: {  	_ =	shalt  }
0x68: {  	_ =	shalt  }
0x69: {  	_ =	shalt  }
0x6a: {  	_ =	shalt  }
0x6b: {  	_ =	shalt  }
0x6c: {  	_ =	shalt  }
0x6d: {  	_ =	shalt  }
0x6e: {  	_ =	shalt  }
0x6f: {  	_ =	shalt  }
0x70: {  	_ =	shalt  }
0x71: {  	_ =	shalt  }
0x72: {  	_ =	shalt  }
0x73: {  	_ =	shalt  }
0x74: {  	_ =	shalt  }
0x75: {  	_ =	shalt  }
0x76: {  	_ =	shalt  }
0x77: {  	_ =	shalt  }
0x78: {  	_ =	shalt  }
0x79: {  	_ =	shalt  }
0x7a: {  	_ =	shalt  }
0x7b: {  	_ =	shalt  }
0x7c: {  	_ =	shalt  }
0x7d: {  	_ =	shalt  }
0x7e: {  	_ =	shalt  }
0x7f: {  	_ =	shalt  }
0x80: {  	_ =	shalt  }
0x81: {  	_ =	shalt  }
0x82: {  	_ =	shalt  }
0x83: {  	_ =	shalt  }
0x84: {  	_ =	shalt  }
0x85: {  	_ =	shalt  }
0x86: {  	_ =	shalt  }
0x87: {  	_ =	shalt  }
.Lfunc_end0:
.L_simem_size_0:
called_computation_lowered:
.L_overlay_start_0:
0x88: {  	s2 =	sld [smem:$0x3FD9]  }
0x89: {  	s3 =	sld [smem:$0x3FFE];
	_ =	sdelay $0x1  }
0x8a: {  	s1 =	srdreg.scid  }
0x8b: {  	s0 =	sand.u32 $0x1, s1  }
0x8c: {  	s17 =	sshll.u32 s0, $0xA;
	s2 =	sadd.s32 s3, s2  }
0x8d: {  	s2 =	sadd.s32 s2, s17  }
0x8e: {  	[smem:$0x3FC6] =	sst s2  }
0x8f: {  	_ = 	snop  }
0x90: {  	s2 =	sld [smem:$0x3FD0];
	(tm) =	ssettm $0x1  }
0x91: {  	s18 =	sld [smem:$0x3FFB];
	_ =	sdelay $0x3  }
0x92: {  	_ =	strace s18  }
0x93: {  	s3 =	sld [smem:$0x3FFC];
	_ =	sdelay $0x3  }
0x94: {  	_ =	strace s3  }
0x95: {  	s3 =	sld [smem:$0x3FFD];
	_ =	sdelay $0x3  }
0x96: {  	_ =	strace s3  }
0x97: {  	_ =	strace $0x8FFFFFFF  }
0x98: {  	s19 =	sld [smem:$0x3FDB];
	_ =	sdelay $0x1  }
0x99: {  	s4 =	simm.s32 $_scs_section_size  }
0x9a: {  	s5 =	simm.s32 $_size__tile_overlayer_lowered;
	s6 =	simm.s32 $_tile_overlayer_lowered  }
0x9b: {  	s22 =	simm.s32 $0x1BFF;
	s21 =	sshll.u32 s6, $0x1;
	s3 =	sadd.s32 s4, s19  }
0x9c: {  	s7 =	simm.s32 $0x0;
	s20 =	sshll.u32 s5, $0x1;
	s5 =	sadd.s32 s21, s3  }
0x9d: {  	[timem:s7], [sflag:s22] =	dma.local [hbm:s5], s20  }
0x9e: {  	_ =	swait.ge [sflag:s22], s20  }
0x9f: {  	s4 =	ssub.s32 $0x0, s20;
	[sflag:s22] =	ssyncset.done $0x0  }
0xa0: {  	[sflag:s22] =	ssyncadd.s32 s4;
	_ =	sdelay $0x1  }
0xa1: {  	s23 =	simm.s32 $0x1B8B  }
0xa2: {  	_ =	swait.ge [sflag:s23], $0x1  }
0xa3: {  	[sflag:s23] =	ssyncset.done $0x0  }
0xa4: {  	s25 =	simm.s32 $0x1B8E;
	s24 =	sld [smem:$0x3FFE];
	[sflag:s23] =	ssyncadd.s32 $0xFFFFFFFF  }
0xa5: {  	s26 =	simm.s32 $execute0_lowered;
	[smem:$0x3FD2] =	sst s25  }
0xa6: {  	s5 =	sshll.u32 s26, $0x1;
	_ =	strace $0x80000046;
	[dreg:$0x1] =	wrdreg $0xFFFFFFFF  }
0xa7: {  	s28 =	simm.s32 $_size_execute0_lowered;
	s3 =	sadd.s32 s3, s5;
	[dreg:$0x0] =	wrdreg $0x0  }
0xa8: {  	s5 =	sshll.u32 s28, $0x1;
	[dreg:$0x2] =	wrdreg s3  }
0xa9: {  	[dreg:$0x3] =	wrdreg s5  }
0xaa: {  	[dreg:$0x4] =	wrdreg $0xC0  }
0xab: {  	_ =	task [dreg:s7], $0x5FFFF  }
0xac: {  	[dreg:$0x1] =	wrdreg $0xFFFFFFFF  }
0xad: {  	[dreg:$0x0] =	wrdreg $0x60  }
0xae: {  	[dreg:$0x2] =	wrdreg s24  }
0xaf: {  	[dreg:$0x3] =	wrdreg s2  }
0xb0: {  	[dreg:$0x4] =	wrdreg $0x9800  }
0xb1: {  	[dreg:$0x5] =	wrdreg $0x9A00  }
0xb2: {  	[dreg:$0x6] =	wrdreg $0x9  }
0xb3: {  	_ =	task.clear_ibuf [dreg:s7], $0x7FFFF;
	_ =	strace $0x90000046  }
0xb4: {  	s29 =	simm.s32 $0x9;
	_ =	strace $0x80000048  }
0xb5: {  	_ =	swait.ge [sflag:s29], $0x1  }
0xb6: {  	[sflag:s29] =	ssyncadd.s32 $0xFFFFFFFF  }
0xb7: {  	_ =	strace $0x90000048  }
0xb8: {  	_ =	sfence  }
0xb9: {  	s30 =	sld [smem:$0x0];
	_ =	sdelay $0x2  }
0xba: {  	s31 =	sshll.u32 s1, $0xD;
	s1 =	sshrl.u32 s1, $0x2  }
0xbb: {  	s3 =	sand.u32 $0x4000, s31;
	s1 =	sadd.s32 s1, s30  }
0xbc: {  	s0 =	sor.u32 s3, s0;
	s1 =	sshll.u32 s1, $0x11  }
0xbd: {  	s0 =	sor.u32 s1, s0  }
0xbe: {  	s0 =	sadd.s32 $0x8F2B, s0  }
0xbf: {  	[sflag:s0] =	ssyncadd.remote.s32 $0x1  }
0xc0: {  	_ =	sfence.sel $0xFFFF  }
0xc1: {  	[dreg:$0x0] =	wrdreg $0xFFFFFFFF;
	(pc) =	sbr.abs _section_cstart, $3  }
0xc2: {  	[dreg:$0x1] =	wrdreg $0xFFFFFFFF  }
0xc3: {  	_ =	task.clear_ibuf [dreg:s7], $0x2FFFF;
	_ =	strace $0x9FFFFFFF  }
0xc4: {  	(tm) =	ssettm $0x7FFFFFFF  }
0xc5: {  	_ =	shalt  }
tec
execute0_lowered:
.L_overlay_start_1:
0x0: {  	(tag) =	ssettag $0x1  }
0x1: {  	s4 =	rddreg [dreg:$0x0]  }
0x2: {  	s12 =	rddreg [dreg:$0x1]  }
0x3: {  	s0 =	rddreg [dreg:$0x2]  }
0x4: {  	s3 =	srdreg.scid;
	s2 =	simm.s32 $0x0;
	[dreg:$0x7] =	wrdreg s0  }
0x5: {  	s25 =	stileid.u32;
	s0 =	rddreg [dreg:$0x3];
	s11 =	sand.u32 $0x1, s3  }
0x6: {  	[smem:$0x7FF] =	sst s2;
	s3 =	sshll.u32 s25, $0x8;
	s10 =	sadd.s32 $0x200, s4  }
0x7: {  	p0 =	sne.s32 s25, $0x0;
	s5 =	sshll.u32 s11, $0xC;
	_ =	strace $0x80000047  }
0x8: {  	s6 =	ssub.s32 $0x2, s11;
	s8 =	smul.u32 $0x3000, s11;
	s31 =	sor.u32 $0x10, s3  }
0x9: {  	s1 =	sor.u32 $0x20, s3;
	s16 =	sor.u32 $0x30, s3;
	s17 =	sor.u32 $0x40, s3  }
0xa: {  	s18 =	sor.u32 $0x50, s3;
	s19 =	sor.u32 $0x60, s3;
	s20 =	sor.u32 $0x70, s3  }
0xb: {  	v0 =	vlaneseq.u32;
	s21 =	sor.u32 $0x80, s3;
	s22 =	sor.u32 $0x90, s3;
	s23 =	sor.u32 $0xA0, s3  }
0xc: {  	s5 =	sor.u32 s3, s5;
	s7 =	sshrl.u32 s6, $0x1;
	v1 =	vor.u32 s31, v0;
	s31 =	sshll.u32 s25, $0x6  }
0xd: {  	v3 =	vor.u32 s16, v0;
	v4 =	vor.u32 s17, v0;
	v5 =	vor.u32 s18, v0;
	s17 =	sshll.u32 s11, $0x6;
	s18 =	sshll.u32 s25, $0x5;
	s16 =	simm.s32 $0x1  }
0xe: {  	v6 =	vor.u32 s19, v0;
	v8 =	vor.u32 s20, v0;
	v9 =	vor.u32 s21, v0;
	s19 =	simm.s32 $0x488;
	s20 =	simm.s32 $0x890;
	s21 =	simm.s32 $0x880  }
0xf: {  	v11 =	vor.u32 s23, v0;
	s23 =	simm.s32 $0x700;
	s25 =	simm.s32 $0x900;
	s5 =	sshrl.u32 s5, $0x3  }
0x10: {  	s13 =	ssub.s32 s6, s7;
	s24 =	sor.u32 s3, s8;
	s14 =	sadd.s32 $0x1000, s8  }
0x11: {  	s15 =	sadd.s32 $0x2000, s8;
	s8 =	sshrl.u32 s8, $0x3;
	s11 =	sadd.s32 s18, s0  }
0x12: {  	v10 =	vor.u32 s22, v0;
	s12 =	sadd.s32 s12, s17;
	s17 =	simm.s32 $0x188;
	s22 =	sshrl.u32 s31, $0x2  }
0x13: {  	s9 =	sadd.s32 s5, s4;
	s4 =	sshrl.u32 s24, $0x3;
	s26 =	sor.u32 s3, s14  }
0x14: {  	s28 =	sor.u32 s3, s15;
	s29 =	sshrl.u32 s14, $0x3;
	s30 =	sshrl.u32 s15, $0x3  }
0x15: {  	s8 =	sadd.s32 s10, s8;
	s24 =	sor.u32 $0xB0, s3;
	s13 =	smax.u32 s13, $0x1  }
0x16: {  	s14 =	sxor.u32 $0xFFFFFFF1, s18;
	s15 =	simm.s32 $0x8;
	s18 =	simm.s32 $0x308  }
0x17: {  	v17 =	vimm.f32 $1.000000000e+10;
	v18 =	vimm.s32 $0x10;
	s4 =	sadd.s32 s10, s4;
	s5 =	sshrl.u32 s26, $0x3;
	s6 =	sshrl.u32 s28, $0x3  }
0x18: {  	vm2 =	vcmask $0x318;
	vm3 =	vcmask $0xB18;
	vm7 =	vcmask $0xF18;
	s7 =	sadd.s32 $0xE00, s9;
	s9 =	sadd.s32 s10, s29;
	s26 =	sor.u32 $0xC0, s3  }
0x19: {  	vm6 =	vcmask $0x1318;
	v20 =	vmul.u32 $0x10, v0;
	v21 =	vor.u32 $0x80000000, v0;
	s28 =	sor.u32 $0xD0, s3;
	s5 =	sadd.s32 s10, s5;
	s6 =	sadd.s32 s10, s6  }
0x1a: {  	v7 =	vor.u32 s3, v0;
	v2 =	vor.u32 s1, v0;
	s10 =	sadd.s32 s10, s30;
	s30 =	sor.u32 $0xF0, s3;
	v14 =	vor.u32 s28, v0;
	s28 =	simm.s32 $0x180  }
0x1b: {  	v19 =	vor.u32 $0x1, v20;
	v20 =	vor.u32 $0x2, v20;
	s29 =	sor.u32 $0xE0, s3;
	v16 =	vor.u32 s30, v0;
	[dreg:$0x5] =	wrdreg s28;
	s30 =	simm.s32 $0x300  }
0x1c: {  	v12 =	vor.u32 s24, v0;
	s24 =	simm.s32 $0x780;
	v13 =	vor.u32 s26, v0;
	v15 =	vor.u32 s29, v0;
	s26 =	simm.s32 $0x0;
	[dreg:$0x6] =	wrdreg s30  }
.LBB2_1:
0x1d: {  	[tilespmem:s15], [sflag:$0x1] =	stream.linear.gather [hbm4b:s4+s2], $0x100, $0x38;
	[tilespmem:$0x9C0] =	vst v63  }
0x1e: {  	_ =	swait.ge [sflag:s16], $0x100  }
0x1f: {  	[sflag:s16] =	ssyncset.done $0x0  }
0x20: {  	[sflag:s16] =	ssyncadd.s32 $0xFFFFFF00  }
0x21: {  	[tilespmem:s17], [sflag:$0x1] =	stream.linear.gather [hbm4b:s5+s2], $0x100, $0x38;
	[tilespmem:$0x9C0] =	vst v63  }
0x22: {  	_ =	swait.ge [sflag:s16], $0x100  }
0x23: {  	[sflag:s16] =	ssyncset.done $0x0  }
0x24: {  	[sflag:s16] =	ssyncadd.s32 $0xFFFFFF00  }
0x25: {  	[tilespmem:s18], [sflag:$0x1] =	stream.linear.gather [hbm4b:s6+s2], $0x100, $0x38;
	[tilespmem:$0x9C0] =	vst v63  }
0x26: {  	_ =	swait.ge [sflag:s16], $0x100  }
0x27: {  	[sflag:s16] =	ssyncset.done $0x0  }
0x28: {  	[sflag:s16] =	ssyncadd.s32 $0xFFFFFF00  }
0x29: {  	[tilespmem:s19], [sflag:$0x1] =	stream.linear.gather [hbm4b:s7+s2], $0x100, $0x38;
	[tilespmem:$0x9C0] =	vst v63  }
0x2a: {  	_ =	swait.ge [sflag:s16], $0x100  }
0x2b: {  	[sflag:s16] =	ssyncset.done $0x0  }
0x2c: {  	[sflag:s16] =	ssyncadd.s32 $0xFFFFFF00  }
0x2d: {  	[tilespmem:$0x600] =	vst v17  }
0x2e: {  	[tilespmem:$0x610] =	vst v17  }
0x2f: {  	[tilespmem:$0x620] =	vst v17  }
0x30: {  	[tilespmem:$0x630] =	vst v17  }
0x31: {  	[tilespmem:$0x640] =	vst v17  }
0x32: {  	[tilespmem:$0x650] =	vst v17  }
0x33: {  	[tilespmem:$0x660] =	vst v17  }
0x34: {  	[tilespmem:$0x670] =	vst v17  }
0x35: {  	[tilespmem:$0x680] =	vst v17  }
0x36: {  	[tilespmem:$0x690] =	vst v17  }
0x37: {  	[tilespmem:$0x6A0] =	vst v17  }
0x38: {  	[tilespmem:$0x6B0] =	vst v17  }
0x39: {  	[tilespmem:$0x6C0] =	vst v17  }
0x3a: {  	[tilespmem:$0x6D0] =	vst v17  }
0x3b: {  	[tilespmem:$0x6E0] =	vst v17  }
0x3c: {  	[tilespmem:$0x6F0] =	vst v17  }
0x3d: {  	[tilespmem:s20], [sflag:$0x1] =	stream.linear.gather [hbm4b:s8+s2], $0x10, $0x38;
	[tilespmem:$0x9C0] =	vst v63  }
0x3e: {  	_ =	swait.ge [sflag:s16], $0x10  }
0x3f: {  	[sflag:s16] =	ssyncset.done $0x0  }
0x40: {  	[sflag:s16] =	ssyncadd.s32 $0xFFFFFFF0  }
0x41: {  	v26 =	vld.idx.msk [tilespmem:v18+s21+$0x0], $0xffff;
	[tilespmem:s20], [sflag:$0x1] =	stream.linear.gather [hbm4b:s9+s2], $0x10, $0x38  }
0x42: {  	_ =	swait.ge [sflag:s16], $0x10  }
0x43: {  	[sflag:s16] =	ssyncset.done $0x0  }
0x44: {  	[sflag:s16] =	ssyncadd.s32 $0xFFFFFFF0  }
0x45: {  	v27 =	vld.idx.msk [tilespmem:v18+s21+$0x0], $0xffff;
	[tilespmem:s20], [sflag:$0x1] =	stream.linear.gather [hbm4b:s10+s2], $0x10, $0x38  }
0x46: {  	_ =	swait.ge [sflag:s16], $0x10  }
0x47: {  	[sflag:s16] =	ssyncset.done $0x0  }
0x48: {  	[sflag:s16] =	ssyncadd.s32 $0xFFFFFFF0  }
0x49: {  	v22 =	vimm.s32 $0x0;
	s28 =	smov.u32 s14;
	s29 =	simm.s32 $0x0;
	v23 =	vimm.s32 $0x0;
	v28 =	vld.idx.msk [tilespmem:v18+s21+$0x0], $0xffff  }
.LBB2_2:
0x4a: {  	v24 =	vld [tilespmem:$0x8]  }
0x4b: {  	v25 =	vld [tilespmem:$0x188]  }
0x4c: {  	v29 =	vld [tilespmem:$0x308]  }
0x4d: {  	v30 =	vld [tilespmem:$0x600]  }
0x4e: {  	v31 =	vld [tilespmem:$0x488]  }
0x4f: {  	v32 =	vld [tilespmem:$0x18]  }
0x50: {  	v33 =	vld [tilespmem:$0x198]  }
0x51: {  	v34 =	vld [tilespmem:$0x318]  }
0x52: {  	v35 =	vld [tilespmem:$0x28]  }
0x53: {  	v36 =	vld [tilespmem:$0x498]  }
0x54: {  	v37 =	vld [tilespmem:$0x38]  }
0x55: {  	v40 =	vld [tilespmem:$0x48];
	v24 =	vsub.f32 v24, v26  }
0x56: {  	v51 =	vld [tilespmem:$0x1B8];
	v25 =	vsub.f32 v25, v27;
	v29 =	vsub.f32 v29, v28  }
0x57: {  	v52 =	vld [tilespmem:$0x338];
	v32 =	vsub.f32 v32, v26;
	v33 =	vsub.f32 v33, v27  }
0x58: {  	v43 =	vld [tilespmem:$0x1D8];
	v34 =	vsub.f32 v34, v28;
	v35 =	vsub.f32 v35, v26  }
0x59: {  	v53 =	vld [tilespmem:$0x1C8];
	v37 =	vsub.f32 v37, v26;
	v24 =	vand.u32 $0x7FFFFFFF, v24;
	v25 =	vand.u32 $0x7FFFFFFF, v25  }
0x5a: {  	v59 =	vld [tilespmem:$0x58];
	v48 =	vimm.s32 $0x0;
	v57 =	vsub.f32 v40, v26;
	v24 =	vadd.f32 v25, v24  }
0x5b: {  	v29 =	vand.u32 $0x7FFFFFFF, v29;
	v32 =	vand.u32 $0x7FFFFFFF, v32;
	v33 =	vand.u32 $0x7FFFFFFF, v33;
	v25 =	vld [tilespmem:$0x610]  }
0x5c: {  	v44 =	vimm.s32 $0x0;
	v32 =	vadd.f32 v33, v32;
	v24 =	vadd.f32 v29, v24;
	v29 =	vld [tilespmem:$0x1A8]  }
0x5d: {  	v50 =	vsub.f32 v43, v27;
	v34 =	vand.u32 $0x7FFFFFFF, v34;
	v33 =	vsub.f32 v51, v27;
	v51 =	vld [tilespmem:$0x68]  }
0x5e: {  	v32 =	vadd.f32 v34, v32;
	v34 =	vsub.f32 v52, v28;
	v24 =	vmin.f32 v30, v24;
	v30 =	vld [tilespmem:$0x328]  }
0x5f: {  	v45 =	vld [tilespmem:$0x78];
	v35 =	vand.u32 $0x7FFFFFFF, v35;
	v37 =	vand.u32 $0x7FFFFFFF, v37;
	v33 =	vand.u32 $0x7FFFFFFF, v33  }
0x60: {  	v40 =	vand.u32 $0x7FFFFFFF, v50;
	v33 =	vadd.f32 v33, v37;
	v34 =	vand.u32 $0x7FFFFFFF, v34  }
0x61: {  	v25 =	vmin.f32 v25, v32;
	v32 =	vsub.f32 v53, v27;
	v29 =	vsub.f32 v29, v27  }
0x62: {  	v31 =	vmul.f32 v24, v31;
	v33 =	vadd.f32 v34, v33;
	v34 =	vsub.f32 v59, v26  }
0x63: {  	v38 =	vld [tilespmem:$0x620];
	v59 =	vsub.f32 v51, v26;
	v29 =	vand.u32 $0x7FFFFFFF, v29;
	v30 =	vsub.f32 v30, v28  }
0x64: {  	v63 =	vld [tilespmem:$0x358];
	v51 =	vsub.f32 v45, v26;
	v36 =	vmul.f32 v25, v36;
	v29 =	vadd.f32 v29, v35  }
0x65: {  	v54 =	vld [tilespmem:$0x4A8];
	v39 =	vshra.s32 v31, $0x1F;
	v32 =	vand.u32 $0x7FFFFFFF, v32;
	v30 =	vand.u32 $0x7FFFFFFF, v30  }
0x66: {  	v34 =	vand.u32 $0x7FFFFFFF, v34;
	v41 =	vshra.s32 v36, $0x1F;
	v29 =	vadd.f32 v30, v29;
	v30 =	vld [tilespmem:$0x348]  }
0x67: {  	v55 =	vld [tilespmem:$0x630];
	v39 =	vand.u32 $0x7FFFFFFF, v39;
	v34 =	vadd.f32 v40, v34;
	v41 =	vand.u32 $0x7FFFFFFF, v41  }
0x68: {  	v56 =	vld [tilespmem:$0x4B8];
	v40 =	vand.u32 $0x7FFFFFFF, v51;
	v31 =	vxor.u32 v31, v39;
	v36 =	vxor.u32 v36, v41  }
0x69: {  	v58 =	vld [tilespmem:$0x640];
	v41 =	vsub.f32 v63, v28;
	vm0 =	vgt.s32 v36, v31;
	v29 =	vmin.f32 v38, v29  }
0x6a: {  	v52 =	vld [tilespmem:$0x1E8];
	v36 =	vsel vm0, v36, v31;
	v38 =	vand.u32 $0x7FFFFFFF, v57;
	v35 =	vmul.f32 v29, v54  }
0x6b: {  	v60 =	vld [tilespmem:$0x4C8];
	v57 =	vand.u32 $0x7FFFFFFF, v41;
	v32 =	vadd.f32 v32, v38;
	v42 =	vsub.f32 v30, v28  }
0x6c: {  	v54 =	vld [tilespmem:$0x1F8];
	v34 =	vadd.f32 v57, v34;
	v30 =	vmin.f32 v55, v33;
	v61 =	vshra.s32 v35, $0x1F  }
0x6d: {  	v46 =	vld [tilespmem:$0x670];
	v55 =	vimm.s32 $0x0;
	v37 =	vmul.f32 v30, v56;
	v62 =	vand.u32 $0x7FFFFFFF, v42  }
0x6e: {  	v50 =	vld [tilespmem:$0x4E8];
	v38 =	vand.u32 $0x7FFFFFFF, v61;
	v42 =	vsel vm0, $0xFFFFFFFF, v48;
	v32 =	vadd.f32 v62, v32  }
0x6f: {  	v35 =	vxor.u32 v35, v38;
	v49 =	vshra.s32 v37, $0x1F;
	v62 =	vsub.f32 v52, v27;
	v52 =	vld [tilespmem:$0x88]  }
0x70: {  	vm0 =	vgt.s32 v35, v36;
	v38 =	vand.u32 $0x7FFFFFFF, v49;
	v32 =	vmin.f32 v58, v32;
	v58 =	vld [tilespmem:$0x368]  }
0x71: {  	v35 =	vsel vm0, v35, v36;
	v53 =	vxor.u32 v37, v38;
	v37 =	vsub.f32 v54, v27;
	v54 =	vld [tilespmem:$0x208]  }
0x72: {  	v44 =	vsel vm0, $0xFFFFFFFF, v44;
	v33 =	vmul.f32 v32, v60;
	vm0 =	vgt.s32 v53, v35;
	v60 =	vld [tilespmem:$0x378]  }
0x73: {  	v48 =	vimm.s32 $0x0;
	v49 =	vand.u32 $0x7FFFFFFF, v59;
	v38 =	vsel vm0, $0xFFFFFFFF, v55;
	v55 =	vld [tilespmem:$0x388]  }
0x74: {  	v39 =	vld [tilespmem:$0x650];
	[tilespmem:$0x1FFC0] =	vst v42;
	v35 =	vsel vm0, v53, v35;
	v37 =	vand.u32 $0x7FFFFFFF, v37;
	v56 =	vshra.s32 v33, $0x1F  }
0x75: {  	v42 =	vld [tilespmem:$0x4D8];
	[tilespmem:$0x1FFE0] =	vst v38;
	v37 =	vadd.f32 v37, v40;
	v59 =	vsub.f32 v52, v26;
	v38 =	vand.u32 $0x7FFFFFFF, v56  }
0x76: {  	v63 =	vld [tilespmem:$0x660];
	v61 =	vxor.u32 v33, v38;
	v38 =	vand.u32 $0x7FFFFFFF, v62;
	v53 =	vsub.f32 v58, v28  }
0x77: {  	v62 =	vld [tilespmem:$0x98];
	vm0 =	vgt.s32 v61, v35;
	v43 =	vsub.f32 v60, v28;
	v60 =	vsub.f32 v54, v27  }
0x78: {  	v57 =	vld [tilespmem:$0x4F8];
	v33 =	vsel vm0, $0xFFFFFFFF, v48;
	v36 =	vsel vm0, v61, v35;
	v40 =	vsub.f32 v55, v28  }
0x79: {  	v55 =	vld [tilespmem:$0x398];
	[tilespmem:$0x1FFF0] =	vst v33;
	v33 =	vmin.f32 v39, v34;
	v34 =	vadd.f32 v38, v49;
	v56 =	vand.u32 $0x7FFFFFFF, v43  }
0x7a: {  	v48 =	vld [tilespmem:$0x228];
	v38 =	vand.u32 $0x7FFFFFFF, v53;
	v42 =	vmul.f32 v33, v42;
	v58 =	vadd.f32 v56, v37  }
0x7b: {  	v37 =	vand.u32 $0x7FFFFFFF, v59;
	v40 =	vand.u32 $0x7FFFFFFF, v40;
	v34 =	vadd.f32 v38, v34  }
0x7c: {  	v61 =	vld [tilespmem:$0x680];
	v38 =	vand.u32 $0x7FFFFFFF, v60;
	v59 =	vsub.f32 v62, v26;
	v47 =	vshra.s32 v42, $0x1F  }
0x7d: {  	v53 =	vld [tilespmem:$0x508];
	v35 =	vmin.f32 v46, v58;
	v37 =	vadd.f32 v38, v37;
	v47 =	vand.u32 $0x7FFFFFFF, v47  }
0x7e: {  	v34 =	vmin.f32 v63, v34;
	v63 =	vld [tilespmem:$0x218];
	v43 =	vmul.f32 v35, v57;
	v51 =	vsub.f32 v55, v28  }
0x7f: {  	v57 =	vld [tilespmem:$0xA8];
	v48 =	vsub.f32 v48, v27;
	v42 =	vxor.u32 v42, v47;
	v39 =	vmul.f32 v34, v50  }
0x80: {  	v37 =	vadd.f32 v40, v37;
	vm8 =	vgt.s32 v42, v36;
	v56 =	vshra.s32 v43, $0x1F  }
0x81: {  	v49 =	vld [tilespmem:$0x518];
	v45 =	vand.u32 $0x7FFFFFFF, v51;
	v52 =	vshra.s32 v39, $0x1F;
	v42 =	vsel vm8, v42, v36  }
0x82: {  	v58 =	vand.u32 $0x7FFFFFFF, v56;
	v36 =	vmin.f32 v61, v37;
	v61 =	vld [tilespmem:$0x690];
	v37 =	vand.u32 $0x7FFFFFFF, v59  }
0x83: {  	v54 =	vand.u32 $0x7FFFFFFF, v52;
	v62 =	vxor.u32 v43, v58;
	v60 =	vsub.f32 v63, v27;
	v63 =	vld [tilespmem:$0x3A8]  }
0x84: {  	v38 =	vmul.f32 v36, v53;
	v39 =	vxor.u32 v39, v54;
	v54 =	vld [tilespmem:$0x238];
	v40 =	vsub.f32 v57, v26  }
0x85: {  	v56 =	vld [tilespmem:$0x3B8];
	v57 =	vand.u32 $0x7FFFFFFF, v48;
	vm9 =	vgt.s32 v39, v42;
	v41 =	vand.u32 $0x7FFFFFFF, v60  }
0x86: {  	v52 =	vld [tilespmem:$0xB8];
	v53 =	vshra.s32 v38, $0x1F;
	v39 =	vsel vm9, v39, v42;
	v37 =	vadd.f32 v41, v37  }
0x87: {  	v58 =	vld [tilespmem:$0x6A0];
	v55 =	vand.u32 $0x7FFFFFFF, v53;
	v40 =	vand.u32 $0x7FFFFFFF, v40;
	vm10 =	vgt.s32 v62, v39  }
0x88: {  	v53 =	vld [tilespmem:$0xC8];
	v42 =	vxor.u32 v38, v55;
	v39 =	vsel vm10, v62, v39;
	v37 =	vadd.f32 v45, v37  }
0x89: {  	v43 =	vsub.f32 v63, v28;
	v41 =	vsub.f32 v54, v27;
	vm11 =	vgt.s32 v42, v39;
	v54 =	vld [tilespmem:$0x248]  }
0x8a: {  	v59 =	vadd.f32 v57, v40;
	v45 =	vsub.f32 v56, v28;
	v56 =	vld [tilespmem:$0x3C8];
	v39 =	vsel vm11, v42, v39  }
0x8b: {  	v60 =	vld [tilespmem:$0x528];
	v37 =	vmin.f32 v61, v37;
	v43 =	vand.u32 $0x7FFFFFFF, v43;
	v61 =	vsub.f32 v52, v26  }
0x8c: {  	v51 =	vld [tilespmem:$0xE8];
	v41 =	vand.u32 $0x7FFFFFFF, v41;
	v63 =	vmul.f32 v37, v49;
	v38 =	vadd.f32 v43, v59  }
0x8d: {  	[tilespmem:$0x1FFD0] =	vst v44;
	v62 =	vld [tilespmem:$0x6B0];
	v45 =	vand.u32 $0x7FFFFFFF, v45;
	v44 =	vand.u32 $0x7FFFFFFF, v61;
	v61 =	vsub.f32 v53, v26  }
0x8e: {  	v52 =	vld [tilespmem:$0x538];
	v50 =	vshra.s32 v63, $0x1F;
	v38 =	vmin.f32 v58, v38;
	v41 =	vadd.f32 v41, v44  }
0x8f: {  	v58 =	vld [tilespmem:$0xD8];
	v44 =	vsub.f32 v54, v27;
	v56 =	vsub.f32 v56, v28;
	v55 =	vand.u32 $0x7FFFFFFF, v50  }
0x90: {  	v40 =	vmul.f32 v38, v60;
	v60 =	vld [tilespmem:$0x258];
	v57 =	vxor.u32 v63, v55;
	v41 =	vadd.f32 v45, v41  }
0x91: {  	v53 =	vld [tilespmem:$0xF8];
	v46 =	vand.u32 $0x7FFFFFFF, v61;
	v44 =	vand.u32 $0x7FFFFFFF, v44;
	vm12 =	vgt.s32 v57, v39  }
0x92: {  	v59 =	vshra.s32 v40, $0x1F;
	v42 =	vsel vm12, v57, v39;
	v39 =	vmin.f32 v62, v41;
	v62 =	vld [tilespmem:$0x3D8]  }
0x93: {  	v44 =	vadd.f32 v44, v46;
	v47 =	vand.u32 $0x7FFFFFFF, v59;
	v57 =	vld [tilespmem:$0x3E8];
	v43 =	vmul.f32 v39, v52  }
0x94: {  	v59 =	vld [tilespmem:$0x278];
	v40 =	vxor.u32 v40, v47;
	v45 =	vsub.f32 v58, v26;
	v58 =	vand.u32 $0x7FFFFFFF, v56  }
0x95: {  	v52 =	vld [tilespmem:$0x268];
	vm13 =	vgt.s32 v40, v42;
	v48 =	vsub.f32 v60, v27;
	v63 =	vshra.s32 v43, $0x1F  }
0x96: {  	v41 =	vld [tilespmem:$0x6C0];
	v40 =	vsel vm13, v40, v42;
	v45 =	vand.u32 $0x7FFFFFFF, v45;
	v42 =	vand.u32 $0x7FFFFFFF, v63  }
0x97: {  	v48 =	vand.u32 $0x7FFFFFFF, v48;
	v63 =	vsub.f32 v51, v26;
	v26 =	vsub.f32 v53, v26  }
0x98: {  	v60 =	vld [tilespmem:$0x548];
	v47 =	vsub.f32 v62, v28;
	v42 =	vxor.u32 v43, v42;
	v45 =	vadd.f32 v48, v45  }
0x99: {  	v43 =	vadd.f32 v58, v44;
	v62 =	vld [tilespmem:$0x3F8];
	v55 =	vsub.f32 v57, v28;
	vm14 =	vgt.s32 v42, v40  }
0x9a: {  	v49 =	vld [tilespmem:$0x6D0];
	v52 =	vsub.f32 v52, v27;
	v27 =	vsub.f32 v59, v27;
	v26 =	vand.u32 $0x7FFFFFFF, v26  }
0x9b: {  	v54 =	vld [tilespmem:$0x558];
	v47 =	vand.u32 $0x7FFFFFFF, v47;
	v40 =	vsel vm14, v42, v40;
	v41 =	vmin.f32 v41, v43  }
0x9c: {  	v56 =	vld [tilespmem:$0x6E0];
	v43 =	vand.u32 $0x7FFFFFFF, v63;
	v61 =	vadd.f32 v47, v45;
	v47 =	vand.u32 $0x7FFFFFFF, v52  }
0x9d: {  	v58 =	vld [tilespmem:$0x568];
	v44 =	vmul.f32 v41, v60;
	v27 =	vand.u32 $0x7FFFFFFF, v27;
	v43 =	vadd.f32 v47, v43  }
0x9e: {  	v59 =	vld [tilespmem:$0x6F0];
	v57 =	vand.u32 $0x7FFFFFFF, v55;
	v26 =	vadd.f32 v27, v26;
	v28 =	vsub.f32 v62, v28  }
0x9f: {  	v27 =	vld [tilespmem:$0x578];
	v42 =	vmin.f32 v49, v61;
	v60 =	vshra.s32 v44, $0x1F;
	v43 =	vadd.f32 v57, v43  }
0xa0: {  	v47 =	vand.u32 $0x7FFFFFFF, v60;
	v48 =	vmul.f32 v42, v54;
	v28 =	vand.u32 $0x7FFFFFFF, v28  }
0xa1: {  	v44 =	vxor.u32 v44, v47;
	v43 =	vmin.f32 v56, v43;
	v26 =	vadd.f32 v28, v26  }
0xa2: {  	vm15 =	vgt.s32 v44, v40;
	v28 =	vshra.s32 v48, $0x1F;
	v46 =	vmul.f32 v43, v58  }
0xa3: {  	v40 =	vsel vm15, v44, v40;
	v28 =	vand.u32 $0x7FFFFFFF, v28;
	v26 =	vmin.f32 v59, v26  }
0xa4: {  	v28 =	vxor.u32 v48, v28;
	v61 =	vshra.s32 v46, $0x1F;
	v27 =	vmul.f32 v26, v27  }
0xa5: {  	vm4 =	vgt.s32 v28, v40;
	v44 =	vand.u32 $0x7FFFFFFF, v61  }
0xa6: {  	v28 =	vsel vm4, v28, v40;
	v62 =	vxor.u32 v46, v44;
	v63 =	vshra.s32 v27, $0x1F  }
0xa7: {  	vm1 =	vgt.s32 v62, v28;
	v44 =	vand.u32 $0x7FFFFFFF, v63  }
0xa8: {  	v28 =	vsel vm1, v62, v28;
	v27 =	vxor.u32 v27, v44  }
0xa9: {  	vm5 =	vmmov vm2;
	vm2 =	vgt.s32 v27, v28  }
0xaa: {  	v27 =	vsel vm2, v27, v28  }
0xab: {  	v28 =	vxor.u32 $0x80000000, v27  }
0xac: {  	(xrf0) =	vmax.scan.msk.u32 $0xffff, v28;
	_ =	sdelay $0x2  }
0xad: {  	vm0 =	vmmov vm3;
	vm3 =	veq.s32 v31, $0x80000000;
	v31 =	vld [tilespmem:$0x1FFC0];
	_ =	sdelay $0x2  }
0xae: {  	v28, _, _ =	vpop (xrf0)  }
0xaf: {  	(v2sf) =	vpush v28, $0xF  }
0xb0: {  	v28 =	vsel vm3, $0x0, v7;
	vm3 =	vmmov vm0;
	vm0 =	vnez.u8 v31;
	v31 =	vld [tilespmem:$0x1FFD0];
	_ =	sdelay $0x4  }
0xb1: {  	v28 =	vsel vm0, v1, v28;
	vm0 =	vnez.u8 v31;
	v31 =	vld [tilespmem:$0x1FFE0];
	_ =	sdelay $0x4  }
0xb2: {  	v28 =	vsel vm0, v2, v28;
	vm0 =	vnez.u8 v31;
	v31 =	vld [tilespmem:$0x1FFF0];
	_ =	sdelay $0x4  }
0xb3: {  	v28 =	vsel vm0, v3, v28;
	vm0 =	vnez.u8 v31  }
0xb4: {  	v28 =	vsel vm0, v4, v28  }
0xb5: {  	v28 =	vsel vm8, v5, v28  }
0xb6: {  	v28 =	vsel vm9, v6, v28  }
0xb7: {  	v28 =	vsel vm10, v8, v28  }
0xb8: {  	v28 =	vsel vm11, v9, v28  }
0xb9: {  	v28 =	vsel vm12, v10, v28  }
0xba: {  	v28 =	vsel vm13, v11, v28  }
0xbb: {  	v28 =	vsel vm14, v12, v28  }
0xbc: {  	v28 =	vsel vm15, v13, v28  }
0xbd: {  	v28 =	vsel vm4, v14, v28  }
0xbe: {  	s30 =	spop (v2sf);
	v28 =	vsel vm1, v15, v28  }
0xbf: {  	s30 =	sxor.u32 $0x80000000, s30;
	v28 =	vsel vm2, v16, v28  }
0xc0: {  	vm0 =	veq.s32 v27, s30;
	v27 =	vxor.u32 $0x80000000, v28  }
0xc1: {  	v27 =	vnsel vm0, $0x80001000, v27  }
0xc2: {  	(xrf0) =	vmin.scan.msk.u32 $0xffff, v27;
	_ =	sdelay $0x5  }
0xc3: {  	v27, _, _ =	vpop (xrf0)  }
0xc4: {  	(v2sf) =	vpush v27, $0xF;
	_ =	sdelay $0x7  }
0xc5: {  	[tilespmem:$0x600] =	vst v24  }
0xc6: {  	[tilespmem:$0x610] =	vst v25  }
0xc7: {  	[tilespmem:$0x620] =	vst v29  }
0xc8: {  	[tilespmem:$0x630] =	vst v30  }
0xc9: {  	[tilespmem:$0x640] =	vst v32  }
0xca: {  	[tilespmem:$0x650] =	vst v33  }
0xcb: {  	[tilespmem:$0x670] =	vst v35  }
0xcc: {  	[tilespmem:$0x660] =	vst v34;
	s31 =	spop (v2sf)  }
0xcd: {  	[tilespmem:$0x680] =	vst v36;
	s31 =	sxor.u32 $0x80000000, s31  }
0xce: {  	[tilespmem:$0x690] =	vst v37;
	s0 =	ssub.s32 s31, s3  }
0xcf: {  	[tilespmem:$0x6A0] =	vst v38;
	s0 =	sadd.s32 $0x8, s0  }
0xd0: {  	[tilespmem:$0x6B0] =	vst v39;
	v24 =	vmov s0  }
0xd1: {  	[tilespmem:$0x6C0] =	vst v41  }
0xd2: {  	[tilespmem:$0x6D0] =	vst v42  }
0xd3: {  	[tilespmem:$0x6E0] =	vst v43  }
0xd4: {  	[tilespmem:$0x6F0] =	vst v26  }
0xd5: {  	s0 =	rddreg [dreg:$0x5];
	v25 =	vld.idx.msk [tilespmem:v24+s2+$0x0], $0xffff  }
0xd6: {  	s1 =	rddreg [dreg:$0x6];
	v26 =	vld.idx.msk [tilespmem:v24+s0+$0x0], $0xffff  }
0xd7: {  	v27 =	vmov s30;
	v24 =	vld.idx.msk [tilespmem:v24+s1+$0x0], $0xffff;
	s1 =	scvt.s32.f32 s31  }
0xd8: {  	vm0 =	veq.s32 v0, $0x2;
	v27 =	vsel vm5, $0x0, v27  }
0xd9: {  	v27 =	vsel vm0, s1, v27  }
0xda: {  	v25 =	vsel vm3, v27, v25  }
0xdb: {  	s30 =	rddreg [dreg:$0x7];
	s31 =	sand.u32 $0x100, s29;
	v25 =	vsel vm7, v25, v26  }
0xdc: {  	s0 =	sadd.s32 s31, s30;
	v24 =	vsel vm6, v25, v24  }
0xdd: {  	s1 =	sadd.s32 s22, s0;
	[tilespmem:$0x700] =	vst v24  }
0xde: {  	[spmem:s1] =	stream.linear.scatter [tilespmem:s23], [sflag:$0x1], $0x10, $0x38;
	[tilespmem:$0x9C0] =	vst v63  }
0xdf: {  	_ =	swait.ge [sflag:s16], $0x10  }
0xe0: {  	[sflag:s16] =	ssyncset.done $0x0  }
0xe1: {  	[sflag:s16] =	ssyncadd.s32 $0xFFFFFFF0  }
0xe2: {  	[bflag:$0x0] =	sbarrier.arrive $0xFFFF  }
0xe3: {  	[tilespmem:s24], [sflag:$0x1] =	stream.linear.gather [spmem:s0], $0x100, $0x38;
	[tilespmem:$0x9C0] =	vst v63  }
0xe4: {  	_ =	swait.ge [sflag:s16], $0x100  }
0xe5: {  	[sflag:s16] =	ssyncset.done $0x0  }
0xe6: {  	[sflag:s16] =	ssyncadd.s32 $0xFFFFFF00  }
0xe7: {  	v24 =	vld.idx.msk [tilespmem:v19+s24+$0x0], $0xffff;
	_ =	sdelay $0x4  }
0xe8: {  	v25 =	vxor.u32 $0x80000000, v24  }
0xe9: {  	(xrf0) =	vmax.scan.msk.u32 $0xffff, v25;
	_ =	sdelay $0x5  }
0xea: {  	v25, _, _ =	vpop (xrf0)  }
0xeb: {  	(v2sf) =	vpush v25, $0xF;
	_ =	sdelay $0xd  }
0xec: {  	v25 =	vld.idx.msk [tilespmem:v20+s24+$0x0], $0xffff  }
0xed: {  	s1 =	spop (v2sf)  }
0xee: {  	s0 =	sxor.u32 $0x80000000, s1  }
0xef: {  	v26 =	vmov s0  }
0xf0: {  	vm0 =	veq.s32 v26, v24  }
0xf1: {  	v24 =	vnsel vm0, $0x45800000, v25  }
0xf2: {  	(xrf0) =	vmin.scan.msk.f32 $0xffff, v24;
	_ =	sdelay $0x5  }
0xf3: {  	v24, _, _ =	vpop (xrf0)  }
0xf4: {  	v26 =	vbroadcast v24, $0xF;
	_ =	sdelay $0x1  }
0xf5: {  	vm1 =	veq.f32 v25, v26  }
0xf6: {  	vm0 =	vmand vm0, vm1  }
0xf7: {  	v25 =	vnsel vm0, $0x80000010, v21  }
0xf8: {  	(xrf0) =	vmin.scan.msk.u32 $0xffff, v25;
	_ =	sdelay $0x5  }
0xf9: {  	(v2sf) =	vpush v24, $0xF;
	v24, _, _ =	vpop (xrf0)  }
0xfa: {  	(v2sf) =	vpush v24, $0xF;
	_ =	sdelay $0xd  }
0xfb: {  	s0 =	spop (v2sf)  }
0xfc: {  	s30 =	spop (v2sf)  }
0xfd: {  	s1 =	sshll.u32 s30, $0x4  }
0xfe: {  	s31 =	sor.u32 $0x3, s1  }
0xff: {  	v24 =	vmov s31;
	s31 =	sor.u32 $0x4, s1  }
0x100: {  	s1 =	sor.u32 $0x5, s1;
	v25 =	vmov s31  }
0x101: {  	p1 =	sne.s32 s29, $0x1FE00;
	v28 =	vmov s1  }
.Ltmp0:
0x102: {  	_ = 	snop;
	(pc) =	sbr.rel @p1 .LBB2_2-.Ltmp0, $4  }
0x103: {  	s31 =	sadd.s32 $0x10, s28  }
0x104: {  	v29 =	vmov s28;
	s0 =	scvt.f32.s32 s0;
	v26 =	vld.idx.msk [tilespmem:v24+s24+$0x0], $0xffff;
	v24 =	vmov s31  }
0x105: {  	vm1 =	veq.s32 v29, v0;
	v27 =	vld.idx.msk [tilespmem:v25+s24+$0x0], $0xffff;
	vm0 =	veq.s32 v24, v0  }
0x106: {  	vm2 =	vmmov vm5;
	s29 =	sadd.s32 $0x100, s29;
	v22 =	vsel vm1, s0, v22;
	s28 =	sadd.s32 $0x1, s28;
	v28 =	vld.idx.msk [tilespmem:v28+s24+$0x0], $0xffff;
	v23 =	vsel vm0, s0, v23  }
0x107: {  	[tilespmem:$0x900] =	vst v23  }
0x108: {  	[tilespmem:$0x910] =	vst v22  }
0x109: {  	[spmem:s11] =	stream.linear.scatter [tilespmem:s25], [sflag:$0x1], $0x20, $0x38;
	[tilespmem:$0x9C0] =	vst v63  }
0x10a: {  	_ =	swait.ge [sflag:s16], $0x20  }
0x10b: {  	[sflag:s16] =	ssyncset.done $0x0  }
0x10c: {  	[sflag:s16] =	ssyncadd.s32 $0xFFFFFFE0  }
0x10d: {  	[bflag:$0x0] =	sbarrier.arrive $0xFFFF  }
0x10e: {  	s26 =	sadd.s32 $0x1, s26;
	s0 =	rddreg [dreg:$0x3]  }
0x10f: {  	s1 =	simm.s32 @!p0 $0x1C01;
	p1 =	sne.s32 s26, s13;
	s0 =	sshrl.u32 @!p0 s0, $0x3  }
0x110: {  	[hbm:s12], [sflag:s1] =	dma.local @!p0 [spmem:s0], $0x40  }
.Ltmp1:
0x111: {  	_ = 	snop;
	(pc) =	sbr.rel @p1 .LBB2_1-.Ltmp1, $4  }
0x112: {  	s0 =	simm.s32 @!p0 $0x1  }
0x113: {  	_ =	swait.ge @!p0 [sflag:s0], $0x40  }
0x114: {  	[sflag:s0] =	ssyncset.done @!p0 $0x0  }
0x115: {  	[sflag:s0] =	ssyncadd.s32 @!p0 $0xFFFFFFC0  }
0x116: {  	_ =	sfence.sel $0x180000  }
0x117: {  	[bflag:$0x0] =	sbarrier.arrive $0xFFFF  }
0x118: {  	_ =	strace $0x90000047  }
0x119: {  	[bflag:$0x2] =	sbarrier.arrive $0xFFFF  }
0x11a: {  	s0 =	rddreg [dreg:$0x4]  }
0x11b: {  	s0 =	sadd.s32 @!p0 $0x100000, s0  }
0x11c: {  	[sflag:s0] =	ssyncadd.tile.s32 @!p0 $0x1;
	_ =	shalt  }
.Lfunc_end2:
_tile_overlayer_lowered:
.L_overlay_start_2:
0x11d: {  	(tag) =	ssettag $0x2  }
0x11e: {  	s0 =	rddreg [dreg:$0x0];
	s2 =	stileid.u32  }
0x11f: {  	s1 =	rddreg [dreg:$0x1];
	p0 =	sne.s32 s2, $0x0  }
0x120: {  	s3 =	rddreg [dreg:$0x2];
	[bflag:$0x3] =	sbarrier.arrive $0xFFFF;
	s2 =	simm.s32 @!p0 $0x1C01  }
0x121: {  	[timem:s3], [sflag:s2] =	dma.local @!p0 [hbm:s0], s1  }
0x122: {  	s0 =	simm.s32 @!p0 $0x1  }
0x123: {  	_ =	swait.ge @!p0 [sflag:s0], s1  }
0x124: {  	s1 =	ssub.s32 @!p0 $0x0, s1;
	[sflag:s0] =	ssyncset.done @!p0 $0x0  }
0x125: {  	[sflag:s0] =	ssyncadd.s32 @!p0 s1  }
0x126: {  	[bflag:$0x3] =	sbarrier.arrive $0xFFFF  }
0x127: {  	_ =	shalt  }

</sc_bundles>
